<compile_context>
chip_gen: v7x
topology: tpu7x:2x2x1
jax: 0.10.2.dev20260603
libtpu: 0.0.44.dev20260713+nightly
codegen_flags: <defaults>
</compile_context>

<pallas_src>
import functools

import jax
import jax.numpy as jnp
from jax import lax
from jax.experimental import pallas as pl
from jax.experimental.pallas import tpu as pltpu
from jax.experimental.pallas import tpu_sc as plsc

BATCH = 16384
LATENT = 32
HIDDEN = 128
NUM_ROWS = 1000000
VP = 131072
SBITS = 17
NS_GROUP = 8
RBLK = 4096
NBLK = VP // RBLK
MAXBLK = (NUM_ROWS - 1) // RBLK


def _repack_body(*refs):
    urefs, irefs = refs[:NS_GROUP], refs[NS_GROUP:2 * NS_GROUP]
    uout, iout = refs[2 * NS_GROUP], refs[2 * NS_GROUP + 1]
    k = NS_GROUP * LATENT
    frow = lax.broadcasted_iota(jnp.int32, (k, 128), 0)
    jcol = lax.broadcasted_iota(jnp.int32, (k, 128), 1)
    s = frow // LATENT
    f = frow % LATENT
    e_lo = ((f < 16) & (jcol == s * 16 + f)).astype(jnp.bfloat16)
    e_hi = ((f >= 16) & (jcol == s * 16 + f - 16)).astype(jnp.bfloat16)
    dnums = (((0,), (0,)), ((), ()))

    def pack(srefs):
        x = jnp.concatenate([r[...] for r in srefs],
                            axis=0).astype(jnp.bfloat16)
        lo = lax.dot_general(x, e_lo, dnums,
                             preferred_element_type=jnp.float32)
        hi = lax.dot_general(x, e_hi, dnums,
                             preferred_element_type=jnp.float32)
        lo_b = lax.bitcast_convert_type(lo, jnp.uint32)
        hi_b = lax.bitcast_convert_type(hi, jnp.uint32)
        pair = (hi_b & jnp.uint32(0xFFFF0000)) | (lo_b >> 16)
        return lax.bitcast_convert_type(pair, jnp.float32)

    uout[...] = pack(urefs)
    iout[...] = pack(irefs)


_REPACK = pl.pallas_call(
    _repack_body,
    grid=(NBLK,),
    in_specs=[pl.BlockSpec(
        (LATENT, RBLK),
        lambda i, s=s: (0, jnp.minimum(s * NBLK + i, MAXBLK)))
        for s in range(NS_GROUP)] * 2,
    out_specs=[pl.BlockSpec((RBLK, 128), lambda i: (i, 0))] * 2,
    out_shape=[jax.ShapeDtypeStruct((VP, 128), jnp.float32)] * 2,
)


def _build_gather():
    info = plsc.get_sparse_core_info()
    nc, ns = info.num_cores, info.num_subcores
    nw = nc * ns
    b_per_w = BATCH // nw
    n_chunks = b_per_w // 128
    mesh = plsc.VectorSubcoreMesh(core_axis_name="c", subcore_axis_name="s")

    @functools.partial(
        pl.kernel,
        mesh=mesh,
        compiler_params=pltpu.CompilerParams(use_tc_tiling_on_sc=True,
                                             needs_layout_passes=False),
        out_type=[
            jax.ShapeDtypeStruct((LATENT, BATCH), jnp.float32),
            jax.ShapeDtypeStruct((LATENT, BATCH), jnp.float32),
        ],
        scratch_types=[
            pltpu.VMEM((b_per_w,), jnp.int32),
            pltpu.VMEM((n_chunks, 128), jnp.int32),
            pltpu.VMEM((b_per_w, 128), jnp.float32),
            pltpu.VMEM((LATENT, b_per_w), jnp.float32),
            pltpu.SemaphoreType.DMA,
        ],
    )
    def gather(user_hbm, item_hbm, upk_hbm, ipk_hbm, ue_out, ie_out,
               idx_v, r_v, rows_v, stage_v, sem):
        wid = lax.axis_index("s") * nc + lax.axis_index("c")
        base = pl.multiple_of(wid * b_per_w, b_per_w)
        lanes = lax.iota(jnp.int32, 16)

        def one_table(idx_hbm, pk_hbm, out_hbm):
            pltpu.sync_copy(idx_hbm.at[pl.ds(base, b_per_w)], idx_v)
            for c in range(b_per_w // 16):
                rv = idx_v[pl.ds(c * 16, 16)] & (VP - 1)
                r_v[c // 8, pl.ds((c % 8) * 16, 16)] = rv
            copies = [
                pltpu.async_copy(pk_hbm.at[r_v.at[j]],
                                 rows_v.at[pl.ds(j * 128, 128)], sem)
                for j in range(n_chunks)
            ]
            for cp in copies:
                cp.wait()

            def body(jg, carry):
                j_vec = jg * 16 + lanes
                s_vec = lax.shift_right_logical(idx_v[pl.ds(jg * 16, 16)],
                                                SBITS)
                c_base = s_vec * 16
                for f2 in range(16):
                    vals = plsc.load_gather(rows_v, [j_vec, c_base + f2])
                    bits = lax.bitcast_convert_type(vals, jnp.uint32)
                    lo = lax.bitcast_convert_type(bits << 16, jnp.float32)
                    hi = lax.bitcast_convert_type(
                        bits & jnp.uint32(0xFFFF0000), jnp.float32)
                    stage_v[f2, pl.ds(jg * 16, 16)] = lo
                    stage_v[f2 + 16, pl.ds(jg * 16, 16)] = hi
                return carry

            lax.fori_loop(0, b_per_w // 16, body, None)
            pltpu.sync_copy(stage_v, out_hbm.at[:, pl.ds(base, b_per_w)])

        one_table(user_hbm, upk_hbm, ue_out)
        one_table(item_hbm, ipk_hbm, ie_out)

    return gather


_GATHER = _build_gather()


def _mlp_body(uet_ref, iet_ref, w1a_ref, w1b_ref, b1_ref, gamma_ref, beta_ref,
              w2_ref, b2_ref, out_ref):
    dnums = (((0,), (0,)), ((), ()))
    h = (lax.dot_general(uet_ref[...].astype(jnp.bfloat16),
                         w1a_ref[...].astype(jnp.bfloat16), dnums,
                         preferred_element_type=jnp.float32)
         + lax.dot_general(iet_ref[...].astype(jnp.bfloat16),
                           w1b_ref[...].astype(jnp.bfloat16), dnums,
                           preferred_element_type=jnp.float32)
         + b1_ref[...])
    mean = jnp.mean(h, axis=0, keepdims=True)
    var = jnp.mean((h - mean) ** 2, axis=0, keepdims=True)
    hn = (h - mean) * lax.rsqrt(var + 1e-5) * gamma_ref[...] + beta_ref[...]
    hr = jnp.maximum(hn, 0.0)
    logit = lax.dot_general(
        w2_ref[...], hr, (((0,), (1,)), ((), ())),
        preferred_element_type=jnp.float32) + b2_ref[...]
    out_ref[...] = jax.nn.sigmoid(logit)


_MLP = pl.pallas_call(
    _mlp_body,
    out_shape=jax.ShapeDtypeStruct((1, BATCH), jnp.float32),
)


def kernel(user, item, user_table, item_table, W1, b1, gamma, beta, W2, b2):
    ut, it = user_table.T, item_table.T
    upk, ipk = _REPACK(*([ut] * NS_GROUP), *([it] * NS_GROUP))
    uet, iet = _GATHER(user.astype(jnp.int32), item.astype(jnp.int32),
                       upk, ipk)
    out = _MLP(
        uet, iet,
        W1[:LATENT], W1[LATENT:],
        b1.reshape(1, HIDDEN), gamma.reshape(1, HIDDEN), beta.reshape(1, HIDDEN),
        W2, b2.reshape(1, 1),
    )
    return out.reshape(BATCH)

# --- scband reference (transcript-rebuilt; emitter-appended) ---
"""Pipeline reference for scband-neural-collaborative-filtering-3393024164470 (READ-ONLY COPY).

The authoritative reference and input builder live on the scoring server;
editing this copy changes nothing except your own understanding.
"""

import jax, jax.numpy as jnp
import numpy as np

NUM_USERS = 1000000
NUM_ITEMS = 1000000
LATENT_DIM = 32
HIDDEN_DIM = 128
BATCH = 16384

def setup_inputs(seed: int = 0) -> dict:
    key = jax.random.key(seed)
    ks = jax.random.split(key, 10)
    user = jax.random.randint(ks[0], (BATCH,), 0, NUM_USERS)
    item = jax.random.randint(ks[1], (BATCH,), 0, NUM_ITEMS)
    user_table = jax.random.normal(ks[2], (NUM_USERS, LATENT_DIM), dtype=jnp.float32)
    item_table = jax.random.normal(ks[3], (NUM_ITEMS, LATENT_DIM), dtype=jnp.float32)
    W1 = jax.random.normal(ks[4], (LATENT_DIM * 2, HIDDEN_DIM), dtype=jnp.float32) * 0.05
    b1 = jnp.zeros((HIDDEN_DIM,), dtype=jnp.float32)
    gamma = jnp.ones((HIDDEN_DIM,), dtype=jnp.float32)
    beta = jnp.zeros((HIDDEN_DIM,), dtype=jnp.float32)
    W2 = jax.random.normal(ks[5], (HIDDEN_DIM, 1), dtype=jnp.float32) * 0.05
    b2 = jnp.zeros((1,), dtype=jnp.float32)
    return {"user": user, "item": item, "user_table": user_table, "item_table": item_table,
            "W1": W1, "b1": b1, "gamma": gamma, "beta": beta, "W2": W2, "b2": b2}

def reference(user, item, user_table, item_table, W1, b1, gamma, beta, W2, b2):
    user_emb = jnp.take(user_table, user, axis=0)
    item_emb = jnp.take(item_table, item, axis=0)
    x = jnp.concatenate([user_emb, item_emb], axis=1)
    h = x @ W1 + b1
    # BatchNorm1d (training-mode forward: batch statistics, biased variance)
    mean = jnp.mean(h, axis=0)
    var = jnp.var(h, axis=0)
    h = (h - mean) / jnp.sqrt(var + 1e-5) * gamma + beta
    h = jax.nn.relu(h)
    # Dropout is identity in eval / deterministic reference
    out = jax.nn.sigmoid(h @ W2 + b2)
    return jnp.squeeze(out, axis=-1)

if __name__ == "__main__":
    import jax
    _d = setup_inputs()
    print(jax.jit(kernel)(*tuple(_d.values())))

</pallas_src>

<mosaic_0001>
#map = affine_map<(d0, d1) -> (0)>
#map1 = affine_map<(d0, d1) -> (0, 0)>
module attributes {stable_mosaic.version = 14 : i64} {
  func.func @gather(%arg0: i32, %arg1: i32, %arg2: memref<16384xi32, #tpu.memory_space<hbm>>, %arg3: memref<16384xi32, #tpu.memory_space<hbm>>, %arg4: memref<131072x128xf32, #tpu.memory_space<hbm>>, %arg5: memref<131072x128xf32, #tpu.memory_space<hbm>>, %arg6: memref<32x16384xf32, #tpu.memory_space<hbm>>, %arg7: memref<32x16384xf32, #tpu.memory_space<hbm>>, %arg8: memref<512xi32, #tpu.memory_space<vmem>>, %arg9: memref<4x128xi32, #tpu.memory_space<vmem>>, %arg10: memref<512x128xf32, #tpu.memory_space<vmem>>, %arg11: memref<32x512xf32, #tpu.memory_space<vmem>>, %arg12: memref<!tpu.dma_semaphore, #tpu.memory_space<semaphore_mem>>) attributes {dimension_semantics = [#tpu.dimension_semantics<core_parallel>, #tpu.dimension_semantics<subcore_parallel>], iteration_bounds = array<i64: 2, 16>, scalar_prefetch = 0 : i64, scratch_operands = 5 : i64, tpu.core_type = #tpu.core_type<sc_vector_subcore>, window_params = [{transform_indices = #map}, {transform_indices = #map}, {transform_indices = #map1}, {transform_indices = #map1}, {transform_indices = #map1}, {transform_indices = #map1}]} {
    %mul3A = arith.constant 2 : i32
    %mul3A_0 = arith.muli %arg1, %mul3A : i32
    %add3A = arith.addi %mul3A_0, %arg0 : i32
    %mul3A_1 = arith.constant 512 : i32
    %mul3A_2 = arith.muli %add3A, %mul3A_1 : i32
    %multiple_of3A = tpu.assume_multiple %mul3A_2, 512 : i32
    %iota3A = tpu.iota {dimensions = array<i32: 0>} : vector<16xi32>
    "tpu.region"() ({
      %run_scoped3A = tpu.sem_alloc : memref<!tpu.dma_semaphore, #tpu.memory_space<semaphore_mem>>
      %dma_start3A_743 = tpu.memref_slice %arg2[%multiple_of3A] : memref<16384xi32, #tpu.memory_space<hbm>> -> memref<512xi32, #tpu.memory_space<hbm>>
      %dma_start3A_744 = tpu.memref_slice %arg2[%multiple_of3A] : memref<16384xi32, #tpu.memory_space<hbm>> -> memref<512xi32, #tpu.memory_space<hbm>>
      tpu.enqueue_dma source(%dma_start3A_744 : memref<512xi32, #tpu.memory_space<hbm>>) target(%arg8 : memref<512xi32, #tpu.memory_space<vmem>>) target_semaphore(%run_scoped3A : memref<!tpu.dma_semaphore, #tpu.memory_space<semaphore_mem>>)
      %dma_wait3A_745 = tpu.memref_slice %arg2[%multiple_of3A] : memref<16384xi32, #tpu.memory_space<hbm>> -> memref<512xi32, #tpu.memory_space<hbm>>
      %dma_wait3A_746 = tpu.memref_slice %arg2[%multiple_of3A] : memref<16384xi32, #tpu.memory_space<hbm>> -> memref<512xi32, #tpu.memory_space<hbm>>
      tpu.wait_dma2 semaphore(%run_scoped3A : memref<!tpu.dma_semaphore, #tpu.memory_space<semaphore_mem>>) src(%dma_wait3A_746 : memref<512xi32, #tpu.memory_space<hbm>>) dst(%arg8 : memref<512xi32, #tpu.memory_space<vmem>>)
      tpu.yield
    }) : () -> ()
    %get3A = arith.constant 0 : index
    %get3A_3 = tpu.vector_load %arg8[%get3A] {strides = array<i32>} : memref<512xi32, #tpu.memory_space<vmem>>, vector<16xi32>,
    %and3A = arith.constant 131071 : i32
    %and3A_4 = vector.broadcast %and3A : i32 to vector<16xi32>
    %and3A_5 = arith.andi %get3A_3, %and3A_4 : vector<16xi32>
    %swap3A = arith.constant 0 : i32
    %swap3A_6 = arith.index_cast %swap3A : i32 to index
    %swap3A_7 = arith.constant 0 : index
    %swap3A_8 = tpu.vector_load %arg9[%swap3A_6, %swap3A_7] {strides = array<i32>} : memref<4x128xi32, #tpu.memory_space<vmem>>, vector<16xi32>,
    tpu.vector_store %arg9[%swap3A_6, %swap3A_7], %and3A_5 {strides = array<i32>} : memref<4x128xi32, #tpu.memory_space<vmem>>, vector<16xi32>,
    %get3A_9 = arith.constant 16 : index
    %get3A_10 = tpu.vector_load %arg8[%get3A_9] {strides = array<i32>} : memref<512xi32, #tpu.memory_space<vmem>>, vector<16xi32>,
    %and3A_11 = arith.constant 131071 : i32
    %and3A_12 = vector.broadcast %and3A_11 : i32 to vector<16xi32>
    %and3A_13 = arith.andi %get3A_10, %and3A_12 : vector<16xi32>
    %swap3A_14 = arith.constant 0 : i32
    %swap3A_15 = arith.index_cast %swap3A_14 : i32 to index
    %swap3A_16 = arith.constant 16 : index
    %swap3A_17 = tpu.vector_load %arg9[%swap3A_15, %swap3A_16] {strides = array<i32>} : memref<4x128xi32, #tpu.memory_space<vmem>>, vector<16xi32>,
    tpu.vector_store %arg9[%swap3A_15, %swap3A_16], %and3A_13 {strides = array<i32>} : memref<4x128xi32, #tpu.memory_space<vmem>>, vector<16xi32>,
    %get3A_18 = arith.constant 32 : index
    %get3A_19 = tpu.vector_load %arg8[%get3A_18] {strides = array<i32>} : memref<512xi32, #tpu.memory_space<vmem>>, vector<16xi32>,
    %and3A_20 = arith.constant 131071 : i32
    %and3A_21 = vector.broadcast %and3A_20 : i32 to vector<16xi32>
    %and3A_22 = arith.andi %get3A_19, %and3A_21 : vector<16xi32>
    %swap3A_23 = arith.constant 0 : i32
    %swap3A_24 = arith.index_cast %swap3A_23 : i32 to index
    %swap3A_25 = arith.constant 32 : index
    %swap3A_26 = tpu.vector_load %arg9[%swap3A_24, %swap3A_25] {strides = array<i32>} : memref<4x128xi32, #tpu.memory_space<vmem>>, vector<16xi32>,
    tpu.vector_store %arg9[%swap3A_24, %swap3A_25], %and3A_22 {strides = array<i32>} : memref<4x128xi32, #tpu.memory_space<vmem>>, vector<16xi32>,
    %get3A_27 = arith.constant 48 : index
    %get3A_28 = tpu.vector_load %arg8[%get3A_27] {strides = array<i32>} : memref<512xi32, #tpu.memory_space<vmem>>, vector<16xi32>,
    %and3A_29 = arith.constant 131071 : i32
    %and3A_30 = vector.broadcast %and3A_29 : i32 to vector<16xi32>
    %and3A_31 = arith.andi %get3A_28, %and3A_30 : vector<16xi32>
    %swap3A_32 = arith.constant 0 : i32
    %swap3A_33 = arith.index_cast %swap3A_32 : i32 to index
    %swap3A_34 = arith.constant 48 : index
    %swap3A_35 = tpu.vector_load %arg9[%swap3A_33, %swap3A_34] {strides = array<i32>} : memref<4x128xi32, #tpu.memory_space<vmem>>, vector<16xi32>,
    tpu.vector_store %arg9[%swap3A_33, %swap3A_34], %and3A_31 {strides = array<i32>} : memref<4x128xi32, #tpu.memory_space<vmem>>, vector<16xi32>,
    %get3A_36 = arith.constant 64 : index
    %get3A_37 = tpu.vector_load %arg8[%get3A_36] {strides = array<i32>} : memref<512xi32, #tpu.memory_space<vmem>>, vector<16xi32>,
    %and3A_38 = arith.constant 131071 : i32
    %and3A_39 = vector.broadcast %and3A_38 : i32 to vector<16xi32>
    %and3A_40 = arith.andi %get3A_37, %and3A_39 : vector<16xi32>
    %swap3A_41 = arith.constant 0 : i32
    %swap3A_42 = arith.index_cast %swap3A_41 : i32 to index
    %swap3A_43 = arith.constant 64 : index
    %swap3A_44 = tpu.vector_load %arg9[%swap3A_42, %swap3A_43] {strides = array<i32>} : memref<4x128xi32, #tpu.memory_space<vmem>>, vector<16xi32>,
    tpu.vector_store %arg9[%swap3A_42, %swap3A_43], %and3A_40 {strides = array<i32>} : memref<4x128xi32, #tpu.memory_space<vmem>>, vector<16xi32>,
    %get3A_45 = arith.constant 80 : index
    %get3A_46 = tpu.vector_load %arg8[%get3A_45] {strides = array<i32>} : memref<512xi32, #tpu.memory_space<vmem>>, vector<16xi32>,
    %and3A_47 = arith.constant 131071 : i32
    %and3A_48 = vector.broadcast %and3A_47 : i32 to vector<16xi32>
    %and3A_49 = arith.andi %get3A_46, %and3A_48 : vector<16xi32>
    %swap3A_50 = arith.constant 0 : i32
    %swap3A_51 = arith.index_cast %swap3A_50 : i32 to index
    %swap3A_52 = arith.constant 80 : index
    %swap3A_53 = tpu.vector_load %arg9[%swap3A_51, %swap3A_52] {strides = array<i32>} : memref<4x128xi32, #tpu.memory_space<vmem>>, vector<16xi32>,
    tpu.vector_store %arg9[%swap3A_51, %swap3A_52], %and3A_49 {strides = array<i32>} : memref<4x128xi32, #tpu.memory_space<vmem>>, vector<16xi32>,
    %get3A_54 = arith.constant 96 : index
    %get3A_55 = tpu.vector_load %arg8[%get3A_54] {strides = array<i32>} : memref<512xi32, #tpu.memory_space<vmem>>, vector<16xi32>,
    %and3A_56 = arith.constant 131071 : i32
    %and3A_57 = vector.broadcast %and3A_56 : i32 to vector<16xi32>
    %and3A_58 = arith.andi %get3A_55, %and3A_57 : vector<16xi32>
    %swap3A_59 = arith.constant 0 : i32
    %swap3A_60 = arith.index_cast %swap3A_59 : i32 to index
    %swap3A_61 = arith.constant 96 : index
    %swap3A_62 = tpu.vector_load %arg9[%swap3A_60, %swap3A_61] {strides = array<i32>} : memref<4x128xi32, #tpu.memory_space<vmem>>, vector<16xi32>,
    tpu.vector_store %arg9[%swap3A_60, %swap3A_61], %and3A_58 {strides = array<i32>} : memref<4x128xi32, #tpu.memory_space<vmem>>, vector<16xi32>,
    %get3A_63 = arith.constant 112 : index
    %get3A_64 = tpu.vector_load %arg8[%get3A_63] {strides = array<i32>} : memref<512xi32, #tpu.memory_space<vmem>>, vector<16xi32>,
    %and3A_65 = arith.constant 131071 : i32
    %and3A_66 = vector.broadcast %and3A_65 : i32 to vector<16xi32>
    %and3A_67 = arith.andi %get3A_64, %and3A_66 : vector<16xi32>
    %swap3A_68 = arith.constant 0 : i32
    %swap3A_69 = arith.index_cast %swap3A_68 : i32 to index
    %swap3A_70 = arith.constant 112 : index
    %swap3A_71 = tpu.vector_load %arg9[%swap3A_69, %swap3A_70] {strides = array<i32>} : memref<4x128xi32, #tpu.memory_space<vmem>>, vector<16xi32>,
    tpu.vector_store %arg9[%swap3A_69, %swap3A_70], %and3A_67 {strides = array<i32>} : memref<4x128xi32, #tpu.memory_space<vmem>>, vector<16xi32>,
    %get3A_72 = arith.constant 128 : index
    %get3A_73 = tpu.vector_load %arg8[%get3A_72] {strides = array<i32>} : memref<512xi32, #tpu.memory_space<vmem>>, vector<16xi32>,
    %and3A_74 = arith.constant 131071 : i32
    %and3A_75 = vector.broadcast %and3A_74 : i32 to vector<16xi32>
    %and3A_76 = arith.andi %get3A_73, %and3A_75 : vector<16xi32>
    %swap3A_77 = arith.constant 1 : i32
    %swap3A_78 = arith.index_cast %swap3A_77 : i32 to index
    %swap3A_79 = arith.constant 0 : index
    %swap3A_80 = tpu.vector_load %arg9[%swap3A_78, %swap3A_79] {strides = array<i32>} : memref<4x128xi32, #tpu.memory_space<vmem>>, vector<16xi32>,
    tpu.vector_store %arg9[%swap3A_78, %swap3A_79], %and3A_76 {strides = array<i32>} : memref<4x128xi32, #tpu.memory_space<vmem>>, vector<16xi32>,
    %get3A_81 = arith.constant 144 : index
    %get3A_82 = tpu.vector_load %arg8[%get3A_81] {strides = array<i32>} : memref<512xi32, #tpu.memory_space<vmem>>, vector<16xi32>,
    %and3A_83 = arith.constant 131071 : i32
    %and3A_84 = vector.broadcast %and3A_83 : i32 to vector<16xi32>
    %and3A_85 = arith.andi %get3A_82, %and3A_84 : vector<16xi32>
    %swap3A_86 = arith.constant 1 : i32
    %swap3A_87 = arith.index_cast %swap3A_86 : i32 to index
    %swap3A_88 = arith.constant 16 : index
    %swap3A_89 = tpu.vector_load %arg9[%swap3A_87, %swap3A_88] {strides = array<i32>} : memref<4x128xi32, #tpu.memory_space<vmem>>, vector<16xi32>,
    tpu.vector_store %arg9[%swap3A_87, %swap3A_88], %and3A_85 {strides = array<i32>} : memref<4x128xi32, #tpu.memory_space<vmem>>, vector<16xi32>,
    %get3A_90 = arith.constant 160 : index
    %get3A_91 = tpu.vector_load %arg8[%get3A_90] {strides = array<i32>} : memref<512xi32, #tpu.memory_space<vmem>>, vector<16xi32>,
    %and3A_92 = arith.constant 131071 : i32
    %and3A_93 = vector.broadcast %and3A_92 : i32 to vector<16xi32>
    %and3A_94 = arith.andi %get3A_91, %and3A_93 : vector<16xi32>
    %swap3A_95 = arith.constant 1 : i32
    %swap3A_96 = arith.index_cast %swap3A_95 : i32 to index
    %swap3A_97 = arith.constant 32 : index
    %swap3A_98 = tpu.vector_load %arg9[%swap3A_96, %swap3A_97] {strides = array<i32>} : memref<4x128xi32, #tpu.memory_space<vmem>>, vector<16xi32>,
    tpu.vector_store %arg9[%swap3A_96, %swap3A_97], %and3A_94 {strides = array<i32>} : memref<4x128xi32, #tpu.memory_space<vmem>>, vector<16xi32>,
    %get3A_99 = arith.constant 176 : index
    %get3A_100 = tpu.vector_load %arg8[%get3A_99] {strides = array<i32>} : memref<512xi32, #tpu.memory_space<vmem>>, vector<16xi32>,
    %and3A_101 = arith.constant 131071 : i32
    %and3A_102 = vector.broadcast %and3A_101 : i32 to vector<16xi32>
    %and3A_103 = arith.andi %get3A_100, %and3A_102 : vector<16xi32>
    %swap3A_104 = arith.constant 1 : i32
    %swap3A_105 = arith.index_cast %swap3A_104 : i32 to index
    %swap3A_106 = arith.constant 48 : index
    %swap3A_107 = tpu.vector_load %arg9[%swap3A_105, %swap3A_106] {strides = array<i32>} : memref<4x128xi32, #tpu.memory_space<vmem>>, vector<16xi32>,
    tpu.vector_store %arg9[%swap3A_105, %swap3A_106], %and3A_103 {strides = array<i32>} : memref<4x128xi32, #tpu.memory_space<vmem>>, vector<16xi32>,
    %get3A_108 = arith.constant 192 : index
    %get3A_109 = tpu.vector_load %arg8[%get3A_108] {strides = array<i32>} : memref<512xi32, #tpu.memory_space<vmem>>, vector<16xi32>,
    %and3A_110 = arith.constant 131071 : i32
    %and3A_111 = vector.broadcast %and3A_110 : i32 to vector<16xi32>
    %and3A_112 = arith.andi %get3A_109, %and3A_111 : vector<16xi32>
    %swap3A_113 = arith.constant 1 : i32
    %swap3A_114 = arith.index_cast %swap3A_113 : i32 to index
    %swap3A_115 = arith.constant 64 : index
    %swap3A_116 = tpu.vector_load %arg9[%swap3A_114, %swap3A_115] {strides = array<i32>} : memref<4x128xi32, #tpu.memory_space<vmem>>, vector<16xi32>,
    tpu.vector_store %arg9[%swap3A_114, %swap3A_115], %and3A_112 {strides = array<i32>} : memref<4x128xi32, #tpu.memory_space<vmem>>, vector<16xi32>,
    %get3A_117 = arith.constant 208 : index
    %get3A_118 = tpu.vector_load %arg8[%get3A_117] {strides = array<i32>} : memref<512xi32, #tpu.memory_space<vmem>>, vector<16xi32>,
    %and3A_119 = arith.constant 131071 : i32
    %and3A_120 = vector.broadcast %and3A_119 : i32 to vector<16xi32>
    %and3A_121 = arith.andi %get3A_118, %and3A_120 : vector<16xi32>
    %swap3A_122 = arith.constant 1 : i32
    %swap3A_123 = arith.index_cast %swap3A_122 : i32 to index
    %swap3A_124 = arith.constant 80 : index
    %swap3A_125 = tpu.vector_load %arg9[%swap3A_123, %swap3A_124] {strides = array<i32>} : memref<4x128xi32, #tpu.memory_space<vmem>>, vector<16xi32>,
    tpu.vector_store %arg9[%swap3A_123, %swap3A_124], %and3A_121 {strides = array<i32>} : memref<4x128xi32, #tpu.memory_space<vmem>>, vector<16xi32>,
    %get3A_126 = arith.constant 224 : index
    %get3A_127 = tpu.vector_load %arg8[%get3A_126] {strides = array<i32>} : memref<512xi32, #tpu.memory_space<vmem>>, vector<16xi32>,
    %and3A_128 = arith.constant 131071 : i32
    %and3A_129 = vector.broadcast %and3A_128 : i32 to vector<16xi32>
    %and3A_130 = arith.andi %get3A_127, %and3A_129 : vector<16xi32>
    %swap3A_131 = arith.constant 1 : i32
    %swap3A_132 = arith.index_cast %swap3A_131 : i32 to index
    %swap3A_133 = arith.constant 96 : index
    %swap3A_134 = tpu.vector_load %arg9[%swap3A_132, %swap3A_133] {strides = array<i32>} : memref<4x128xi32, #tpu.memory_space<vmem>>, vector<16xi32>,
    tpu.vector_store %arg9[%swap3A_132, %swap3A_133], %and3A_130 {strides = array<i32>} : memref<4x128xi32, #tpu.memory_space<vmem>>, vector<16xi32>,
    %get3A_135 = arith.constant 240 : index
    %get3A_136 = tpu.vector_load %arg8[%get3A_135] {strides = array<i32>} : memref<512xi32, #tpu.memory_space<vmem>>, vector<16xi32>,
    %and3A_137 = arith.constant 131071 : i32
    %and3A_138 = vector.broadcast %and3A_137 : i32 to vector<16xi32>
    %and3A_139 = arith.andi %get3A_136, %and3A_138 : vector<16xi32>
    %swap3A_140 = arith.constant 1 : i32
    %swap3A_141 = arith.index_cast %swap3A_140 : i32 to index
    %swap3A_142 = arith.constant 112 : index
    %swap3A_143 = tpu.vector_load %arg9[%swap3A_141, %swap3A_142] {strides = array<i32>} : memref<4x128xi32, #tpu.memory_space<vmem>>, vector<16xi32>,
    tpu.vector_store %arg9[%swap3A_141, %swap3A_142], %and3A_139 {strides = array<i32>} : memref<4x128xi32, #tpu.memory_space<vmem>>, vector<16xi32>,
    %get3A_144 = arith.constant 256 : index
    %get3A_145 = tpu.vector_load %arg8[%get3A_144] {strides = array<i32>} : memref<512xi32, #tpu.memory_space<vmem>>, vector<16xi32>,
    %and3A_146 = arith.constant 131071 : i32
    %and3A_147 = vector.broadcast %and3A_146 : i32 to vector<16xi32>
    %and3A_148 = arith.andi %get3A_145, %and3A_147 : vector<16xi32>
    %swap3A_149 = arith.constant 2 : i32
    %swap3A_150 = arith.index_cast %swap3A_149 : i32 to index
    %swap3A_151 = arith.constant 0 : index
    %swap3A_152 = tpu.vector_load %arg9[%swap3A_150, %swap3A_151] {strides = array<i32>} : memref<4x128xi32, #tpu.memory_space<vmem>>, vector<16xi32>,
    tpu.vector_store %arg9[%swap3A_150, %swap3A_151], %and3A_148 {strides = array<i32>} : memref<4x128xi32, #tpu.memory_space<vmem>>, vector<16xi32>,
    %get3A_153 = arith.constant 272 : index
    %get3A_154 = tpu.vector_load %arg8[%get3A_153] {strides = array<i32>} : memref<512xi32, #tpu.memory_space<vmem>>, vector<16xi32>,
    %and3A_155 = arith.constant 131071 : i32
    %and3A_156 = vector.broadcast %and3A_155 : i32 to vector<16xi32>
    %and3A_157 = arith.andi %get3A_154, %and3A_156 : vector<16xi32>
    %swap3A_158 = arith.constant 2 : i32
    %swap3A_159 = arith.index_cast %swap3A_158 : i32 to index
    %swap3A_160 = arith.constant 16 : index
    %swap3A_161 = tpu.vector_load %arg9[%swap3A_159, %swap3A_160] {strides = array<i32>} : memref<4x128xi32, #tpu.memory_space<vmem>>, vector<16xi32>,
    tpu.vector_store %arg9[%swap3A_159, %swap3A_160], %and3A_157 {strides = array<i32>} : memref<4x128xi32, #tpu.memory_space<vmem>>, vector<16xi32>,
    %get3A_162 = arith.constant 288 : index
    %get3A_163 = tpu.vector_load %arg8[%get3A_162] {strides = array<i32>} : memref<512xi32, #tpu.memory_space<vmem>>, vector<16xi32>,
    %and3A_164 = arith.constant 131071 : i32
    %and3A_165 = vector.broadcast %and3A_164 : i32 to vector<16xi32>
    %and3A_166 = arith.andi %get3A_163, %and3A_165 : vector<16xi32>
    %swap3A_167 = arith.constant 2 : i32
    %swap3A_168 = arith.index_cast %swap3A_167 : i32 to index
    %swap3A_169 = arith.constant 32 : index
    %swap3A_170 = tpu.vector_load %arg9[%swap3A_168, %swap3A_169] {strides = array<i32>} : memref<4x128xi32, #tpu.memory_space<vmem>>, vector<16xi32>,
    tpu.vector_store %arg9[%swap3A_168, %swap3A_169], %and3A_166 {strides = array<i32>} : memref<4x128xi32, #tpu.memory_space<vmem>>, vector<16xi32>,
    %get3A_171 = arith.constant 304 : index
    %get3A_172 = tpu.vector_load %arg8[%get3A_171] {strides = array<i32>} : memref<512xi32, #tpu.memory_space<vmem>>, vector<16xi32>,
    %and3A_173 = arith.constant 131071 : i32
    %and3A_174 = vector.broadcast %and3A_173 : i32 to vector<16xi32>
    %and3A_175 = arith.andi %get3A_172, %and3A_174 : vector<16xi32>
    %swap3A_176 = arith.constant 2 : i32
    %swap3A_177 = arith.index_cast %swap3A_176 : i32 to index
    %swap3A_178 = arith.constant 48 : index
    %swap3A_179 = tpu.vector_load %arg9[%swap3A_177, %swap3A_178] {strides = array<i32>} : memref<4x128xi32, #tpu.memory_space<vmem>>, vector<16xi32>,
    tpu.vector_store %arg9[%swap3A_177, %swap3A_178], %and3A_175 {strides = array<i32>} : memref<4x128xi32, #tpu.memory_space<vmem>>, vector<16xi32>,
    %get3A_180 = arith.constant 320 : index
    %get3A_181 = tpu.vector_load %arg8[%get3A_180] {strides = array<i32>} : memref<512xi32, #tpu.memory_space<vmem>>, vector<16xi32>,
    %and3A_182 = arith.constant 131071 : i32
    %and3A_183 = vector.broadcast %and3A_182 : i32 to vector<16xi32>
    %and3A_184 = arith.andi %get3A_181, %and3A_183 : vector<16xi32>
    %swap3A_185 = arith.constant 2 : i32
    %swap3A_186 = arith.index_cast %swap3A_185 : i32 to index
    %swap3A_187 = arith.constant 64 : index
    %swap3A_188 = tpu.vector_load %arg9[%swap3A_186, %swap3A_187] {strides = array<i32>} : memref<4x128xi32, #tpu.memory_space<vmem>>, vector<16xi32>,
    tpu.vector_store %arg9[%swap3A_186, %swap3A_187], %and3A_184 {strides = array<i32>} : memref<4x128xi32, #tpu.memory_space<vmem>>, vector<16xi32>,
    %get3A_189 = arith.constant 336 : index
    %get3A_190 = tpu.vector_load %arg8[%get3A_189] {strides = array<i32>} : memref<512xi32, #tpu.memory_space<vmem>>, vector<16xi32>,
    %and3A_191 = arith.constant 131071 : i32
    %and3A_192 = vector.broadcast %and3A_191 : i32 to vector<16xi32>
    %and3A_193 = arith.andi %get3A_190, %and3A_192 : vector<16xi32>
    %swap3A_194 = arith.constant 2 : i32
    %swap3A_195 = arith.index_cast %swap3A_194 : i32 to index
    %swap3A_196 = arith.constant 80 : index
    %swap3A_197 = tpu.vector_load %arg9[%swap3A_195, %swap3A_196] {strides = array<i32>} : memref<4x128xi32, #tpu.memory_space<vmem>>, vector<16xi32>,
    tpu.vector_store %arg9[%swap3A_195, %swap3A_196], %and3A_193 {strides = array<i32>} : memref<4x128xi32, #tpu.memory_space<vmem>>, vector<16xi32>,
    %get3A_198 = arith.constant 352 : index
    %get3A_199 = tpu.vector_load %arg8[%get3A_198] {strides = array<i32>} : memref<512xi32, #tpu.memory_space<vmem>>, vector<16xi32>,
    %and3A_200 = arith.constant 131071 : i32
    %and3A_201 = vector.broadcast %and3A_200 : i32 to vector<16xi32>
    %and3A_202 = arith.andi %get3A_199, %and3A_201 : vector<16xi32>
    %swap3A_203 = arith.constant 2 : i32
    %swap3A_204 = arith.index_cast %swap3A_203 : i32 to index
    %swap3A_205 = arith.constant 96 : index
    %swap3A_206 = tpu.vector_load %arg9[%swap3A_204, %swap3A_205] {strides = array<i32>} : memref<4x128xi32, #tpu.memory_space<vmem>>, vector<16xi32>,
    tpu.vector_store %arg9[%swap3A_204, %swap3A_205], %and3A_202 {strides = array<i32>} : memref<4x128xi32, #tpu.memory_space<vmem>>, vector<16xi32>,
    %get3A_207 = arith.constant 368 : index
    %get3A_208 = tpu.vector_load %arg8[%get3A_207] {strides = array<i32>} : memref<512xi32, #tpu.memory_space<vmem>>, vector<16xi32>,
    %and3A_209 = arith.constant 131071 : i32
    %and3A_210 = vector.broadcast %and3A_209 : i32 to vector<16xi32>
    %and3A_211 = arith.andi %get3A_208, %and3A_210 : vector<16xi32>
    %swap3A_212 = arith.constant 2 : i32
    %swap3A_213 = arith.index_cast %swap3A_212 : i32 to index
    %swap3A_214 = arith.constant 112 : index
    %swap3A_215 = tpu.vector_load %arg9[%swap3A_213, %swap3A_214] {strides = array<i32>} : memref<4x128xi32, #tpu.memory_space<vmem>>, vector<16xi32>,
    tpu.vector_store %arg9[%swap3A_213, %swap3A_214], %and3A_211 {strides = array<i32>} : memref<4x128xi32, #tpu.memory_space<vmem>>, vector<16xi32>,
    %get3A_216 = arith.constant 384 : index
    %get3A_217 = tpu.vector_load %arg8[%get3A_216] {strides = array<i32>} : memref<512xi32, #tpu.memory_space<vmem>>, vector<16xi32>,
    %and3A_218 = arith.constant 131071 : i32
    %and3A_219 = vector.broadcast %and3A_218 : i32 to vector<16xi32>
    %and3A_220 = arith.andi %get3A_217, %and3A_219 : vector<16xi32>
    %swap3A_221 = arith.constant 3 : i32
    %swap3A_222 = arith.index_cast %swap3A_221 : i32 to index
    %swap3A_223 = arith.constant 0 : index
    %swap3A_224 = tpu.vector_load %arg9[%swap3A_222, %swap3A_223] {strides = array<i32>} : memref<4x128xi32, #tpu.memory_space<vmem>>, vector<16xi32>,
    tpu.vector_store %arg9[%swap3A_222, %swap3A_223], %and3A_220 {strides = array<i32>} : memref<4x128xi32, #tpu.memory_space<vmem>>, vector<16xi32>,
    %get3A_225 = arith.constant 400 : index
    %get3A_226 = tpu.vector_load %arg8[%get3A_225] {strides = array<i32>} : memref<512xi32, #tpu.memory_space<vmem>>, vector<16xi32>,
    %and3A_227 = arith.constant 131071 : i32
    %and3A_228 = vector.broadcast %and3A_227 : i32 to vector<16xi32>
    %and3A_229 = arith.andi %get3A_226, %and3A_228 : vector<16xi32>
    %swap3A_230 = arith.constant 3 : i32
    %swap3A_231 = arith.index_cast %swap3A_230 : i32 to index
    %swap3A_232 = arith.constant 16 : index
    %swap3A_233 = tpu.vector_load %arg9[%swap3A_231, %swap3A_232] {strides = array<i32>} : memref<4x128xi32, #tpu.memory_space<vmem>>, vector<16xi32>,
    tpu.vector_store %arg9[%swap3A_231, %swap3A_232], %and3A_229 {strides = array<i32>} : memref<4x128xi32, #tpu.memory_space<vmem>>, vector<16xi32>,
    %get3A_234 = arith.constant 416 : index
    %get3A_235 = tpu.vector_load %arg8[%get3A_234] {strides = array<i32>} : memref<512xi32, #tpu.memory_space<vmem>>, vector<16xi32>,
    %and3A_236 = arith.constant 131071 : i32
    %and3A_237 = vector.broadcast %and3A_236 : i32 to vector<16xi32>
    %and3A_238 = arith.andi %get3A_235, %and3A_237 : vector<16xi32>
    %swap3A_239 = arith.constant 3 : i32
    %swap3A_240 = arith.index_cast %swap3A_239 : i32 to index
    %swap3A_241 = arith.constant 32 : index
    %swap3A_242 = tpu.vector_load %arg9[%swap3A_240, %swap3A_241] {strides = array<i32>} : memref<4x128xi32, #tpu.memory_space<vmem>>, vector<16xi32>,
    tpu.vector_store %arg9[%swap3A_240, %swap3A_241], %and3A_238 {strides = array<i32>} : memref<4x128xi32, #tpu.memory_space<vmem>>, vector<16xi32>,
    %get3A_243 = arith.constant 432 : index
    %get3A_244 = tpu.vector_load %arg8[%get3A_243] {strides = array<i32>} : memref<512xi32, #tpu.memory_space<vmem>>, vector<16xi32>,
    %and3A_245 = arith.constant 131071 : i32
    %and3A_246 = vector.broadcast %and3A_245 : i32 to vector<16xi32>
    %and3A_247 = arith.andi %get3A_244, %and3A_246 : vector<16xi32>
    %swap3A_248 = arith.constant 3 : i32
    %swap3A_249 = arith.index_cast %swap3A_248 : i32 to index
    %swap3A_250 = arith.constant 48 : index
    %swap3A_251 = tpu.vector_load %arg9[%swap3A_249, %swap3A_250] {strides = array<i32>} : memref<4x128xi32, #tpu.memory_space<vmem>>, vector<16xi32>,
    tpu.vector_store %arg9[%swap3A_249, %swap3A_250], %and3A_247 {strides = array<i32>} : memref<4x128xi32, #tpu.memory_space<vmem>>, vector<16xi32>,
    %get3A_252 = arith.constant 448 : index
    %get3A_253 = tpu.vector_load %arg8[%get3A_252] {strides = array<i32>} : memref<512xi32, #tpu.memory_space<vmem>>, vector<16xi32>,
    %and3A_254 = arith.constant 131071 : i32
    %and3A_255 = vector.broadcast %and3A_254 : i32 to vector<16xi32>
    %and3A_256 = arith.andi %get3A_253, %and3A_255 : vector<16xi32>
    %swap3A_257 = arith.constant 3 : i32
    %swap3A_258 = arith.index_cast %swap3A_257 : i32 to index
    %swap3A_259 = arith.constant 64 : index
    %swap3A_260 = tpu.vector_load %arg9[%swap3A_258, %swap3A_259] {strides = array<i32>} : memref<4x128xi32, #tpu.memory_space<vmem>>, vector<16xi32>,
    tpu.vector_store %arg9[%swap3A_258, %swap3A_259], %and3A_256 {strides = array<i32>} : memref<4x128xi32, #tpu.memory_space<vmem>>, vector<16xi32>,
    %get3A_261 = arith.constant 464 : index
    %get3A_262 = tpu.vector_load %arg8[%get3A_261] {strides = array<i32>} : memref<512xi32, #tpu.memory_space<vmem>>, vector<16xi32>,
    %and3A_263 = arith.constant 131071 : i32
    %and3A_264 = vector.broadcast %and3A_263 : i32 to vector<16xi32>
    %and3A_265 = arith.andi %get3A_262, %and3A_264 : vector<16xi32>
    %swap3A_266 = arith.constant 3 : i32
    %swap3A_267 = arith.index_cast %swap3A_266 : i32 to index
    %swap3A_268 = arith.constant 80 : index
    %swap3A_269 = tpu.vector_load %arg9[%swap3A_267, %swap3A_268] {strides = array<i32>} : memref<4x128xi32, #tpu.memory_space<vmem>>, vector<16xi32>,
    tpu.vector_store %arg9[%swap3A_267, %swap3A_268], %and3A_265 {strides = array<i32>} : memref<4x128xi32, #tpu.memory_space<vmem>>, vector<16xi32>,
    %get3A_270 = arith.constant 480 : index
    %get3A_271 = tpu.vector_load %arg8[%get3A_270] {strides = array<i32>} : memref<512xi32, #tpu.memory_space<vmem>>, vector<16xi32>,
    %and3A_272 = arith.constant 131071 : i32
    %and3A_273 = vector.broadcast %and3A_272 : i32 to vector<16xi32>
    %and3A_274 = arith.andi %get3A_271, %and3A_273 : vector<16xi32>
    %swap3A_275 = arith.constant 3 : i32
    %swap3A_276 = arith.index_cast %swap3A_275 : i32 to index
    %swap3A_277 = arith.constant 96 : index
    %swap3A_278 = tpu.vector_load %arg9[%swap3A_276, %swap3A_277] {strides = array<i32>} : memref<4x128xi32, #tpu.memory_space<vmem>>, vector<16xi32>,
    tpu.vector_store %arg9[%swap3A_276, %swap3A_277], %and3A_274 {strides = array<i32>} : memref<4x128xi32, #tpu.memory_space<vmem>>, vector<16xi32>,
    %get3A_279 = arith.constant 496 : index
    %get3A_280 = tpu.vector_load %arg8[%get3A_279] {strides = array<i32>} : memref<512xi32, #tpu.memory_space<vmem>>, vector<16xi32>,
    %and3A_281 = arith.constant 131071 : i32
    %and3A_282 = vector.broadcast %and3A_281 : i32 to vector<16xi32>
    %and3A_283 = arith.andi %get3A_280, %and3A_282 : vector<16xi32>
    %swap3A_284 = arith.constant 3 : i32
    %swap3A_285 = arith.index_cast %swap3A_284 : i32 to index
    %swap3A_286 = arith.constant 112 : index
    %swap3A_287 = tpu.vector_load %arg9[%swap3A_285, %swap3A_286] {strides = array<i32>} : memref<4x128xi32, #tpu.memory_space<vmem>>, vector<16xi32>,
    tpu.vector_store %arg9[%swap3A_285, %swap3A_286], %and3A_283 {strides = array<i32>} : memref<4x128xi32, #tpu.memory_space<vmem>>, vector<16xi32>,
    %dma_start3A = arith.constant 0 : i32
    %dma_start3A_288 = arith.constant 0 : i32
    %dma_start3A_289 = arith.constant 0 : i32
    %dma_start3A_290 = tpu.memref_slice %arg10[%dma_start3A_288, %dma_start3A_289] : memref<512x128xf32, #tpu.memory_space<vmem>> -> memref<128x128xf32, #tpu.memory_space<vmem>>
    %dma_start3A_291 = arith.constant 0 : i32
    %dma_start3A_292 = tpu.memref_slice %arg9[%dma_start3A, %dma_start3A_291] : memref<4x128xi32, #tpu.memory_space<vmem>> -> memref<1x128xi32, #tpu.memory_space<vmem>>
    %dma_start3A_293 = tpu.memref_squeeze %dma_start3A_292 : memref<1x128xi32, #tpu.memory_space<vmem>> -> memref<128xi32, #tpu.memory_space<vmem>>
    %dma_start3A_294 = arith.constant 0 : i32
    %dma_start3A_295 = arith.constant 0 : i32
    %dma_start3A_296 = tpu.memref_slice %arg4[%dma_start3A_294, %dma_start3A_295] : memref<131072x128xf32, #tpu.memory_space<hbm>> -> memref<131072x128xf32, #tpu.memory_space<hbm>>
    tpu.enqueue_indirect_dma source(%dma_start3A_296 : memref<131072x128xf32, #tpu.memory_space<hbm>>) target(%dma_start3A_290 : memref<128x128xf32, #tpu.memory_space<vmem>>) offsets(%dma_start3A_293 : memref<128xi32, #tpu.memory_space<vmem>>) semaphore(%arg12 : memref<!tpu.dma_semaphore, #tpu.memory_space<semaphore_mem>>)
    %dma_start3A_297 = arith.constant 1 : i32
    %dma_start3A_298 = arith.constant 128 : i32
    %dma_start3A_299 = arith.constant 0 : i32
    %dma_start3A_300 = tpu.memref_slice %arg10[%dma_start3A_298, %dma_start3A_299] : memref<512x128xf32, #tpu.memory_space<vmem>> -> memref<128x128xf32, #tpu.memory_space<vmem>>
    %dma_start3A_301 = arith.constant 0 : i32
    %dma_start3A_302 = tpu.memref_slice %arg9[%dma_start3A_297, %dma_start3A_301] : memref<4x128xi32, #tpu.memory_space<vmem>> -> memref<1x128xi32, #tpu.memory_space<vmem>>
    %dma_start3A_303 = tpu.memref_squeeze %dma_start3A_302 : memref<1x128xi32, #tpu.memory_space<vmem>> -> memref<128xi32, #tpu.memory_space<vmem>>
    %dma_start3A_304 = arith.constant 0 : i32
    %dma_start3A_305 = arith.constant 0 : i32
    %dma_start3A_306 = tpu.memref_slice %arg4[%dma_start3A_304, %dma_start3A_305] : memref<131072x128xf32, #tpu.memory_space<hbm>> -> memref<131072x128xf32, #tpu.memory_space<hbm>>
    tpu.enqueue_indirect_dma source(%dma_start3A_306 : memref<131072x128xf32, #tpu.memory_space<hbm>>) target(%dma_start3A_300 : memref<128x128xf32, #tpu.memory_space<vmem>>) offsets(%dma_start3A_303 : memref<128xi32, #tpu.memory_space<vmem>>) semaphore(%arg12 : memref<!tpu.dma_semaphore, #tpu.memory_space<semaphore_mem>>)
    %dma_start3A_307 = arith.constant 2 : i32
    %dma_start3A_308 = arith.constant 256 : i32
    %dma_start3A_309 = arith.constant 0 : i32
    %dma_start3A_310 = tpu.memref_slice %arg10[%dma_start3A_308, %dma_start3A_309] : memref<512x128xf32, #tpu.memory_space<vmem>> -> memref<128x128xf32, #tpu.memory_space<vmem>>
    %dma_start3A_311 = arith.constant 0 : i32
    %dma_start3A_312 = tpu.memref_slice %arg9[%dma_start3A_307, %dma_start3A_311] : memref<4x128xi32, #tpu.memory_space<vmem>> -> memref<1x128xi32, #tpu.memory_space<vmem>>
    %dma_start3A_313 = tpu.memref_squeeze %dma_start3A_312 : memref<1x128xi32, #tpu.memory_space<vmem>> -> memref<128xi32, #tpu.memory_space<vmem>>
    %dma_start3A_314 = arith.constant 0 : i32
    %dma_start3A_315 = arith.constant 0 : i32
    %dma_start3A_316 = tpu.memref_slice %arg4[%dma_start3A_314, %dma_start3A_315] : memref<131072x128xf32, #tpu.memory_space<hbm>> -> memref<131072x128xf32, #tpu.memory_space<hbm>>
    tpu.enqueue_indirect_dma source(%dma_start3A_316 : memref<131072x128xf32, #tpu.memory_space<hbm>>) target(%dma_start3A_310 : memref<128x128xf32, #tpu.memory_space<vmem>>) offsets(%dma_start3A_313 : memref<128xi32, #tpu.memory_space<vmem>>) semaphore(%arg12 : memref<!tpu.dma_semaphore, #tpu.memory_space<semaphore_mem>>)
    %dma_start3A_317 = arith.constant 3 : i32
    %dma_start3A_318 = arith.constant 384 : i32
    %dma_start3A_319 = arith.constant 0 : i32
    %dma_start3A_320 = tpu.memref_slice %arg10[%dma_start3A_318, %dma_start3A_319] : memref<512x128xf32, #tpu.memory_space<vmem>> -> memref<128x128xf32, #tpu.memory_space<vmem>>
    %dma_start3A_321 = arith.constant 0 : i32
    %dma_start3A_322 = tpu.memref_slice %arg9[%dma_start3A_317, %dma_start3A_321] : memref<4x128xi32, #tpu.memory_space<vmem>> -> memref<1x128xi32, #tpu.memory_space<vmem>>
    %dma_start3A_323 = tpu.memref_squeeze %dma_start3A_322 : memref<1x128xi32, #tpu.memory_space<vmem>> -> memref<128xi32, #tpu.memory_space<vmem>>
    %dma_start3A_324 = arith.constant 0 : i32
    %dma_start3A_325 = arith.constant 0 : i32
    %dma_start3A_326 = tpu.memref_slice %arg4[%dma_start3A_324, %dma_start3A_325] : memref<131072x128xf32, #tpu.memory_space<hbm>> -> memref<131072x128xf32, #tpu.memory_space<hbm>>
    tpu.enqueue_indirect_dma source(%dma_start3A_326 : memref<131072x128xf32, #tpu.memory_space<hbm>>) target(%dma_start3A_320 : memref<128x128xf32, #tpu.memory_space<vmem>>) offsets(%dma_start3A_323 : memref<128xi32, #tpu.memory_space<vmem>>) semaphore(%arg12 : memref<!tpu.dma_semaphore, #tpu.memory_space<semaphore_mem>>)
    %dma_wait3A = arith.constant 0 : i32
    %dma_wait3A_327 = arith.constant 0 : i32
    %dma_wait3A_328 = arith.constant 0 : i32
    %dma_wait3A_329 = tpu.memref_slice %arg10[%dma_wait3A_327, %dma_wait3A_328] : memref<512x128xf32, #tpu.memory_space<vmem>> -> memref<128x128xf32, #tpu.memory_space<vmem>>
    %dma_wait3A_330 = arith.constant 0 : i32
    %dma_wait3A_331 = tpu.memref_slice %arg9[%dma_wait3A, %dma_wait3A_330] : memref<4x128xi32, #tpu.memory_space<vmem>> -> memref<1x128xi32, #tpu.memory_space<vmem>>
    %dma_wait3A_332 = tpu.memref_squeeze %dma_wait3A_331 : memref<1x128xi32, #tpu.memory_space<vmem>> -> memref<128xi32, #tpu.memory_space<vmem>>
    %dma_wait3A_333 = arith.constant 0 : i32
    %dma_wait3A_334 = arith.constant 0 : i32
    %dma_wait3A_335 = tpu.memref_slice %arg4[%dma_wait3A_333, %dma_wait3A_334] : memref<131072x128xf32, #tpu.memory_space<hbm>> -> memref<131072x128xf32, #tpu.memory_space<hbm>>
    tpu.wait_indirect_dma semaphore(%arg12 : memref<!tpu.dma_semaphore, #tpu.memory_space<semaphore_mem>>) src(%dma_wait3A_335 : memref<131072x128xf32, #tpu.memory_space<hbm>>) dst(%dma_wait3A_329 : memref<128x128xf32, #tpu.memory_space<vmem>>)
    %dma_wait3A_336 = arith.constant 1 : i32
    %dma_wait3A_337 = arith.constant 128 : i32
    %dma_wait3A_338 = arith.constant 0 : i32
    %dma_wait3A_339 = tpu.memref_slice %arg10[%dma_wait3A_337, %dma_wait3A_338] : memref<512x128xf32, #tpu.memory_space<vmem>> -> memref<128x128xf32, #tpu.memory_space<vmem>>
    %dma_wait3A_340 = arith.constant 0 : i32
    %dma_wait3A_341 = tpu.memref_slice %arg9[%dma_wait3A_336, %dma_wait3A_340] : memref<4x128xi32, #tpu.memory_space<vmem>> -> memref<1x128xi32, #tpu.memory_space<vmem>>
    %dma_wait3A_342 = tpu.memref_squeeze %dma_wait3A_341 : memref<1x128xi32, #tpu.memory_space<vmem>> -> memref<128xi32, #tpu.memory_space<vmem>>
    %dma_wait3A_343 = arith.constant 0 : i32
    %dma_wait3A_344 = arith.constant 0 : i32
    %dma_wait3A_345 = tpu.memref_slice %arg4[%dma_wait3A_343, %dma_wait3A_344] : memref<131072x128xf32, #tpu.memory_space<hbm>> -> memref<131072x128xf32, #tpu.memory_space<hbm>>
    tpu.wait_indirect_dma semaphore(%arg12 : memref<!tpu.dma_semaphore, #tpu.memory_space<semaphore_mem>>) src(%dma_wait3A_345 : memref<131072x128xf32, #tpu.memory_space<hbm>>) dst(%dma_wait3A_339 : memref<128x128xf32, #tpu.memory_space<vmem>>)
    %dma_wait3A_346 = arith.constant 2 : i32
    %dma_wait3A_347 = arith.constant 256 : i32
    %dma_wait3A_348 = arith.constant 0 : i32
    %dma_wait3A_349 = tpu.memref_slice %arg10[%dma_wait3A_347, %dma_wait3A_348] : memref<512x128xf32, #tpu.memory_space<vmem>> -> memref<128x128xf32, #tpu.memory_space<vmem>>
    %dma_wait3A_350 = arith.constant 0 : i32
    %dma_wait3A_351 = tpu.memref_slice %arg9[%dma_wait3A_346, %dma_wait3A_350] : memref<4x128xi32, #tpu.memory_space<vmem>> -> memref<1x128xi32, #tpu.memory_space<vmem>>
    %dma_wait3A_352 = tpu.memref_squeeze %dma_wait3A_351 : memref<1x128xi32, #tpu.memory_space<vmem>> -> memref<128xi32, #tpu.memory_space<vmem>>
    %dma_wait3A_353 = arith.constant 0 : i32
    %dma_wait3A_354 = arith.constant 0 : i32
    %dma_wait3A_355 = tpu.memref_slice %arg4[%dma_wait3A_353, %dma_wait3A_354] : memref<131072x128xf32, #tpu.memory_space<hbm>> -> memref<131072x128xf32, #tpu.memory_space<hbm>>
    tpu.wait_indirect_dma semaphore(%arg12 : memref<!tpu.dma_semaphore, #tpu.memory_space<semaphore_mem>>) src(%dma_wait3A_355 : memref<131072x128xf32, #tpu.memory_space<hbm>>) dst(%dma_wait3A_349 : memref<128x128xf32, #tpu.memory_space<vmem>>)
    %dma_wait3A_356 = arith.constant 3 : i32
    %dma_wait3A_357 = arith.constant 384 : i32
    %dma_wait3A_358 = arith.constant 0 : i32
    %dma_wait3A_359 = tpu.memref_slice %arg10[%dma_wait3A_357, %dma_wait3A_358] : memref<512x128xf32, #tpu.memory_space<vmem>> -> memref<128x128xf32, #tpu.memory_space<vmem>>
    %dma_wait3A_360 = arith.constant 0 : i32
    %dma_wait3A_361 = tpu.memref_slice %arg9[%dma_wait3A_356, %dma_wait3A_360] : memref<4x128xi32, #tpu.memory_space<vmem>> -> memref<1x128xi32, #tpu.memory_space<vmem>>
    %dma_wait3A_362 = tpu.memref_squeeze %dma_wait3A_361 : memref<1x128xi32, #tpu.memory_space<vmem>> -> memref<128xi32, #tpu.memory_space<vmem>>
    %dma_wait3A_363 = arith.constant 0 : i32
    %dma_wait3A_364 = arith.constant 0 : i32
    %dma_wait3A_365 = tpu.memref_slice %arg4[%dma_wait3A_363, %dma_wait3A_364] : memref<131072x128xf32, #tpu.memory_space<hbm>> -> memref<131072x128xf32, #tpu.memory_space<hbm>>
    tpu.wait_indirect_dma semaphore(%arg12 : memref<!tpu.dma_semaphore, #tpu.memory_space<semaphore_mem>>) src(%dma_wait3A_365 : memref<131072x128xf32, #tpu.memory_space<hbm>>) dst(%dma_wait3A_359 : memref<128x128xf32, #tpu.memory_space<vmem>>)
    %scan3A = arith.constant 0 : i32
    %scan3A_366 = arith.constant 32 : i32
    %scan3A_367 = arith.addi %scan3A, %scan3A_366 : i32
    %scan3A_368 = arith.constant 1 : i32
    scf.for %scan3A_743 = %scan3A to %scan3A_367 step %scan3A_368  : i32 {
      %mul3A_744 = arith.constant 16 : i32
      %mul3A_745 = arith.muli %scan3A_743, %mul3A_744 : i32
      %add3A_746 = vector.broadcast %mul3A_745 : i32 to vector<16xi32>
      %add3A_747 = arith.addi %add3A_746, %iota3A : vector<16xi32>
      %mul3A_748 = arith.constant 16 : i32
      %mul3A_749 = arith.muli %scan3A_743, %mul3A_748 : i32
      %get3A_750 = arith.index_cast %mul3A_749 : i32 to index
      %get3A_751 = tpu.vector_load %arg8[%get3A_750] {strides = array<i32>} : memref<512xi32, #tpu.memory_space<vmem>>, vector<16xi32>,
      %shift_right_logical3A = arith.constant 17 : i32
      %shift_right_logical3A_752 = vector.broadcast %shift_right_logical3A : i32 to vector<16xi32>
      %shift_right_logical3A_753 = arith.shrui %get3A_751, %shift_right_logical3A_752 : vector<16xi32>
      %mul3A_754 = arith.constant 16 : i32
      %mul3A_755 = vector.broadcast %mul3A_754 : i32 to vector<16xi32>
      %mul3A_756 = arith.muli %shift_right_logical3A_753, %mul3A_755 : vector<16xi32>
      %add3A_757 = arith.constant 0 : i32
      %add3A_758 = vector.broadcast %add3A_757 : i32 to vector<16xi32>
      %add3A_759 = arith.addi %mul3A_756, %add3A_758 : vector<16xi32>
      %gather3A = tpu.vector_load_idx %arg10[%add3A_747, %add3A_759] : memref<512x128xf32, #tpu.memory_space<vmem>>[vector<16xi32>, vector<16xi32>], vector<16xf32>,
      %bitcast_convert_type3A = tpu.bitcast %gather3A : vector<16xf32> -> vector<16xi32>
      %shift_left3A = arith.constant 16 : i32
      %shift_left3A_760 = vector.broadcast %shift_left3A : i32 to vector<16xi32>
      %shift_left3A_761 = arith.shli %bitcast_convert_type3A, %shift_left3A_760 : vector<16xi32>
      %bitcast_convert_type3A_762 = tpu.bitcast %shift_left3A_761 : vector<16xi32> -> vector<16xf32>
      %and3A_763 = arith.constant -65536 : i32
      %and3A_764 = vector.broadcast %and3A_763 : i32 to vector<16xi32>
      %and3A_765 = arith.andi %bitcast_convert_type3A, %and3A_764 : vector<16xi32>
      %bitcast_convert_type3A_766 = tpu.bitcast %and3A_765 : vector<16xi32> -> vector<16xf32>
      %mul3A_767 = arith.constant 16 : i32
      %mul3A_768 = arith.muli %scan3A_743, %mul3A_767 : i32
      %swap3A_769 = arith.constant 0 : i32
      %swap3A_770 = arith.index_cast %swap3A_769 : i32 to index
      %swap3A_771 = arith.index_cast %mul3A_768 : i32 to index
      %swap3A_772 = tpu.vector_load %arg11[%swap3A_770, %swap3A_771] {strides = array<i32>} : memref<32x512xf32, #tpu.memory_space<vmem>>, vector<16xf32>,
      tpu.vector_store %arg11[%swap3A_770, %swap3A_771], %bitcast_convert_type3A_762 {strides = array<i32>} : memref<32x512xf32, #tpu.memory_space<vmem>>, vector<16xf32>,
      %mul3A_773 = arith.constant 16 : i32
      %mul3A_774 = arith.muli %scan3A_743, %mul3A_773 : i32
      %swap3A_775 = arith.constant 16 : i32
      %swap3A_776 = arith.index_cast %swap3A_775 : i32 to index
      %swap3A_777 = arith.index_cast %mul3A_774 : i32 to index
      %swap3A_778 = tpu.vector_load %arg11[%swap3A_776, %swap3A_777] {strides = array<i32>} : memref<32x512xf32, #tpu.memory_space<vmem>>, vector<16xf32>,
      tpu.vector_store %arg11[%swap3A_776, %swap3A_777], %bitcast_convert_type3A_766 {strides = array<i32>} : memref<32x512xf32, #tpu.memory_space<vmem>>, vector<16xf32>,
      %add3A_779 = arith.constant 1 : i32
      %add3A_780 = vector.broadcast %add3A_779 : i32 to vector<16xi32>
      %add3A_781 = arith.addi %mul3A_756, %add3A_780 : vector<16xi32>
      %gather3A_782 = tpu.vector_load_idx %arg10[%add3A_747, %add3A_781] : memref<512x128xf32, #tpu.memory_space<vmem>>[vector<16xi32>, vector<16xi32>], vector<16xf32>,
      %bitcast_convert_type3A_783 = tpu.bitcast %gather3A_782 : vector<16xf32> -> vector<16xi32>
      %shift_left3A_784 = arith.constant 16 : i32
      %shift_left3A_785 = vector.broadcast %shift_left3A_784 : i32 to vector<16xi32>
      %shift_left3A_786 = arith.shli %bitcast_convert_type3A_783, %shift_left3A_785 : vector<16xi32>
      %bitcast_convert_type3A_787 = tpu.bitcast %shift_left3A_786 : vector<16xi32> -> vector<16xf32>
      %and3A_788 = arith.constant -65536 : i32
      %and3A_789 = vector.broadcast %and3A_788 : i32 to vector<16xi32>
      %and3A_790 = arith.andi %bitcast_convert_type3A_783, %and3A_789 : vector<16xi32>
      %bitcast_convert_type3A_791 = tpu.bitcast %and3A_790 : vector<16xi32> -> vector<16xf32>
      %mul3A_792 = arith.constant 16 : i32
      %mul3A_793 = arith.muli %scan3A_743, %mul3A_792 : i32
      %swap3A_794 = arith.constant 1 : i32
      %swap3A_795 = arith.index_cast %swap3A_794 : i32 to index
      %swap3A_796 = arith.index_cast %mul3A_793 : i32 to index
      %swap3A_797 = tpu.vector_load %arg11[%swap3A_795, %swap3A_796] {strides = array<i32>} : memref<32x512xf32, #tpu.memory_space<vmem>>, vector<16xf32>,
      tpu.vector_store %arg11[%swap3A_795, %swap3A_796], %bitcast_convert_type3A_787 {strides = array<i32>} : memref<32x512xf32, #tpu.memory_space<vmem>>, vector<16xf32>,
      %mul3A_798 = arith.constant 16 : i32
      %mul3A_799 = arith.muli %scan3A_743, %mul3A_798 : i32
      %swap3A_800 = arith.constant 17 : i32
      %swap3A_801 = arith.index_cast %swap3A_800 : i32 to index
      %swap3A_802 = arith.index_cast %mul3A_799 : i32 to index
      %swap3A_803 = tpu.vector_load %arg11[%swap3A_801, %swap3A_802] {strides = array<i32>} : memref<32x512xf32, #tpu.memory_space<vmem>>, vector<16xf32>,
      tpu.vector_store %arg11[%swap3A_801, %swap3A_802], %bitcast_convert_type3A_791 {strides = array<i32>} : memref<32x512xf32, #tpu.memory_space<vmem>>, vector<16xf32>,
      %add3A_804 = arith.constant 2 : i32
      %add3A_805 = vector.broadcast %add3A_804 : i32 to vector<16xi32>
      %add3A_806 = arith.addi %mul3A_756, %add3A_805 : vector<16xi32>
      %gather3A_807 = tpu.vector_load_idx %arg10[%add3A_747, %add3A_806] : memref<512x128xf32, #tpu.memory_space<vmem>>[vector<16xi32>, vector<16xi32>], vector<16xf32>,
      %bitcast_convert_type3A_808 = tpu.bitcast %gather3A_807 : vector<16xf32> -> vector<16xi32>
      %shift_left3A_809 = arith.constant 16 : i32
      %shift_left3A_810 = vector.broadcast %shift_left3A_809 : i32 to vector<16xi32>
      %shift_left3A_811 = arith.shli %bitcast_convert_type3A_808, %shift_left3A_810 : vector<16xi32>
      %bitcast_convert_type3A_812 = tpu.bitcast %shift_left3A_811 : vector<16xi32> -> vector<16xf32>
      %and3A_813 = arith.constant -65536 : i32
      %and3A_814 = vector.broadcast %and3A_813 : i32 to vector<16xi32>
      %and3A_815 = arith.andi %bitcast_convert_type3A_808, %and3A_814 : vector<16xi32>
      %bitcast_convert_type3A_816 = tpu.bitcast %and3A_815 : vector<16xi32> -> vector<16xf32>
      %mul3A_817 = arith.constant 16 : i32
      %mul3A_818 = arith.muli %scan3A_743, %mul3A_817 : i32
      %swap3A_819 = arith.constant 2 : i32
      %swap3A_820 = arith.index_cast %swap3A_819 : i32 to index
      %swap3A_821 = arith.index_cast %mul3A_818 : i32 to index
      %swap3A_822 = tpu.vector_load %arg11[%swap3A_820, %swap3A_821] {strides = array<i32>} : memref<32x512xf32, #tpu.memory_space<vmem>>, vector<16xf32>,
      tpu.vector_store %arg11[%swap3A_820, %swap3A_821], %bitcast_convert_type3A_812 {strides = array<i32>} : memref<32x512xf32, #tpu.memory_space<vmem>>, vector<16xf32>,
      %mul3A_823 = arith.constant 16 : i32
      %mul3A_824 = arith.muli %scan3A_743, %mul3A_823 : i32
      %swap3A_825 = arith.constant 18 : i32
      %swap3A_826 = arith.index_cast %swap3A_825 : i32 to index
      %swap3A_827 = arith.index_cast %mul3A_824 : i32 to index
      %swap3A_828 = tpu.vector_load %arg11[%swap3A_826, %swap3A_827] {strides = array<i32>} : memref<32x512xf32, #tpu.memory_space<vmem>>, vector<16xf32>,
      tpu.vector_store %arg11[%swap3A_826, %swap3A_827], %bitcast_convert_type3A_816 {strides = array<i32>} : memref<32x512xf32, #tpu.memory_space<vmem>>, vector<16xf32>,
      %add3A_829 = arith.constant 3 : i32
      %add3A_830 = vector.broadcast %add3A_829 : i32 to vector<16xi32>
      %add3A_831 = arith.addi %mul3A_756, %add3A_830 : vector<16xi32>
      %gather3A_832 = tpu.vector_load_idx %arg10[%add3A_747, %add3A_831] : memref<512x128xf32, #tpu.memory_space<vmem>>[vector<16xi32>, vector<16xi32>], vector<16xf32>,
      %bitcast_convert_type3A_833 = tpu.bitcast %gather3A_832 : vector<16xf32> -> vector<16xi32>
      %shift_left3A_834 = arith.constant 16 : i32
      %shift_left3A_835 = vector.broadcast %shift_left3A_834 : i32 to vector<16xi32>
      %shift_left3A_836 = arith.shli %bitcast_convert_type3A_833, %shift_left3A_835 : vector<16xi32>
      %bitcast_convert_type3A_837 = tpu.bitcast %shift_left3A_836 : vector<16xi32> -> vector<16xf32>
      %and3A_838 = arith.constant -65536 : i32
      %and3A_839 = vector.broadcast %and3A_838 : i32 to vector<16xi32>
      %and3A_840 = arith.andi %bitcast_convert_type3A_833, %and3A_839 : vector<16xi32>
      %bitcast_convert_type3A_841 = tpu.bitcast %and3A_840 : vector<16xi32> -> vector<16xf32>
      %mul3A_842 = arith.constant 16 : i32
      %mul3A_843 = arith.muli %scan3A_743, %mul3A_842 : i32
      %swap3A_844 = arith.constant 3 : i32
      %swap3A_845 = arith.index_cast %swap3A_844 : i32 to index
      %swap3A_846 = arith.index_cast %mul3A_843 : i32 to index
      %swap3A_847 = tpu.vector_load %arg11[%swap3A_845, %swap3A_846] {strides = array<i32>} : memref<32x512xf32, #tpu.memory_space<vmem>>, vector<16xf32>,
      tpu.vector_store %arg11[%swap3A_845, %swap3A_846], %bitcast_convert_type3A_837 {strides = array<i32>} : memref<32x512xf32, #tpu.memory_space<vmem>>, vector<16xf32>,
      %mul3A_848 = arith.constant 16 : i32
      %mul3A_849 = arith.muli %scan3A_743, %mul3A_848 : i32
      %swap3A_850 = arith.constant 19 : i32
      %swap3A_851 = arith.index_cast %swap3A_850 : i32 to index
      %swap3A_852 = arith.index_cast %mul3A_849 : i32 to index
      %swap3A_853 = tpu.vector_load %arg11[%swap3A_851, %swap3A_852] {strides = array<i32>} : memref<32x512xf32, #tpu.memory_space<vmem>>, vector<16xf32>,
      tpu.vector_store %arg11[%swap3A_851, %swap3A_852], %bitcast_convert_type3A_841 {strides = array<i32>} : memref<32x512xf32, #tpu.memory_space<vmem>>, vector<16xf32>,
      %add3A_854 = arith.constant 4 : i32
      %add3A_855 = vector.broadcast %add3A_854 : i32 to vector<16xi32>
      %add3A_856 = arith.addi %mul3A_756, %add3A_855 : vector<16xi32>
      %gather3A_857 = tpu.vector_load_idx %arg10[%add3A_747, %add3A_856] : memref<512x128xf32, #tpu.memory_space<vmem>>[vector<16xi32>, vector<16xi32>], vector<16xf32>,
      %bitcast_convert_type3A_858 = tpu.bitcast %gather3A_857 : vector<16xf32> -> vector<16xi32>
      %shift_left3A_859 = arith.constant 16 : i32
      %shift_left3A_860 = vector.broadcast %shift_left3A_859 : i32 to vector<16xi32>
      %shift_left3A_861 = arith.shli %bitcast_convert_type3A_858, %shift_left3A_860 : vector<16xi32>
      %bitcast_convert_type3A_862 = tpu.bitcast %shift_left3A_861 : vector<16xi32> -> vector<16xf32>
      %and3A_863 = arith.constant -65536 : i32
      %and3A_864 = vector.broadcast %and3A_863 : i32 to vector<16xi32>
      %and3A_865 = arith.andi %bitcast_convert_type3A_858, %and3A_864 : vector<16xi32>
      %bitcast_convert_type3A_866 = tpu.bitcast %and3A_865 : vector<16xi32> -> vector<16xf32>
      %mul3A_867 = arith.constant 16 : i32
      %mul3A_868 = arith.muli %scan3A_743, %mul3A_867 : i32
      %swap3A_869 = arith.constant 4 : i32
      %swap3A_870 = arith.index_cast %swap3A_869 : i32 to index
      %swap3A_871 = arith.index_cast %mul3A_868 : i32 to index
      %swap3A_872 = tpu.vector_load %arg11[%swap3A_870, %swap3A_871] {strides = array<i32>} : memref<32x512xf32, #tpu.memory_space<vmem>>, vector<16xf32>,
      tpu.vector_store %arg11[%swap3A_870, %swap3A_871], %bitcast_convert_type3A_862 {strides = array<i32>} : memref<32x512xf32, #tpu.memory_space<vmem>>, vector<16xf32>,
      %mul3A_873 = arith.constant 16 : i32
      %mul3A_874 = arith.muli %scan3A_743, %mul3A_873 : i32
      %swap3A_875 = arith.constant 20 : i32
      %swap3A_876 = arith.index_cast %swap3A_875 : i32 to index
      %swap3A_877 = arith.index_cast %mul3A_874 : i32 to index
      %swap3A_878 = tpu.vector_load %arg11[%swap3A_876, %swap3A_877] {strides = array<i32>} : memref<32x512xf32, #tpu.memory_space<vmem>>, vector<16xf32>,
      tpu.vector_store %arg11[%swap3A_876, %swap3A_877], %bitcast_convert_type3A_866 {strides = array<i32>} : memref<32x512xf32, #tpu.memory_space<vmem>>, vector<16xf32>,
      %add3A_879 = arith.constant 5 : i32
      %add3A_880 = vector.broadcast %add3A_879 : i32 to vector<16xi32>
      %add3A_881 = arith.addi %mul3A_756, %add3A_880 : vector<16xi32>
      %gather3A_882 = tpu.vector_load_idx %arg10[%add3A_747, %add3A_881] : memref<512x128xf32, #tpu.memory_space<vmem>>[vector<16xi32>, vector<16xi32>], vector<16xf32>,
      %bitcast_convert_type3A_883 = tpu.bitcast %gather3A_882 : vector<16xf32> -> vector<16xi32>
      %shift_left3A_884 = arith.constant 16 : i32
      %shift_left3A_885 = vector.broadcast %shift_left3A_884 : i32 to vector<16xi32>
      %shift_left3A_886 = arith.shli %bitcast_convert_type3A_883, %shift_left3A_885 : vector<16xi32>
      %bitcast_convert_type3A_887 = tpu.bitcast %shift_left3A_886 : vector<16xi32> -> vector<16xf32>
      %and3A_888 = arith.constant -65536 : i32
      %and3A_889 = vector.broadcast %and3A_888 : i32 to vector<16xi32>
      %and3A_890 = arith.andi %bitcast_convert_type3A_883, %and3A_889 : vector<16xi32>
      %bitcast_convert_type3A_891 = tpu.bitcast %and3A_890 : vector<16xi32> -> vector<16xf32>
      %mul3A_892 = arith.constant 16 : i32
      %mul3A_893 = arith.muli %scan3A_743, %mul3A_892 : i32
      %swap3A_894 = arith.constant 5 : i32
      %swap3A_895 = arith.index_cast %swap3A_894 : i32 to index
      %swap3A_896 = arith.index_cast %mul3A_893 : i32 to index
      %swap3A_897 = tpu.vector_load %arg11[%swap3A_895, %swap3A_896] {strides = array<i32>} : memref<32x512xf32, #tpu.memory_space<vmem>>, vector<16xf32>,
      tpu.vector_store %arg11[%swap3A_895, %swap3A_896], %bitcast_convert_type3A_887 {strides = array<i32>} : memref<32x512xf32, #tpu.memory_space<vmem>>, vector<16xf32>,
      %mul3A_898 = arith.constant 16 : i32
      %mul3A_899 = arith.muli %scan3A_743, %mul3A_898 : i32
      %swap3A_900 = arith.constant 21 : i32
      %swap3A_901 = arith.index_cast %swap3A_900 : i32 to index
      %swap3A_902 = arith.index_cast %mul3A_899 : i32 to index
      %swap3A_903 = tpu.vector_load %arg11[%swap3A_901, %swap3A_902] {strides = array<i32>} : memref<32x512xf32, #tpu.memory_space<vmem>>, vector<16xf32>,
      tpu.vector_store %arg11[%swap3A_901, %swap3A_902], %bitcast_convert_type3A_891 {strides = array<i32>} : memref<32x512xf32, #tpu.memory_space<vmem>>, vector<16xf32>,
      %add3A_904 = arith.constant 6 : i32
      %add3A_905 = vector.broadcast %add3A_904 : i32 to vector<16xi32>
      %add3A_906 = arith.addi %mul3A_756, %add3A_905 : vector<16xi32>
      %gather3A_907 = tpu.vector_load_idx %arg10[%add3A_747, %add3A_906] : memref<512x128xf32, #tpu.memory_space<vmem>>[vector<16xi32>, vector<16xi32>], vector<16xf32>,
      %bitcast_convert_type3A_908 = tpu.bitcast %gather3A_907 : vector<16xf32> -> vector<16xi32>
      %shift_left3A_909 = arith.constant 16 : i32
      %shift_left3A_910 = vector.broadcast %shift_left3A_909 : i32 to vector<16xi32>
      %shift_left3A_911 = arith.shli %bitcast_convert_type3A_908, %shift_left3A_910 : vector<16xi32>
      %bitcast_convert_type3A_912 = tpu.bitcast %shift_left3A_911 : vector<16xi32> -> vector<16xf32>
      %and3A_913 = arith.constant -65536 : i32
      %and3A_914 = vector.broadcast %and3A_913 : i32 to vector<16xi32>
      %and3A_915 = arith.andi %bitcast_convert_type3A_908, %and3A_914 : vector<16xi32>
      %bitcast_convert_type3A_916 = tpu.bitcast %and3A_915 : vector<16xi32> -> vector<16xf32>
      %mul3A_917 = arith.constant 16 : i32
      %mul3A_918 = arith.muli %scan3A_743, %mul3A_917 : i32
      %swap3A_919 = arith.constant 6 : i32
      %swap3A_920 = arith.index_cast %swap3A_919 : i32 to index
      %swap3A_921 = arith.index_cast %mul3A_918 : i32 to index
      %swap3A_922 = tpu.vector_load %arg11[%swap3A_920, %swap3A_921] {strides = array<i32>} : memref<32x512xf32, #tpu.memory_space<vmem>>, vector<16xf32>,
      tpu.vector_store %arg11[%swap3A_920, %swap3A_921], %bitcast_convert_type3A_912 {strides = array<i32>} : memref<32x512xf32, #tpu.memory_space<vmem>>, vector<16xf32>,
      %mul3A_923 = arith.constant 16 : i32
      %mul3A_924 = arith.muli %scan3A_743, %mul3A_923 : i32
      %swap3A_925 = arith.constant 22 : i32
      %swap3A_926 = arith.index_cast %swap3A_925 : i32 to index
      %swap3A_927 = arith.index_cast %mul3A_924 : i32 to index
      %swap3A_928 = tpu.vector_load %arg11[%swap3A_926, %swap3A_927] {strides = array<i32>} : memref<32x512xf32, #tpu.memory_space<vmem>>, vector<16xf32>,
      tpu.vector_store %arg11[%swap3A_926, %swap3A_927], %bitcast_convert_type3A_916 {strides = array<i32>} : memref<32x512xf32, #tpu.memory_space<vmem>>, vector<16xf32>,
      %add3A_929 = arith.constant 7 : i32
      %add3A_930 = vector.broadcast %add3A_929 : i32 to vector<16xi32>
      %add3A_931 = arith.addi %mul3A_756, %add3A_930 : vector<16xi32>
      %gather3A_932 = tpu.vector_load_idx %arg10[%add3A_747, %add3A_931] : memref<512x128xf32, #tpu.memory_space<vmem>>[vector<16xi32>, vector<16xi32>], vector<16xf32>,
      %bitcast_convert_type3A_933 = tpu.bitcast %gather3A_932 : vector<16xf32> -> vector<16xi32>
      %shift_left3A_934 = arith.constant 16 : i32
      %shift_left3A_935 = vector.broadcast %shift_left3A_934 : i32 to vector<16xi32>
      %shift_left3A_936 = arith.shli %bitcast_convert_type3A_933, %shift_left3A_935 : vector<16xi32>
      %bitcast_convert_type3A_937 = tpu.bitcast %shift_left3A_936 : vector<16xi32> -> vector<16xf32>
      %and3A_938 = arith.constant -65536 : i32
      %and3A_939 = vector.broadcast %and3A_938 : i32 to vector<16xi32>
      %and3A_940 = arith.andi %bitcast_convert_type3A_933, %and3A_939 : vector<16xi32>
      %bitcast_convert_type3A_941 = tpu.bitcast %and3A_940 : vector<16xi32> -> vector<16xf32>
      %mul3A_942 = arith.constant 16 : i32
      %mul3A_943 = arith.muli %scan3A_743, %mul3A_942 : i32
      %swap3A_944 = arith.constant 7 : i32
      %swap3A_945 = arith.index_cast %swap3A_944 : i32 to index
      %swap3A_946 = arith.index_cast %mul3A_943 : i32 to index
      %swap3A_947 = tpu.vector_load %arg11[%swap3A_945, %swap3A_946] {strides = array<i32>} : memref<32x512xf32, #tpu.memory_space<vmem>>, vector<16xf32>,
      tpu.vector_store %arg11[%swap3A_945, %swap3A_946], %bitcast_convert_type3A_937 {strides = array<i32>} : memref<32x512xf32, #tpu.memory_space<vmem>>, vector<16xf32>,
      %mul3A_948 = arith.constant 16 : i32
      %mul3A_949 = arith.muli %scan3A_743, %mul3A_948 : i32
      %swap3A_950 = arith.constant 23 : i32
      %swap3A_951 = arith.index_cast %swap3A_950 : i32 to index
      %swap3A_952 = arith.index_cast %mul3A_949 : i32 to index
      %swap3A_953 = tpu.vector_load %arg11[%swap3A_951, %swap3A_952] {strides = array<i32>} : memref<32x512xf32, #tpu.memory_space<vmem>>, vector<16xf32>,
      tpu.vector_store %arg11[%swap3A_951, %swap3A_952], %bitcast_convert_type3A_941 {strides = array<i32>} : memref<32x512xf32, #tpu.memory_space<vmem>>, vector<16xf32>,
      %add3A_954 = arith.constant 8 : i32
      %add3A_955 = vector.broadcast %add3A_954 : i32 to vector<16xi32>
      %add3A_956 = arith.addi %mul3A_756, %add3A_955 : vector<16xi32>
      %gather3A_957 = tpu.vector_load_idx %arg10[%add3A_747, %add3A_956] : memref<512x128xf32, #tpu.memory_space<vmem>>[vector<16xi32>, vector<16xi32>], vector<16xf32>,
      %bitcast_convert_type3A_958 = tpu.bitcast %gather3A_957 : vector<16xf32> -> vector<16xi32>
      %shift_left3A_959 = arith.constant 16 : i32
      %shift_left3A_960 = vector.broadcast %shift_left3A_959 : i32 to vector<16xi32>
      %shift_left3A_961 = arith.shli %bitcast_convert_type3A_958, %shift_left3A_960 : vector<16xi32>
      %bitcast_convert_type3A_962 = tpu.bitcast %shift_left3A_961 : vector<16xi32> -> vector<16xf32>
      %and3A_963 = arith.constant -65536 : i32
      %and3A_964 = vector.broadcast %and3A_963 : i32 to vector<16xi32>
      %and3A_965 = arith.andi %bitcast_convert_type3A_958, %and3A_964 : vector<16xi32>
      %bitcast_convert_type3A_966 = tpu.bitcast %and3A_965 : vector<16xi32> -> vector<16xf32>
      %mul3A_967 = arith.constant 16 : i32
      %mul3A_968 = arith.muli %scan3A_743, %mul3A_967 : i32
      %swap3A_969 = arith.constant 8 : i32
      %swap3A_970 = arith.index_cast %swap3A_969 : i32 to index
      %swap3A_971 = arith.index_cast %mul3A_968 : i32 to index
      %swap3A_972 = tpu.vector_load %arg11[%swap3A_970, %swap3A_971] {strides = array<i32>} : memref<32x512xf32, #tpu.memory_space<vmem>>, vector<16xf32>,
      tpu.vector_store %arg11[%swap3A_970, %swap3A_971], %bitcast_convert_type3A_962 {strides = array<i32>} : memref<32x512xf32, #tpu.memory_space<vmem>>, vector<16xf32>,
      %mul3A_973 = arith.constant 16 : i32
      %mul3A_974 = arith.muli %scan3A_743, %mul3A_973 : i32
      %swap3A_975 = arith.constant 24 : i32
      %swap3A_976 = arith.index_cast %swap3A_975 : i32 to index
      %swap3A_977 = arith.index_cast %mul3A_974 : i32 to index
      %swap3A_978 = tpu.vector_load %arg11[%swap3A_976, %swap3A_977] {strides = array<i32>} : memref<32x512xf32, #tpu.memory_space<vmem>>, vector<16xf32>,
      tpu.vector_store %arg11[%swap3A_976, %swap3A_977], %bitcast_convert_type3A_966 {strides = array<i32>} : memref<32x512xf32, #tpu.memory_space<vmem>>, vector<16xf32>,
      %add3A_979 = arith.constant 9 : i32
      %add3A_980 = vector.broadcast %add3A_979 : i32 to vector<16xi32>
      %add3A_981 = arith.addi %mul3A_756, %add3A_980 : vector<16xi32>
      %gather3A_982 = tpu.vector_load_idx %arg10[%add3A_747, %add3A_981] : memref<512x128xf32, #tpu.memory_space<vmem>>[vector<16xi32>, vector<16xi32>], vector<16xf32>,
      %bitcast_convert_type3A_983 = tpu.bitcast %gather3A_982 : vector<16xf32> -> vector<16xi32>
      %shift_left3A_984 = arith.constant 16 : i32
      %shift_left3A_985 = vector.broadcast %shift_left3A_984 : i32 to vector<16xi32>
      %shift_left3A_986 = arith.shli %bitcast_convert_type3A_983, %shift_left3A_985 : vector<16xi32>
      %bitcast_convert_type3A_987 = tpu.bitcast %shift_left3A_986 : vector<16xi32> -> vector<16xf32>
      %and3A_988 = arith.constant -65536 : i32
      %and3A_989 = vector.broadcast %and3A_988 : i32 to vector<16xi32>
      %and3A_990 = arith.andi %bitcast_convert_type3A_983, %and3A_989 : vector<16xi32>
      %bitcast_convert_type3A_991 = tpu.bitcast %and3A_990 : vector<16xi32> -> vector<16xf32>
      %mul3A_992 = arith.constant 16 : i32
      %mul3A_993 = arith.muli %scan3A_743, %mul3A_992 : i32
      %swap3A_994 = arith.constant 9 : i32
      %swap3A_995 = arith.index_cast %swap3A_994 : i32 to index
      %swap3A_996 = arith.index_cast %mul3A_993 : i32 to index
      %swap3A_997 = tpu.vector_load %arg11[%swap3A_995, %swap3A_996] {strides = array<i32>} : memref<32x512xf32, #tpu.memory_space<vmem>>, vector<16xf32>,
      tpu.vector_store %arg11[%swap3A_995, %swap3A_996], %bitcast_convert_type3A_987 {strides = array<i32>} : memref<32x512xf32, #tpu.memory_space<vmem>>, vector<16xf32>,
      %mul3A_998 = arith.constant 16 : i32
      %mul3A_999 = arith.muli %scan3A_743, %mul3A_998 : i32
      %swap3A_1000 = arith.constant 25 : i32
      %swap3A_1001 = arith.index_cast %swap3A_1000 : i32 to index
      %swap3A_1002 = arith.index_cast %mul3A_999 : i32 to index
      %swap3A_1003 = tpu.vector_load %arg11[%swap3A_1001, %swap3A_1002] {strides = array<i32>} : memref<32x512xf32, #tpu.memory_space<vmem>>, vector<16xf32>,
      tpu.vector_store %arg11[%swap3A_1001, %swap3A_1002], %bitcast_convert_type3A_991 {strides = array<i32>} : memref<32x512xf32, #tpu.memory_space<vmem>>, vector<16xf32>,
      %add3A_1004 = arith.constant 10 : i32
      %add3A_1005 = vector.broadcast %add3A_1004 : i32 to vector<16xi32>
      %add3A_1006 = arith.addi %mul3A_756, %add3A_1005 : vector<16xi32>
      %gather3A_1007 = tpu.vector_load_idx %arg10[%add3A_747, %add3A_1006] : memref<512x128xf32, #tpu.memory_space<vmem>>[vector<16xi32>, vector<16xi32>], vector<16xf32>,
      %bitcast_convert_type3A_1008 = tpu.bitcast %gather3A_1007 : vector<16xf32> -> vector<16xi32>
      %shift_left3A_1009 = arith.constant 16 : i32
      %shift_left3A_1010 = vector.broadcast %shift_left3A_1009 : i32 to vector<16xi32>
      %shift_left3A_1011 = arith.shli %bitcast_convert_type3A_1008, %shift_left3A_1010 : vector<16xi32>
      %bitcast_convert_type3A_1012 = tpu.bitcast %shift_left3A_1011 : vector<16xi32> -> vector<16xf32>
      %and3A_1013 = arith.constant -65536 : i32
      %and3A_1014 = vector.broadcast %and3A_1013 : i32 to vector<16xi32>
      %and3A_1015 = arith.andi %bitcast_convert_type3A_1008, %and3A_1014 : vector<16xi32>
      %bitcast_convert_type3A_1016 = tpu.bitcast %and3A_1015 : vector<16xi32> -> vector<16xf32>
      %mul3A_1017 = arith.constant 16 : i32
      %mul3A_1018 = arith.muli %scan3A_743, %mul3A_1017 : i32
      %swap3A_1019 = arith.constant 10 : i32
      %swap3A_1020 = arith.index_cast %swap3A_1019 : i32 to index
      %swap3A_1021 = arith.index_cast %mul3A_1018 : i32 to index
      %swap3A_1022 = tpu.vector_load %arg11[%swap3A_1020, %swap3A_1021] {strides = array<i32>} : memref<32x512xf32, #tpu.memory_space<vmem>>, vector<16xf32>,
      tpu.vector_store %arg11[%swap3A_1020, %swap3A_1021], %bitcast_convert_type3A_1012 {strides = array<i32>} : memref<32x512xf32, #tpu.memory_space<vmem>>, vector<16xf32>,
      %mul3A_1023 = arith.constant 16 : i32
      %mul3A_1024 = arith.muli %scan3A_743, %mul3A_1023 : i32
      %swap3A_1025 = arith.constant 26 : i32
      %swap3A_1026 = arith.index_cast %swap3A_1025 : i32 to index
      %swap3A_1027 = arith.index_cast %mul3A_1024 : i32 to index
      %swap3A_1028 = tpu.vector_load %arg11[%swap3A_1026, %swap3A_1027] {strides = array<i32>} : memref<32x512xf32, #tpu.memory_space<vmem>>, vector<16xf32>,
      tpu.vector_store %arg11[%swap3A_1026, %swap3A_1027], %bitcast_convert_type3A_1016 {strides = array<i32>} : memref<32x512xf32, #tpu.memory_space<vmem>>, vector<16xf32>,
      %add3A_1029 = arith.constant 11 : i32
      %add3A_1030 = vector.broadcast %add3A_1029 : i32 to vector<16xi32>
      %add3A_1031 = arith.addi %mul3A_756, %add3A_1030 : vector<16xi32>
      %gather3A_1032 = tpu.vector_load_idx %arg10[%add3A_747, %add3A_1031] : memref<512x128xf32, #tpu.memory_space<vmem>>[vector<16xi32>, vector<16xi32>], vector<16xf32>,
      %bitcast_convert_type3A_1033 = tpu.bitcast %gather3A_1032 : vector<16xf32> -> vector<16xi32>
      %shift_left3A_1034 = arith.constant 16 : i32
      %shift_left3A_1035 = vector.broadcast %shift_left3A_1034 : i32 to vector<16xi32>
      %shift_left3A_1036 = arith.shli %bitcast_convert_type3A_1033, %shift_left3A_1035 : vector<16xi32>
      %bitcast_convert_type3A_1037 = tpu.bitcast %shift_left3A_1036 : vector<16xi32> -> vector<16xf32>
      %and3A_1038 = arith.constant -65536 : i32
      %and3A_1039 = vector.broadcast %and3A_1038 : i32 to vector<16xi32>
      %and3A_1040 = arith.andi %bitcast_convert_type3A_1033, %and3A_1039 : vector<16xi32>
      %bitcast_convert_type3A_1041 = tpu.bitcast %and3A_1040 : vector<16xi32> -> vector<16xf32>
      %mul3A_1042 = arith.constant 16 : i32
      %mul3A_1043 = arith.muli %scan3A_743, %mul3A_1042 : i32
      %swap3A_1044 = arith.constant 11 : i32
      %swap3A_1045 = arith.index_cast %swap3A_1044 : i32 to index
      %swap3A_1046 = arith.index_cast %mul3A_1043 : i32 to index
      %swap3A_1047 = tpu.vector_load %arg11[%swap3A_1045, %swap3A_1046] {strides = array<i32>} : memref<32x512xf32, #tpu.memory_space<vmem>>, vector<16xf32>,
      tpu.vector_store %arg11[%swap3A_1045, %swap3A_1046], %bitcast_convert_type3A_1037 {strides = array<i32>} : memref<32x512xf32, #tpu.memory_space<vmem>>, vector<16xf32>,
      %mul3A_1048 = arith.constant 16 : i32
      %mul3A_1049 = arith.muli %scan3A_743, %mul3A_1048 : i32
      %swap3A_1050 = arith.constant 27 : i32
      %swap3A_1051 = arith.index_cast %swap3A_1050 : i32 to index
      %swap3A_1052 = arith.index_cast %mul3A_1049 : i32 to index
      %swap3A_1053 = tpu.vector_load %arg11[%swap3A_1051, %swap3A_1052] {strides = array<i32>} : memref<32x512xf32, #tpu.memory_space<vmem>>, vector<16xf32>,
      tpu.vector_store %arg11[%swap3A_1051, %swap3A_1052], %bitcast_convert_type3A_1041 {strides = array<i32>} : memref<32x512xf32, #tpu.memory_space<vmem>>, vector<16xf32>,
      %add3A_1054 = arith.constant 12 : i32
      %add3A_1055 = vector.broadcast %add3A_1054 : i32 to vector<16xi32>
      %add3A_1056 = arith.addi %mul3A_756, %add3A_1055 : vector<16xi32>
      %gather3A_1057 = tpu.vector_load_idx %arg10[%add3A_747, %add3A_1056] : memref<512x128xf32, #tpu.memory_space<vmem>>[vector<16xi32>, vector<16xi32>], vector<16xf32>,
      %bitcast_convert_type3A_1058 = tpu.bitcast %gather3A_1057 : vector<16xf32> -> vector<16xi32>
      %shift_left3A_1059 = arith.constant 16 : i32
      %shift_left3A_1060 = vector.broadcast %shift_left3A_1059 : i32 to vector<16xi32>
      %shift_left3A_1061 = arith.shli %bitcast_convert_type3A_1058, %shift_left3A_1060 : vector<16xi32>
      %bitcast_convert_type3A_1062 = tpu.bitcast %shift_left3A_1061 : vector<16xi32> -> vector<16xf32>
      %and3A_1063 = arith.constant -65536 : i32
      %and3A_1064 = vector.broadcast %and3A_1063 : i32 to vector<16xi32>
      %and3A_1065 = arith.andi %bitcast_convert_type3A_1058, %and3A_1064 : vector<16xi32>
      %bitcast_convert_type3A_1066 = tpu.bitcast %and3A_1065 : vector<16xi32> -> vector<16xf32>
      %mul3A_1067 = arith.constant 16 : i32
      %mul3A_1068 = arith.muli %scan3A_743, %mul3A_1067 : i32
      %swap3A_1069 = arith.constant 12 : i32
      %swap3A_1070 = arith.index_cast %swap3A_1069 : i32 to index
      %swap3A_1071 = arith.index_cast %mul3A_1068 : i32 to index
      %swap3A_1072 = tpu.vector_load %arg11[%swap3A_1070, %swap3A_1071] {strides = array<i32>} : memref<32x512xf32, #tpu.memory_space<vmem>>, vector<16xf32>,
      tpu.vector_store %arg11[%swap3A_1070, %swap3A_1071], %bitcast_convert_type3A_1062 {strides = array<i32>} : memref<32x512xf32, #tpu.memory_space<vmem>>, vector<16xf32>,
      %mul3A_1073 = arith.constant 16 : i32
      %mul3A_1074 = arith.muli %scan3A_743, %mul3A_1073 : i32
      %swap3A_1075 = arith.constant 28 : i32
      %swap3A_1076 = arith.index_cast %swap3A_1075 : i32 to index
      %swap3A_1077 = arith.index_cast %mul3A_1074 : i32 to index
      %swap3A_1078 = tpu.vector_load %arg11[%swap3A_1076, %swap3A_1077] {strides = array<i32>} : memref<32x512xf32, #tpu.memory_space<vmem>>, vector<16xf32>,
      tpu.vector_store %arg11[%swap3A_1076, %swap3A_1077], %bitcast_convert_type3A_1066 {strides = array<i32>} : memref<32x512xf32, #tpu.memory_space<vmem>>, vector<16xf32>,
      %add3A_1079 = arith.constant 13 : i32
      %add3A_1080 = vector.broadcast %add3A_1079 : i32 to vector<16xi32>
      %add3A_1081 = arith.addi %mul3A_756, %add3A_1080 : vector<16xi32>
      %gather3A_1082 = tpu.vector_load_idx %arg10[%add3A_747, %add3A_1081] : memref<512x128xf32, #tpu.memory_space<vmem>>[vector<16xi32>, vector<16xi32>], vector<16xf32>,
      %bitcast_convert_type3A_1083 = tpu.bitcast %gather3A_1082 : vector<16xf32> -> vector<16xi32>
      %shift_left3A_1084 = arith.constant 16 : i32
      %shift_left3A_1085 = vector.broadcast %shift_left3A_1084 : i32 to vector<16xi32>
      %shift_left3A_1086 = arith.shli %bitcast_convert_type3A_1083, %shift_left3A_1085 : vector<16xi32>
      %bitcast_convert_type3A_1087 = tpu.bitcast %shift_left3A_1086 : vector<16xi32> -> vector<16xf32>
      %and3A_1088 = arith.constant -65536 : i32
      %and3A_1089 = vector.broadcast %and3A_1088 : i32 to vector<16xi32>
      %and3A_1090 = arith.andi %bitcast_convert_type3A_1083, %and3A_1089 : vector<16xi32>
      %bitcast_convert_type3A_1091 = tpu.bitcast %and3A_1090 : vector<16xi32> -> vector<16xf32>
      %mul3A_1092 = arith.constant 16 : i32
      %mul3A_1093 = arith.muli %scan3A_743, %mul3A_1092 : i32
      %swap3A_1094 = arith.constant 13 : i32
      %swap3A_1095 = arith.index_cast %swap3A_1094 : i32 to index
      %swap3A_1096 = arith.index_cast %mul3A_1093 : i32 to index
      %swap3A_1097 = tpu.vector_load %arg11[%swap3A_1095, %swap3A_1096] {strides = array<i32>} : memref<32x512xf32, #tpu.memory_space<vmem>>, vector<16xf32>,
      tpu.vector_store %arg11[%swap3A_1095, %swap3A_1096], %bitcast_convert_type3A_1087 {strides = array<i32>} : memref<32x512xf32, #tpu.memory_space<vmem>>, vector<16xf32>,
      %mul3A_1098 = arith.constant 16 : i32
      %mul3A_1099 = arith.muli %scan3A_743, %mul3A_1098 : i32
      %swap3A_1100 = arith.constant 29 : i32
      %swap3A_1101 = arith.index_cast %swap3A_1100 : i32 to index
      %swap3A_1102 = arith.index_cast %mul3A_1099 : i32 to index
      %swap3A_1103 = tpu.vector_load %arg11[%swap3A_1101, %swap3A_1102] {strides = array<i32>} : memref<32x512xf32, #tpu.memory_space<vmem>>, vector<16xf32>,
      tpu.vector_store %arg11[%swap3A_1101, %swap3A_1102], %bitcast_convert_type3A_1091 {strides = array<i32>} : memref<32x512xf32, #tpu.memory_space<vmem>>, vector<16xf32>,
      %add3A_1104 = arith.constant 14 : i32
      %add3A_1105 = vector.broadcast %add3A_1104 : i32 to vector<16xi32>
      %add3A_1106 = arith.addi %mul3A_756, %add3A_1105 : vector<16xi32>
      %gather3A_1107 = tpu.vector_load_idx %arg10[%add3A_747, %add3A_1106] : memref<512x128xf32, #tpu.memory_space<vmem>>[vector<16xi32>, vector<16xi32>], vector<16xf32>,
      %bitcast_convert_type3A_1108 = tpu.bitcast %gather3A_1107 : vector<16xf32> -> vector<16xi32>
      %shift_left3A_1109 = arith.constant 16 : i32
      %shift_left3A_1110 = vector.broadcast %shift_left3A_1109 : i32 to vector<16xi32>
      %shift_left3A_1111 = arith.shli %bitcast_convert_type3A_1108, %shift_left3A_1110 : vector<16xi32>
      %bitcast_convert_type3A_1112 = tpu.bitcast %shift_left3A_1111 : vector<16xi32> -> vector<16xf32>
      %and3A_1113 = arith.constant -65536 : i32
      %and3A_1114 = vector.broadcast %and3A_1113 : i32 to vector<16xi32>
      %and3A_1115 = arith.andi %bitcast_convert_type3A_1108, %and3A_1114 : vector<16xi32>
      %bitcast_convert_type3A_1116 = tpu.bitcast %and3A_1115 : vector<16xi32> -> vector<16xf32>
      %mul3A_1117 = arith.constant 16 : i32
      %mul3A_1118 = arith.muli %scan3A_743, %mul3A_1117 : i32
      %swap3A_1119 = arith.constant 14 : i32
      %swap3A_1120 = arith.index_cast %swap3A_1119 : i32 to index
      %swap3A_1121 = arith.index_cast %mul3A_1118 : i32 to index
      %swap3A_1122 = tpu.vector_load %arg11[%swap3A_1120, %swap3A_1121] {strides = array<i32>} : memref<32x512xf32, #tpu.memory_space<vmem>>, vector<16xf32>,
      tpu.vector_store %arg11[%swap3A_1120, %swap3A_1121], %bitcast_convert_type3A_1112 {strides = array<i32>} : memref<32x512xf32, #tpu.memory_space<vmem>>, vector<16xf32>,
      %mul3A_1123 = arith.constant 16 : i32
      %mul3A_1124 = arith.muli %scan3A_743, %mul3A_1123 : i32
      %swap3A_1125 = arith.constant 30 : i32
      %swap3A_1126 = arith.index_cast %swap3A_1125 : i32 to index
      %swap3A_1127 = arith.index_cast %mul3A_1124 : i32 to index
      %swap3A_1128 = tpu.vector_load %arg11[%swap3A_1126, %swap3A_1127] {strides = array<i32>} : memref<32x512xf32, #tpu.memory_space<vmem>>, vector<16xf32>,
      tpu.vector_store %arg11[%swap3A_1126, %swap3A_1127], %bitcast_convert_type3A_1116 {strides = array<i32>} : memref<32x512xf32, #tpu.memory_space<vmem>>, vector<16xf32>,
      %add3A_1129 = arith.constant 15 : i32
      %add3A_1130 = vector.broadcast %add3A_1129 : i32 to vector<16xi32>
      %add3A_1131 = arith.addi %mul3A_756, %add3A_1130 : vector<16xi32>
      %gather3A_1132 = tpu.vector_load_idx %arg10[%add3A_747, %add3A_1131] : memref<512x128xf32, #tpu.memory_space<vmem>>[vector<16xi32>, vector<16xi32>], vector<16xf32>,
      %bitcast_convert_type3A_1133 = tpu.bitcast %gather3A_1132 : vector<16xf32> -> vector<16xi32>
      %shift_left3A_1134 = arith.constant 16 : i32
      %shift_left3A_1135 = vector.broadcast %shift_left3A_1134 : i32 to vector<16xi32>
      %shift_left3A_1136 = arith.shli %bitcast_convert_type3A_1133, %shift_left3A_1135 : vector<16xi32>
      %bitcast_convert_type3A_1137 = tpu.bitcast %shift_left3A_1136 : vector<16xi32> -> vector<16xf32>
      %and3A_1138 = arith.constant -65536 : i32
      %and3A_1139 = vector.broadcast %and3A_1138 : i32 to vector<16xi32>
      %and3A_1140 = arith.andi %bitcast_convert_type3A_1133, %and3A_1139 : vector<16xi32>
      %bitcast_convert_type3A_1141 = tpu.bitcast %and3A_1140 : vector<16xi32> -> vector<16xf32>
      %mul3A_1142 = arith.constant 16 : i32
      %mul3A_1143 = arith.muli %scan3A_743, %mul3A_1142 : i32
      %swap3A_1144 = arith.constant 15 : i32
      %swap3A_1145 = arith.index_cast %swap3A_1144 : i32 to index
      %swap3A_1146 = arith.index_cast %mul3A_1143 : i32 to index
      %swap3A_1147 = tpu.vector_load %arg11[%swap3A_1145, %swap3A_1146] {strides = array<i32>} : memref<32x512xf32, #tpu.memory_space<vmem>>, vector<16xf32>,
      tpu.vector_store %arg11[%swap3A_1145, %swap3A_1146], %bitcast_convert_type3A_1137 {strides = array<i32>} : memref<32x512xf32, #tpu.memory_space<vmem>>, vector<16xf32>,
      %mul3A_1148 = arith.constant 16 : i32
      %mul3A_1149 = arith.muli %scan3A_743, %mul3A_1148 : i32
      %swap3A_1150 = arith.constant 31 : i32
      %swap3A_1151 = arith.index_cast %swap3A_1150 : i32 to index
      %swap3A_1152 = arith.index_cast %mul3A_1149 : i32 to index
      %swap3A_1153 = tpu.vector_load %arg11[%swap3A_1151, %swap3A_1152] {strides = array<i32>} : memref<32x512xf32, #tpu.memory_space<vmem>>, vector<16xf32>,
      tpu.vector_store %arg11[%swap3A_1151, %swap3A_1152], %bitcast_convert_type3A_1141 {strides = array<i32>} : memref<32x512xf32, #tpu.memory_space<vmem>>, vector<16xf32>,
    }
    %scan3A_369 = arith.constant 32 : i32
    "tpu.region"() ({
      %run_scoped3A = tpu.sem_alloc : memref<!tpu.dma_semaphore, #tpu.memory_space<semaphore_mem>>
      %dma_start3A_743 = arith.constant 0 : i32
      %dma_start3A_744 = tpu.memref_slice %arg6[%dma_start3A_743, %multiple_of3A] : memref<32x16384xf32, #tpu.memory_space<hbm>> -> memref<32x512xf32, #tpu.memory_space<hbm>>
      %dma_start3A_745 = arith.constant 0 : i32
      %dma_start3A_746 = tpu.memref_slice %arg6[%dma_start3A_745, %multiple_of3A] : memref<32x16384xf32, #tpu.memory_space<hbm>> -> memref<32x512xf32, #tpu.memory_space<hbm>>
      tpu.enqueue_dma source(%arg11 : memref<32x512xf32, #tpu.memory_space<vmem>>) target(%dma_start3A_746 : memref<32x512xf32, #tpu.memory_space<hbm>>) target_semaphore(%run_scoped3A : memref<!tpu.dma_semaphore, #tpu.memory_space<semaphore_mem>>)
      %dma_wait3A_747 = arith.constant 0 : i32
      %dma_wait3A_748 = tpu.memref_slice %arg6[%dma_wait3A_747, %multiple_of3A] : memref<32x16384xf32, #tpu.memory_space<hbm>> -> memref<32x512xf32, #tpu.memory_space<hbm>>
      %dma_wait3A_749 = arith.constant 0 : i32
      %dma_wait3A_750 = tpu.memref_slice %arg6[%dma_wait3A_749, %multiple_of3A] : memref<32x16384xf32, #tpu.memory_space<hbm>> -> memref<32x512xf32, #tpu.memory_space<hbm>>
      tpu.wait_dma2 semaphore(%run_scoped3A : memref<!tpu.dma_semaphore, #tpu.memory_space<semaphore_mem>>) src(%arg11 : memref<32x512xf32, #tpu.memory_space<vmem>>) dst(%dma_wait3A_750 : memref<32x512xf32, #tpu.memory_space<hbm>>)
      tpu.yield
    }) : () -> ()
    "tpu.region"() ({
      %run_scoped3A = tpu.sem_alloc : memref<!tpu.dma_semaphore, #tpu.memory_space<semaphore_mem>>
      %dma_start3A_743 = tpu.memref_slice %arg3[%multiple_of3A] : memref<16384xi32, #tpu.memory_space<hbm>> -> memref<512xi32, #tpu.memory_space<hbm>>
      %dma_start3A_744 = tpu.memref_slice %arg3[%multiple_of3A] : memref<16384xi32, #tpu.memory_space<hbm>> -> memref<512xi32, #tpu.memory_space<hbm>>
      tpu.enqueue_dma source(%dma_start3A_744 : memref<512xi32, #tpu.memory_space<hbm>>) target(%arg8 : memref<512xi32, #tpu.memory_space<vmem>>) target_semaphore(%run_scoped3A : memref<!tpu.dma_semaphore, #tpu.memory_space<semaphore_mem>>)
      %dma_wait3A_745 = tpu.memref_slice %arg3[%multiple_of3A] : memref<16384xi32, #tpu.memory_space<hbm>> -> memref<512xi32, #tpu.memory_space<hbm>>
      %dma_wait3A_746 = tpu.memref_slice %arg3[%multiple_of3A] : memref<16384xi32, #tpu.memory_space<hbm>> -> memref<512xi32, #tpu.memory_space<hbm>>
      tpu.wait_dma2 semaphore(%run_scoped3A : memref<!tpu.dma_semaphore, #tpu.memory_space<semaphore_mem>>) src(%dma_wait3A_746 : memref<512xi32, #tpu.memory_space<hbm>>) dst(%arg8 : memref<512xi32, #tpu.memory_space<vmem>>)
      tpu.yield
    }) : () -> ()
    %get3A_370 = arith.constant 0 : index
    %get3A_371 = tpu.vector_load %arg8[%get3A_370] {strides = array<i32>} : memref<512xi32, #tpu.memory_space<vmem>>, vector<16xi32>,
    %and3A_372 = arith.constant 131071 : i32
    %and3A_373 = vector.broadcast %and3A_372 : i32 to vector<16xi32>
    %and3A_374 = arith.andi %get3A_371, %and3A_373 : vector<16xi32>
    %swap3A_375 = arith.constant 0 : i32
    %swap3A_376 = arith.index_cast %swap3A_375 : i32 to index
    %swap3A_377 = arith.constant 0 : index
    %swap3A_378 = tpu.vector_load %arg9[%swap3A_376, %swap3A_377] {strides = array<i32>} : memref<4x128xi32, #tpu.memory_space<vmem>>, vector<16xi32>,
    tpu.vector_store %arg9[%swap3A_376, %swap3A_377], %and3A_374 {strides = array<i32>} : memref<4x128xi32, #tpu.memory_space<vmem>>, vector<16xi32>,
    %get3A_379 = arith.constant 16 : index
    %get3A_380 = tpu.vector_load %arg8[%get3A_379] {strides = array<i32>} : memref<512xi32, #tpu.memory_space<vmem>>, vector<16xi32>,
    %and3A_381 = arith.constant 131071 : i32
    %and3A_382 = vector.broadcast %and3A_381 : i32 to vector<16xi32>
    %and3A_383 = arith.andi %get3A_380, %and3A_382 : vector<16xi32>
    %swap3A_384 = arith.constant 0 : i32
    %swap3A_385 = arith.index_cast %swap3A_384 : i32 to index
    %swap3A_386 = arith.constant 16 : index
    %swap3A_387 = tpu.vector_load %arg9[%swap3A_385, %swap3A_386] {strides = array<i32>} : memref<4x128xi32, #tpu.memory_space<vmem>>, vector<16xi32>,
    tpu.vector_store %arg9[%swap3A_385, %swap3A_386], %and3A_383 {strides = array<i32>} : memref<4x128xi32, #tpu.memory_space<vmem>>, vector<16xi32>,
    %get3A_388 = arith.constant 32 : index
    %get3A_389 = tpu.vector_load %arg8[%get3A_388] {strides = array<i32>} : memref<512xi32, #tpu.memory_space<vmem>>, vector<16xi32>,
    %and3A_390 = arith.constant 131071 : i32
    %and3A_391 = vector.broadcast %and3A_390 : i32 to vector<16xi32>
    %and3A_392 = arith.andi %get3A_389, %and3A_391 : vector<16xi32>
    %swap3A_393 = arith.constant 0 : i32
    %swap3A_394 = arith.index_cast %swap3A_393 : i32 to index
    %swap3A_395 = arith.constant 32 : index
    %swap3A_396 = tpu.vector_load %arg9[%swap3A_394, %swap3A_395] {strides = array<i32>} : memref<4x128xi32, #tpu.memory_space<vmem>>, vector<16xi32>,
    tpu.vector_store %arg9[%swap3A_394, %swap3A_395], %and3A_392 {strides = array<i32>} : memref<4x128xi32, #tpu.memory_space<vmem>>, vector<16xi32>,
    %get3A_397 = arith.constant 48 : index
    %get3A_398 = tpu.vector_load %arg8[%get3A_397] {strides = array<i32>} : memref<512xi32, #tpu.memory_space<vmem>>, vector<16xi32>,
    %and3A_399 = arith.constant 131071 : i32
    %and3A_400 = vector.broadcast %and3A_399 : i32 to vector<16xi32>
    %and3A_401 = arith.andi %get3A_398, %and3A_400 : vector<16xi32>
    %swap3A_402 = arith.constant 0 : i32
    %swap3A_403 = arith.index_cast %swap3A_402 : i32 to index
    %swap3A_404 = arith.constant 48 : index
    %swap3A_405 = tpu.vector_load %arg9[%swap3A_403, %swap3A_404] {strides = array<i32>} : memref<4x128xi32, #tpu.memory_space<vmem>>, vector<16xi32>,
    tpu.vector_store %arg9[%swap3A_403, %swap3A_404], %and3A_401 {strides = array<i32>} : memref<4x128xi32, #tpu.memory_space<vmem>>, vector<16xi32>,
    %get3A_406 = arith.constant 64 : index
    %get3A_407 = tpu.vector_load %arg8[%get3A_406] {strides = array<i32>} : memref<512xi32, #tpu.memory_space<vmem>>, vector<16xi32>,
    %and3A_408 = arith.constant 131071 : i32
    %and3A_409 = vector.broadcast %and3A_408 : i32 to vector<16xi32>
    %and3A_410 = arith.andi %get3A_407, %and3A_409 : vector<16xi32>
    %swap3A_411 = arith.constant 0 : i32
    %swap3A_412 = arith.index_cast %swap3A_411 : i32 to index
    %swap3A_413 = arith.constant 64 : index
    %swap3A_414 = tpu.vector_load %arg9[%swap3A_412, %swap3A_413] {strides = array<i32>} : memref<4x128xi32, #tpu.memory_space<vmem>>, vector<16xi32>,
    tpu.vector_store %arg9[%swap3A_412, %swap3A_413], %and3A_410 {strides = array<i32>} : memref<4x128xi32, #tpu.memory_space<vmem>>, vector<16xi32>,
    %get3A_415 = arith.constant 80 : index
    %get3A_416 = tpu.vector_load %arg8[%get3A_415] {strides = array<i32>} : memref<512xi32, #tpu.memory_space<vmem>>, vector<16xi32>,
    %and3A_417 = arith.constant 131071 : i32
    %and3A_418 = vector.broadcast %and3A_417 : i32 to vector<16xi32>
    %and3A_419 = arith.andi %get3A_416, %and3A_418 : vector<16xi32>
    %swap3A_420 = arith.constant 0 : i32
    %swap3A_421 = arith.index_cast %swap3A_420 : i32 to index
    %swap3A_422 = arith.constant 80 : index
    %swap3A_423 = tpu.vector_load %arg9[%swap3A_421, %swap3A_422] {strides = array<i32>} : memref<4x128xi32, #tpu.memory_space<vmem>>, vector<16xi32>,
    tpu.vector_store %arg9[%swap3A_421, %swap3A_422], %and3A_419 {strides = array<i32>} : memref<4x128xi32, #tpu.memory_space<vmem>>, vector<16xi32>,
    %get3A_424 = arith.constant 96 : index
    %get3A_425 = tpu.vector_load %arg8[%get3A_424] {strides = array<i32>} : memref<512xi32, #tpu.memory_space<vmem>>, vector<16xi32>,
    %and3A_426 = arith.constant 131071 : i32
    %and3A_427 = vector.broadcast %and3A_426 : i32 to vector<16xi32>
    %and3A_428 = arith.andi %get3A_425, %and3A_427 : vector<16xi32>
    %swap3A_429 = arith.constant 0 : i32
    %swap3A_430 = arith.index_cast %swap3A_429 : i32 to index
    %swap3A_431 = arith.constant 96 : index
    %swap3A_432 = tpu.vector_load %arg9[%swap3A_430, %swap3A_431] {strides = array<i32>} : memref<4x128xi32, #tpu.memory_space<vmem>>, vector<16xi32>,
    tpu.vector_store %arg9[%swap3A_430, %swap3A_431], %and3A_428 {strides = array<i32>} : memref<4x128xi32, #tpu.memory_space<vmem>>, vector<16xi32>,
    %get3A_433 = arith.constant 112 : index
    %get3A_434 = tpu.vector_load %arg8[%get3A_433] {strides = array<i32>} : memref<512xi32, #tpu.memory_space<vmem>>, vector<16xi32>,
    %and3A_435 = arith.constant 131071 : i32
    %and3A_436 = vector.broadcast %and3A_435 : i32 to vector<16xi32>
    %and3A_437 = arith.andi %get3A_434, %and3A_436 : vector<16xi32>
    %swap3A_438 = arith.constant 0 : i32
    %swap3A_439 = arith.index_cast %swap3A_438 : i32 to index
    %swap3A_440 = arith.constant 112 : index
    %swap3A_441 = tpu.vector_load %arg9[%swap3A_439, %swap3A_440] {strides = array<i32>} : memref<4x128xi32, #tpu.memory_space<vmem>>, vector<16xi32>,
    tpu.vector_store %arg9[%swap3A_439, %swap3A_440], %and3A_437 {strides = array<i32>} : memref<4x128xi32, #tpu.memory_space<vmem>>, vector<16xi32>,
    %get3A_442 = arith.constant 128 : index
    %get3A_443 = tpu.vector_load %arg8[%get3A_442] {strides = array<i32>} : memref<512xi32, #tpu.memory_space<vmem>>, vector<16xi32>,
    %and3A_444 = arith.constant 131071 : i32
    %and3A_445 = vector.broadcast %and3A_444 : i32 to vector<16xi32>
    %and3A_446 = arith.andi %get3A_443, %and3A_445 : vector<16xi32>
    %swap3A_447 = arith.constant 1 : i32
    %swap3A_448 = arith.index_cast %swap3A_447 : i32 to index
    %swap3A_449 = arith.constant 0 : index
    %swap3A_450 = tpu.vector_load %arg9[%swap3A_448, %swap3A_449] {strides = array<i32>} : memref<4x128xi32, #tpu.memory_space<vmem>>, vector<16xi32>,
    tpu.vector_store %arg9[%swap3A_448, %swap3A_449], %and3A_446 {strides = array<i32>} : memref<4x128xi32, #tpu.memory_space<vmem>>, vector<16xi32>,
    %get3A_451 = arith.constant 144 : index
    %get3A_452 = tpu.vector_load %arg8[%get3A_451] {strides = array<i32>} : memref<512xi32, #tpu.memory_space<vmem>>, vector<16xi32>,
    %and3A_453 = arith.constant 131071 : i32
    %and3A_454 = vector.broadcast %and3A_453 : i32 to vector<16xi32>
    %and3A_455 = arith.andi %get3A_452, %and3A_454 : vector<16xi32>
    %swap3A_456 = arith.constant 1 : i32
    %swap3A_457 = arith.index_cast %swap3A_456 : i32 to index
    %swap3A_458 = arith.constant 16 : index
    %swap3A_459 = tpu.vector_load %arg9[%swap3A_457, %swap3A_458] {strides = array<i32>} : memref<4x128xi32, #tpu.memory_space<vmem>>, vector<16xi32>,
    tpu.vector_store %arg9[%swap3A_457, %swap3A_458], %and3A_455 {strides = array<i32>} : memref<4x128xi32, #tpu.memory_space<vmem>>, vector<16xi32>,
    %get3A_460 = arith.constant 160 : index
    %get3A_461 = tpu.vector_load %arg8[%get3A_460] {strides = array<i32>} : memref<512xi32, #tpu.memory_space<vmem>>, vector<16xi32>,
    %and3A_462 = arith.constant 131071 : i32
    %and3A_463 = vector.broadcast %and3A_462 : i32 to vector<16xi32>
    %and3A_464 = arith.andi %get3A_461, %and3A_463 : vector<16xi32>
    %swap3A_465 = arith.constant 1 : i32
    %swap3A_466 = arith.index_cast %swap3A_465 : i32 to index
    %swap3A_467 = arith.constant 32 : index
    %swap3A_468 = tpu.vector_load %arg9[%swap3A_466, %swap3A_467] {strides = array<i32>} : memref<4x128xi32, #tpu.memory_space<vmem>>, vector<16xi32>,
    tpu.vector_store %arg9[%swap3A_466, %swap3A_467], %and3A_464 {strides = array<i32>} : memref<4x128xi32, #tpu.memory_space<vmem>>, vector<16xi32>,
    %get3A_469 = arith.constant 176 : index
    %get3A_470 = tpu.vector_load %arg8[%get3A_469] {strides = array<i32>} : memref<512xi32, #tpu.memory_space<vmem>>, vector<16xi32>,
    %and3A_471 = arith.constant 131071 : i32
    %and3A_472 = vector.broadcast %and3A_471 : i32 to vector<16xi32>
    %and3A_473 = arith.andi %get3A_470, %and3A_472 : vector<16xi32>
    %swap3A_474 = arith.constant 1 : i32
    %swap3A_475 = arith.index_cast %swap3A_474 : i32 to index
    %swap3A_476 = arith.constant 48 : index
    %swap3A_477 = tpu.vector_load %arg9[%swap3A_475, %swap3A_476] {strides = array<i32>} : memref<4x128xi32, #tpu.memory_space<vmem>>, vector<16xi32>,
    tpu.vector_store %arg9[%swap3A_475, %swap3A_476], %and3A_473 {strides = array<i32>} : memref<4x128xi32, #tpu.memory_space<vmem>>, vector<16xi32>,
    %get3A_478 = arith.constant 192 : index
    %get3A_479 = tpu.vector_load %arg8[%get3A_478] {strides = array<i32>} : memref<512xi32, #tpu.memory_space<vmem>>, vector<16xi32>,
    %and3A_480 = arith.constant 131071 : i32
    %and3A_481 = vector.broadcast %and3A_480 : i32 to vector<16xi32>
    %and3A_482 = arith.andi %get3A_479, %and3A_481 : vector<16xi32>
    %swap3A_483 = arith.constant 1 : i32
    %swap3A_484 = arith.index_cast %swap3A_483 : i32 to index
    %swap3A_485 = arith.constant 64 : index
    %swap3A_486 = tpu.vector_load %arg9[%swap3A_484, %swap3A_485] {strides = array<i32>} : memref<4x128xi32, #tpu.memory_space<vmem>>, vector<16xi32>,
    tpu.vector_store %arg9[%swap3A_484, %swap3A_485], %and3A_482 {strides = array<i32>} : memref<4x128xi32, #tpu.memory_space<vmem>>, vector<16xi32>,
    %get3A_487 = arith.constant 208 : index
    %get3A_488 = tpu.vector_load %arg8[%get3A_487] {strides = array<i32>} : memref<512xi32, #tpu.memory_space<vmem>>, vector<16xi32>,
    %and3A_489 = arith.constant 131071 : i32
    %and3A_490 = vector.broadcast %and3A_489 : i32 to vector<16xi32>
    %and3A_491 = arith.andi %get3A_488, %and3A_490 : vector<16xi32>
    %swap3A_492 = arith.constant 1 : i32
    %swap3A_493 = arith.index_cast %swap3A_492 : i32 to index
    %swap3A_494 = arith.constant 80 : index
    %swap3A_495 = tpu.vector_load %arg9[%swap3A_493, %swap3A_494] {strides = array<i32>} : memref<4x128xi32, #tpu.memory_space<vmem>>, vector<16xi32>,
    tpu.vector_store %arg9[%swap3A_493, %swap3A_494], %and3A_491 {strides = array<i32>} : memref<4x128xi32, #tpu.memory_space<vmem>>, vector<16xi32>,
    %get3A_496 = arith.constant 224 : index
    %get3A_497 = tpu.vector_load %arg8[%get3A_496] {strides = array<i32>} : memref<512xi32, #tpu.memory_space<vmem>>, vector<16xi32>,
    %and3A_498 = arith.constant 131071 : i32
    %and3A_499 = vector.broadcast %and3A_498 : i32 to vector<16xi32>
    %and3A_500 = arith.andi %get3A_497, %and3A_499 : vector<16xi32>
    %swap3A_501 = arith.constant 1 : i32
    %swap3A_502 = arith.index_cast %swap3A_501 : i32 to index
    %swap3A_503 = arith.constant 96 : index
    %swap3A_504 = tpu.vector_load %arg9[%swap3A_502, %swap3A_503] {strides = array<i32>} : memref<4x128xi32, #tpu.memory_space<vmem>>, vector<16xi32>,
    tpu.vector_store %arg9[%swap3A_502, %swap3A_503], %and3A_500 {strides = array<i32>} : memref<4x128xi32, #tpu.memory_space<vmem>>, vector<16xi32>,
    %get3A_505 = arith.constant 240 : index
    %get3A_506 = tpu.vector_load %arg8[%get3A_505] {strides = array<i32>} : memref<512xi32, #tpu.memory_space<vmem>>, vector<16xi32>,
    %and3A_507 = arith.constant 131071 : i32
    %and3A_508 = vector.broadcast %and3A_507 : i32 to vector<16xi32>
    %and3A_509 = arith.andi %get3A_506, %and3A_508 : vector<16xi32>
    %swap3A_510 = arith.constant 1 : i32
    %swap3A_511 = arith.index_cast %swap3A_510 : i32 to index
    %swap3A_512 = arith.constant 112 : index
    %swap3A_513 = tpu.vector_load %arg9[%swap3A_511, %swap3A_512] {strides = array<i32>} : memref<4x128xi32, #tpu.memory_space<vmem>>, vector<16xi32>,
    tpu.vector_store %arg9[%swap3A_511, %swap3A_512], %and3A_509 {strides = array<i32>} : memref<4x128xi32, #tpu.memory_space<vmem>>, vector<16xi32>,
    %get3A_514 = arith.constant 256 : index
    %get3A_515 = tpu.vector_load %arg8[%get3A_514] {strides = array<i32>} : memref<512xi32, #tpu.memory_space<vmem>>, vector<16xi32>,
    %and3A_516 = arith.constant 131071 : i32
    %and3A_517 = vector.broadcast %and3A_516 : i32 to vector<16xi32>
    %and3A_518 = arith.andi %get3A_515, %and3A_517 : vector<16xi32>
    %swap3A_519 = arith.constant 2 : i32
    %swap3A_520 = arith.index_cast %swap3A_519 : i32 to index
    %swap3A_521 = arith.constant 0 : index
    %swap3A_522 = tpu.vector_load %arg9[%swap3A_520, %swap3A_521] {strides = array<i32>} : memref<4x128xi32, #tpu.memory_space<vmem>>, vector<16xi32>,
    tpu.vector_store %arg9[%swap3A_520, %swap3A_521], %and3A_518 {strides = array<i32>} : memref<4x128xi32, #tpu.memory_space<vmem>>, vector<16xi32>,
    %get3A_523 = arith.constant 272 : index
    %get3A_524 = tpu.vector_load %arg8[%get3A_523] {strides = array<i32>} : memref<512xi32, #tpu.memory_space<vmem>>, vector<16xi32>,
    %and3A_525 = arith.constant 131071 : i32
    %and3A_526 = vector.broadcast %and3A_525 : i32 to vector<16xi32>
    %and3A_527 = arith.andi %get3A_524, %and3A_526 : vector<16xi32>
    %swap3A_528 = arith.constant 2 : i32
    %swap3A_529 = arith.index_cast %swap3A_528 : i32 to index
    %swap3A_530 = arith.constant 16 : index
    %swap3A_531 = tpu.vector_load %arg9[%swap3A_529, %swap3A_530] {strides = array<i32>} : memref<4x128xi32, #tpu.memory_space<vmem>>, vector<16xi32>,
    tpu.vector_store %arg9[%swap3A_529, %swap3A_530], %and3A_527 {strides = array<i32>} : memref<4x128xi32, #tpu.memory_space<vmem>>, vector<16xi32>,
    %get3A_532 = arith.constant 288 : index
    %get3A_533 = tpu.vector_load %arg8[%get3A_532] {strides = array<i32>} : memref<512xi32, #tpu.memory_space<vmem>>, vector<16xi32>,
    %and3A_534 = arith.constant 131071 : i32
    %and3A_535 = vector.broadcast %and3A_534 : i32 to vector<16xi32>
    %and3A_536 = arith.andi %get3A_533, %and3A_535 : vector<16xi32>
    %swap3A_537 = arith.constant 2 : i32
    %swap3A_538 = arith.index_cast %swap3A_537 : i32 to index
    %swap3A_539 = arith.constant 32 : index
    %swap3A_540 = tpu.vector_load %arg9[%swap3A_538, %swap3A_539] {strides = array<i32>} : memref<4x128xi32, #tpu.memory_space<vmem>>, vector<16xi32>,
    tpu.vector_store %arg9[%swap3A_538, %swap3A_539], %and3A_536 {strides = array<i32>} : memref<4x128xi32, #tpu.memory_space<vmem>>, vector<16xi32>,
    %get3A_541 = arith.constant 304 : index
    %get3A_542 = tpu.vector_load %arg8[%get3A_541] {strides = array<i32>} : memref<512xi32, #tpu.memory_space<vmem>>, vector<16xi32>,
    %and3A_543 = arith.constant 131071 : i32
    %and3A_544 = vector.broadcast %and3A_543 : i32 to vector<16xi32>
    %and3A_545 = arith.andi %get3A_542, %and3A_544 : vector<16xi32>
    %swap3A_546 = arith.constant 2 : i32
    %swap3A_547 = arith.index_cast %swap3A_546 : i32 to index
    %swap3A_548 = arith.constant 48 : index
    %swap3A_549 = tpu.vector_load %arg9[%swap3A_547, %swap3A_548] {strides = array<i32>} : memref<4x128xi32, #tpu.memory_space<vmem>>, vector<16xi32>,
    tpu.vector_store %arg9[%swap3A_547, %swap3A_548], %and3A_545 {strides = array<i32>} : memref<4x128xi32, #tpu.memory_space<vmem>>, vector<16xi32>,
    %get3A_550 = arith.constant 320 : index
    %get3A_551 = tpu.vector_load %arg8[%get3A_550] {strides = array<i32>} : memref<512xi32, #tpu.memory_space<vmem>>, vector<16xi32>,
    %and3A_552 = arith.constant 131071 : i32
    %and3A_553 = vector.broadcast %and3A_552 : i32 to vector<16xi32>
    %and3A_554 = arith.andi %get3A_551, %and3A_553 : vector<16xi32>
    %swap3A_555 = arith.constant 2 : i32
    %swap3A_556 = arith.index_cast %swap3A_555 : i32 to index
    %swap3A_557 = arith.constant 64 : index
    %swap3A_558 = tpu.vector_load %arg9[%swap3A_556, %swap3A_557] {strides = array<i32>} : memref<4x128xi32, #tpu.memory_space<vmem>>, vector<16xi32>,
    tpu.vector_store %arg9[%swap3A_556, %swap3A_557], %and3A_554 {strides = array<i32>} : memref<4x128xi32, #tpu.memory_space<vmem>>, vector<16xi32>,
    %get3A_559 = arith.constant 336 : index
    %get3A_560 = tpu.vector_load %arg8[%get3A_559] {strides = array<i32>} : memref<512xi32, #tpu.memory_space<vmem>>, vector<16xi32>,
    %and3A_561 = arith.constant 131071 : i32
    %and3A_562 = vector.broadcast %and3A_561 : i32 to vector<16xi32>
    %and3A_563 = arith.andi %get3A_560, %and3A_562 : vector<16xi32>
    %swap3A_564 = arith.constant 2 : i32
    %swap3A_565 = arith.index_cast %swap3A_564 : i32 to index
    %swap3A_566 = arith.constant 80 : index
    %swap3A_567 = tpu.vector_load %arg9[%swap3A_565, %swap3A_566] {strides = array<i32>} : memref<4x128xi32, #tpu.memory_space<vmem>>, vector<16xi32>,
    tpu.vector_store %arg9[%swap3A_565, %swap3A_566], %and3A_563 {strides = array<i32>} : memref<4x128xi32, #tpu.memory_space<vmem>>, vector<16xi32>,
    %get3A_568 = arith.constant 352 : index
    %get3A_569 = tpu.vector_load %arg8[%get3A_568] {strides = array<i32>} : memref<512xi32, #tpu.memory_space<vmem>>, vector<16xi32>,
    %and3A_570 = arith.constant 131071 : i32
    %and3A_571 = vector.broadcast %and3A_570 : i32 to vector<16xi32>
    %and3A_572 = arith.andi %get3A_569, %and3A_571 : vector<16xi32>
    %swap3A_573 = arith.constant 2 : i32
    %swap3A_574 = arith.index_cast %swap3A_573 : i32 to index
    %swap3A_575 = arith.constant 96 : index
    %swap3A_576 = tpu.vector_load %arg9[%swap3A_574, %swap3A_575] {strides = array<i32>} : memref<4x128xi32, #tpu.memory_space<vmem>>, vector<16xi32>,
    tpu.vector_store %arg9[%swap3A_574, %swap3A_575], %and3A_572 {strides = array<i32>} : memref<4x128xi32, #tpu.memory_space<vmem>>, vector<16xi32>,
    %get3A_577 = arith.constant 368 : index
    %get3A_578 = tpu.vector_load %arg8[%get3A_577] {strides = array<i32>} : memref<512xi32, #tpu.memory_space<vmem>>, vector<16xi32>,
    %and3A_579 = arith.constant 131071 : i32
    %and3A_580 = vector.broadcast %and3A_579 : i32 to vector<16xi32>
    %and3A_581 = arith.andi %get3A_578, %and3A_580 : vector<16xi32>
    %swap3A_582 = arith.constant 2 : i32
    %swap3A_583 = arith.index_cast %swap3A_582 : i32 to index
    %swap3A_584 = arith.constant 112 : index
    %swap3A_585 = tpu.vector_load %arg9[%swap3A_583, %swap3A_584] {strides = array<i32>} : memref<4x128xi32, #tpu.memory_space<vmem>>, vector<16xi32>,
    tpu.vector_store %arg9[%swap3A_583, %swap3A_584], %and3A_581 {strides = array<i32>} : memref<4x128xi32, #tpu.memory_space<vmem>>, vector<16xi32>,
    %get3A_586 = arith.constant 384 : index
    %get3A_587 = tpu.vector_load %arg8[%get3A_586] {strides = array<i32>} : memref<512xi32, #tpu.memory_space<vmem>>, vector<16xi32>,
    %and3A_588 = arith.constant 131071 : i32
    %and3A_589 = vector.broadcast %and3A_588 : i32 to vector<16xi32>
    %and3A_590 = arith.andi %get3A_587, %and3A_589 : vector<16xi32>
    %swap3A_591 = arith.constant 3 : i32
    %swap3A_592 = arith.index_cast %swap3A_591 : i32 to index
    %swap3A_593 = arith.constant 0 : index
    %swap3A_594 = tpu.vector_load %arg9[%swap3A_592, %swap3A_593] {strides = array<i32>} : memref<4x128xi32, #tpu.memory_space<vmem>>, vector<16xi32>,
    tpu.vector_store %arg9[%swap3A_592, %swap3A_593], %and3A_590 {strides = array<i32>} : memref<4x128xi32, #tpu.memory_space<vmem>>, vector<16xi32>,
    %get3A_595 = arith.constant 400 : index
    %get3A_596 = tpu.vector_load %arg8[%get3A_595] {strides = array<i32>} : memref<512xi32, #tpu.memory_space<vmem>>, vector<16xi32>,
    %and3A_597 = arith.constant 131071 : i32
    %and3A_598 = vector.broadcast %and3A_597 : i32 to vector<16xi32>
    %and3A_599 = arith.andi %get3A_596, %and3A_598 : vector<16xi32>
    %swap3A_600 = arith.constant 3 : i32
    %swap3A_601 = arith.index_cast %swap3A_600 : i32 to index
    %swap3A_602 = arith.constant 16 : index
    %swap3A_603 = tpu.vector_load %arg9[%swap3A_601, %swap3A_602] {strides = array<i32>} : memref<4x128xi32, #tpu.memory_space<vmem>>, vector<16xi32>,
    tpu.vector_store %arg9[%swap3A_601, %swap3A_602], %and3A_599 {strides = array<i32>} : memref<4x128xi32, #tpu.memory_space<vmem>>, vector<16xi32>,
    %get3A_604 = arith.constant 416 : index
    %get3A_605 = tpu.vector_load %arg8[%get3A_604] {strides = array<i32>} : memref<512xi32, #tpu.memory_space<vmem>>, vector<16xi32>,
    %and3A_606 = arith.constant 131071 : i32
    %and3A_607 = vector.broadcast %and3A_606 : i32 to vector<16xi32>
    %and3A_608 = arith.andi %get3A_605, %and3A_607 : vector<16xi32>
    %swap3A_609 = arith.constant 3 : i32
    %swap3A_610 = arith.index_cast %swap3A_609 : i32 to index
    %swap3A_611 = arith.constant 32 : index
    %swap3A_612 = tpu.vector_load %arg9[%swap3A_610, %swap3A_611] {strides = array<i32>} : memref<4x128xi32, #tpu.memory_space<vmem>>, vector<16xi32>,
    tpu.vector_store %arg9[%swap3A_610, %swap3A_611], %and3A_608 {strides = array<i32>} : memref<4x128xi32, #tpu.memory_space<vmem>>, vector<16xi32>,
    %get3A_613 = arith.constant 432 : index
    %get3A_614 = tpu.vector_load %arg8[%get3A_613] {strides = array<i32>} : memref<512xi32, #tpu.memory_space<vmem>>, vector<16xi32>,
    %and3A_615 = arith.constant 131071 : i32
    %and3A_616 = vector.broadcast %and3A_615 : i32 to vector<16xi32>
    %and3A_617 = arith.andi %get3A_614, %and3A_616 : vector<16xi32>
    %swap3A_618 = arith.constant 3 : i32
    %swap3A_619 = arith.index_cast %swap3A_618 : i32 to index
    %swap3A_620 = arith.constant 48 : index
    %swap3A_621 = tpu.vector_load %arg9[%swap3A_619, %swap3A_620] {strides = array<i32>} : memref<4x128xi32, #tpu.memory_space<vmem>>, vector<16xi32>,
    tpu.vector_store %arg9[%swap3A_619, %swap3A_620], %and3A_617 {strides = array<i32>} : memref<4x128xi32, #tpu.memory_space<vmem>>, vector<16xi32>,
    %get3A_622 = arith.constant 448 : index
    %get3A_623 = tpu.vector_load %arg8[%get3A_622] {strides = array<i32>} : memref<512xi32, #tpu.memory_space<vmem>>, vector<16xi32>,
    %and3A_624 = arith.constant 131071 : i32
    %and3A_625 = vector.broadcast %and3A_624 : i32 to vector<16xi32>
    %and3A_626 = arith.andi %get3A_623, %and3A_625 : vector<16xi32>
    %swap3A_627 = arith.constant 3 : i32
    %swap3A_628 = arith.index_cast %swap3A_627 : i32 to index
    %swap3A_629 = arith.constant 64 : index
    %swap3A_630 = tpu.vector_load %arg9[%swap3A_628, %swap3A_629] {strides = array<i32>} : memref<4x128xi32, #tpu.memory_space<vmem>>, vector<16xi32>,
    tpu.vector_store %arg9[%swap3A_628, %swap3A_629], %and3A_626 {strides = array<i32>} : memref<4x128xi32, #tpu.memory_space<vmem>>, vector<16xi32>,
    %get3A_631 = arith.constant 464 : index
    %get3A_632 = tpu.vector_load %arg8[%get3A_631] {strides = array<i32>} : memref<512xi32, #tpu.memory_space<vmem>>, vector<16xi32>,
    %and3A_633 = arith.constant 131071 : i32
    %and3A_634 = vector.broadcast %and3A_633 : i32 to vector<16xi32>
    %and3A_635 = arith.andi %get3A_632, %and3A_634 : vector<16xi32>
    %swap3A_636 = arith.constant 3 : i32
    %swap3A_637 = arith.index_cast %swap3A_636 : i32 to index
    %swap3A_638 = arith.constant 80 : index
    %swap3A_639 = tpu.vector_load %arg9[%swap3A_637, %swap3A_638] {strides = array<i32>} : memref<4x128xi32, #tpu.memory_space<vmem>>, vector<16xi32>,
    tpu.vector_store %arg9[%swap3A_637, %swap3A_638], %and3A_635 {strides = array<i32>} : memref<4x128xi32, #tpu.memory_space<vmem>>, vector<16xi32>,
    %get3A_640 = arith.constant 480 : index
    %get3A_641 = tpu.vector_load %arg8[%get3A_640] {strides = array<i32>} : memref<512xi32, #tpu.memory_space<vmem>>, vector<16xi32>,
    %and3A_642 = arith.constant 131071 : i32
    %and3A_643 = vector.broadcast %and3A_642 : i32 to vector<16xi32>
    %and3A_644 = arith.andi %get3A_641, %and3A_643 : vector<16xi32>
    %swap3A_645 = arith.constant 3 : i32
    %swap3A_646 = arith.index_cast %swap3A_645 : i32 to index
    %swap3A_647 = arith.constant 96 : index
    %swap3A_648 = tpu.vector_load %arg9[%swap3A_646, %swap3A_647] {strides = array<i32>} : memref<4x128xi32, #tpu.memory_space<vmem>>, vector<16xi32>,
    tpu.vector_store %arg9[%swap3A_646, %swap3A_647], %and3A_644 {strides = array<i32>} : memref<4x128xi32, #tpu.memory_space<vmem>>, vector<16xi32>,
    %get3A_649 = arith.constant 496 : index
    %get3A_650 = tpu.vector_load %arg8[%get3A_649] {strides = array<i32>} : memref<512xi32, #tpu.memory_space<vmem>>, vector<16xi32>,
    %and3A_651 = arith.constant 131071 : i32
    %and3A_652 = vector.broadcast %and3A_651 : i32 to vector<16xi32>
    %and3A_653 = arith.andi %get3A_650, %and3A_652 : vector<16xi32>
    %swap3A_654 = arith.constant 3 : i32
    %swap3A_655 = arith.index_cast %swap3A_654 : i32 to index
    %swap3A_656 = arith.constant 112 : index
    %swap3A_657 = tpu.vector_load %arg9[%swap3A_655, %swap3A_656] {strides = array<i32>} : memref<4x128xi32, #tpu.memory_space<vmem>>, vector<16xi32>,
    tpu.vector_store %arg9[%swap3A_655, %swap3A_656], %and3A_653 {strides = array<i32>} : memref<4x128xi32, #tpu.memory_space<vmem>>, vector<16xi32>,
    %dma_start3A_658 = arith.constant 0 : i32
    %dma_start3A_659 = arith.constant 0 : i32
    %dma_start3A_660 = arith.constant 0 : i32
    %dma_start3A_661 = tpu.memref_slice %arg10[%dma_start3A_659, %dma_start3A_660] : memref<512x128xf32, #tpu.memory_space<vmem>> -> memref<128x128xf32, #tpu.memory_space<vmem>>
    %dma_start3A_662 = arith.constant 0 : i32
    %dma_start3A_663 = tpu.memref_slice %arg9[%dma_start3A_658, %dma_start3A_662] : memref<4x128xi32, #tpu.memory_space<vmem>> -> memref<1x128xi32, #tpu.memory_space<vmem>>
    %dma_start3A_664 = tpu.memref_squeeze %dma_start3A_663 : memref<1x128xi32, #tpu.memory_space<vmem>> -> memref<128xi32, #tpu.memory_space<vmem>>
    %dma_start3A_665 = arith.constant 0 : i32
    %dma_start3A_666 = arith.constant 0 : i32
    %dma_start3A_667 = tpu.memref_slice %arg5[%dma_start3A_665, %dma_start3A_666] : memref<131072x128xf32, #tpu.memory_space<hbm>> -> memref<131072x128xf32, #tpu.memory_space<hbm>>
    tpu.enqueue_indirect_dma source(%dma_start3A_667 : memref<131072x128xf32, #tpu.memory_space<hbm>>) target(%dma_start3A_661 : memref<128x128xf32, #tpu.memory_space<vmem>>) offsets(%dma_start3A_664 : memref<128xi32, #tpu.memory_space<vmem>>) semaphore(%arg12 : memref<!tpu.dma_semaphore, #tpu.memory_space<semaphore_mem>>)
    %dma_start3A_668 = arith.constant 1 : i32
    %dma_start3A_669 = arith.constant 128 : i32
    %dma_start3A_670 = arith.constant 0 : i32
    %dma_start3A_671 = tpu.memref_slice %arg10[%dma_start3A_669, %dma_start3A_670] : memref<512x128xf32, #tpu.memory_space<vmem>> -> memref<128x128xf32, #tpu.memory_space<vmem>>
    %dma_start3A_672 = arith.constant 0 : i32
    %dma_start3A_673 = tpu.memref_slice %arg9[%dma_start3A_668, %dma_start3A_672] : memref<4x128xi32, #tpu.memory_space<vmem>> -> memref<1x128xi32, #tpu.memory_space<vmem>>
    %dma_start3A_674 = tpu.memref_squeeze %dma_start3A_673 : memref<1x128xi32, #tpu.memory_space<vmem>> -> memref<128xi32, #tpu.memory_space<vmem>>
    %dma_start3A_675 = arith.constant 0 : i32
    %dma_start3A_676 = arith.constant 0 : i32
    %dma_start3A_677 = tpu.memref_slice %arg5[%dma_start3A_675, %dma_start3A_676] : memref<131072x128xf32, #tpu.memory_space<hbm>> -> memref<131072x128xf32, #tpu.memory_space<hbm>>
    tpu.enqueue_indirect_dma source(%dma_start3A_677 : memref<131072x128xf32, #tpu.memory_space<hbm>>) target(%dma_start3A_671 : memref<128x128xf32, #tpu.memory_space<vmem>>) offsets(%dma_start3A_674 : memref<128xi32, #tpu.memory_space<vmem>>) semaphore(%arg12 : memref<!tpu.dma_semaphore, #tpu.memory_space<semaphore_mem>>)
    %dma_start3A_678 = arith.constant 2 : i32
    %dma_start3A_679 = arith.constant 256 : i32
    %dma_start3A_680 = arith.constant 0 : i32
    %dma_start3A_681 = tpu.memref_slice %arg10[%dma_start3A_679, %dma_start3A_680] : memref<512x128xf32, #tpu.memory_space<vmem>> -> memref<128x128xf32, #tpu.memory_space<vmem>>
    %dma_start3A_682 = arith.constant 0 : i32
    %dma_start3A_683 = tpu.memref_slice %arg9[%dma_start3A_678, %dma_start3A_682] : memref<4x128xi32, #tpu.memory_space<vmem>> -> memref<1x128xi32, #tpu.memory_space<vmem>>
    %dma_start3A_684 = tpu.memref_squeeze %dma_start3A_683 : memref<1x128xi32, #tpu.memory_space<vmem>> -> memref<128xi32, #tpu.memory_space<vmem>>
    %dma_start3A_685 = arith.constant 0 : i32
    %dma_start3A_686 = arith.constant 0 : i32
    %dma_start3A_687 = tpu.memref_slice %arg5[%dma_start3A_685, %dma_start3A_686] : memref<131072x128xf32, #tpu.memory_space<hbm>> -> memref<131072x128xf32, #tpu.memory_space<hbm>>
    tpu.enqueue_indirect_dma source(%dma_start3A_687 : memref<131072x128xf32, #tpu.memory_space<hbm>>) target(%dma_start3A_681 : memref<128x128xf32, #tpu.memory_space<vmem>>) offsets(%dma_start3A_684 : memref<128xi32, #tpu.memory_space<vmem>>) semaphore(%arg12 : memref<!tpu.dma_semaphore, #tpu.memory_space<semaphore_mem>>)
    %dma_start3A_688 = arith.constant 3 : i32
    %dma_start3A_689 = arith.constant 384 : i32
    %dma_start3A_690 = arith.constant 0 : i32
    %dma_start3A_691 = tpu.memref_slice %arg10[%dma_start3A_689, %dma_start3A_690] : memref<512x128xf32, #tpu.memory_space<vmem>> -> memref<128x128xf32, #tpu.memory_space<vmem>>
    %dma_start3A_692 = arith.constant 0 : i32
    %dma_start3A_693 = tpu.memref_slice %arg9[%dma_start3A_688, %dma_start3A_692] : memref<4x128xi32, #tpu.memory_space<vmem>> -> memref<1x128xi32, #tpu.memory_space<vmem>>
    %dma_start3A_694 = tpu.memref_squeeze %dma_start3A_693 : memref<1x128xi32, #tpu.memory_space<vmem>> -> memref<128xi32, #tpu.memory_space<vmem>>
    %dma_start3A_695 = arith.constant 0 : i32
    %dma_start3A_696 = arith.constant 0 : i32
    %dma_start3A_697 = tpu.memref_slice %arg5[%dma_start3A_695, %dma_start3A_696] : memref<131072x128xf32, #tpu.memory_space<hbm>> -> memref<131072x128xf32, #tpu.memory_space<hbm>>
    tpu.enqueue_indirect_dma source(%dma_start3A_697 : memref<131072x128xf32, #tpu.memory_space<hbm>>) target(%dma_start3A_691 : memref<128x128xf32, #tpu.memory_space<vmem>>) offsets(%dma_start3A_694 : memref<128xi32, #tpu.memory_space<vmem>>) semaphore(%arg12 : memref<!tpu.dma_semaphore, #tpu.memory_space<semaphore_mem>>)
    %dma_wait3A_698 = arith.constant 0 : i32
    %dma_wait3A_699 = arith.constant 0 : i32
    %dma_wait3A_700 = arith.constant 0 : i32
    %dma_wait3A_701 = tpu.memref_slice %arg10[%dma_wait3A_699, %dma_wait3A_700] : memref<512x128xf32, #tpu.memory_space<vmem>> -> memref<128x128xf32, #tpu.memory_space<vmem>>
    %dma_wait3A_702 = arith.constant 0 : i32
    %dma_wait3A_703 = tpu.memref_slice %arg9[%dma_wait3A_698, %dma_wait3A_702] : memref<4x128xi32, #tpu.memory_space<vmem>> -> memref<1x128xi32, #tpu.memory_space<vmem>>
    %dma_wait3A_704 = tpu.memref_squeeze %dma_wait3A_703 : memref<1x128xi32, #tpu.memory_space<vmem>> -> memref<128xi32, #tpu.memory_space<vmem>>
    %dma_wait3A_705 = arith.constant 0 : i32
    %dma_wait3A_706 = arith.constant 0 : i32
    %dma_wait3A_707 = tpu.memref_slice %arg5[%dma_wait3A_705, %dma_wait3A_706] : memref<131072x128xf32, #tpu.memory_space<hbm>> -> memref<131072x128xf32, #tpu.memory_space<hbm>>
    tpu.wait_indirect_dma semaphore(%arg12 : memref<!tpu.dma_semaphore, #tpu.memory_space<semaphore_mem>>) src(%dma_wait3A_707 : memref<131072x128xf32, #tpu.memory_space<hbm>>) dst(%dma_wait3A_701 : memref<128x128xf32, #tpu.memory_space<vmem>>)
    %dma_wait3A_708 = arith.constant 1 : i32
    %dma_wait3A_709 = arith.constant 128 : i32
    %dma_wait3A_710 = arith.constant 0 : i32
    %dma_wait3A_711 = tpu.memref_slice %arg10[%dma_wait3A_709, %dma_wait3A_710] : memref<512x128xf32, #tpu.memory_space<vmem>> -> memref<128x128xf32, #tpu.memory_space<vmem>>
    %dma_wait3A_712 = arith.constant 0 : i32
    %dma_wait3A_713 = tpu.memref_slice %arg9[%dma_wait3A_708, %dma_wait3A_712] : memref<4x128xi32, #tpu.memory_space<vmem>> -> memref<1x128xi32, #tpu.memory_space<vmem>>
    %dma_wait3A_714 = tpu.memref_squeeze %dma_wait3A_713 : memref<1x128xi32, #tpu.memory_space<vmem>> -> memref<128xi32, #tpu.memory_space<vmem>>
    %dma_wait3A_715 = arith.constant 0 : i32
    %dma_wait3A_716 = arith.constant 0 : i32
    %dma_wait3A_717 = tpu.memref_slice %arg5[%dma_wait3A_715, %dma_wait3A_716] : memref<131072x128xf32, #tpu.memory_space<hbm>> -> memref<131072x128xf32, #tpu.memory_space<hbm>>
    tpu.wait_indirect_dma semaphore(%arg12 : memref<!tpu.dma_semaphore, #tpu.memory_space<semaphore_mem>>) src(%dma_wait3A_717 : memref<131072x128xf32, #tpu.memory_space<hbm>>) dst(%dma_wait3A_711 : memref<128x128xf32, #tpu.memory_space<vmem>>)
    %dma_wait3A_718 = arith.constant 2 : i32
    %dma_wait3A_719 = arith.constant 256 : i32
    %dma_wait3A_720 = arith.constant 0 : i32
    %dma_wait3A_721 = tpu.memref_slice %arg10[%dma_wait3A_719, %dma_wait3A_720] : memref<512x128xf32, #tpu.memory_space<vmem>> -> memref<128x128xf32, #tpu.memory_space<vmem>>
    %dma_wait3A_722 = arith.constant 0 : i32
    %dma_wait3A_723 = tpu.memref_slice %arg9[%dma_wait3A_718, %dma_wait3A_722] : memref<4x128xi32, #tpu.memory_space<vmem>> -> memref<1x128xi32, #tpu.memory_space<vmem>>
    %dma_wait3A_724 = tpu.memref_squeeze %dma_wait3A_723 : memref<1x128xi32, #tpu.memory_space<vmem>> -> memref<128xi32, #tpu.memory_space<vmem>>
    %dma_wait3A_725 = arith.constant 0 : i32
    %dma_wait3A_726 = arith.constant 0 : i32
    %dma_wait3A_727 = tpu.memref_slice %arg5[%dma_wait3A_725, %dma_wait3A_726] : memref<131072x128xf32, #tpu.memory_space<hbm>> -> memref<131072x128xf32, #tpu.memory_space<hbm>>
    tpu.wait_indirect_dma semaphore(%arg12 : memref<!tpu.dma_semaphore, #tpu.memory_space<semaphore_mem>>) src(%dma_wait3A_727 : memref<131072x128xf32, #tpu.memory_space<hbm>>) dst(%dma_wait3A_721 : memref<128x128xf32, #tpu.memory_space<vmem>>)
    %dma_wait3A_728 = arith.constant 3 : i32
    %dma_wait3A_729 = arith.constant 384 : i32
    %dma_wait3A_730 = arith.constant 0 : i32
    %dma_wait3A_731 = tpu.memref_slice %arg10[%dma_wait3A_729, %dma_wait3A_730] : memref<512x128xf32, #tpu.memory_space<vmem>> -> memref<128x128xf32, #tpu.memory_space<vmem>>
    %dma_wait3A_732 = arith.constant 0 : i32
    %dma_wait3A_733 = tpu.memref_slice %arg9[%dma_wait3A_728, %dma_wait3A_732] : memref<4x128xi32, #tpu.memory_space<vmem>> -> memref<1x128xi32, #tpu.memory_space<vmem>>
    %dma_wait3A_734 = tpu.memref_squeeze %dma_wait3A_733 : memref<1x128xi32, #tpu.memory_space<vmem>> -> memref<128xi32, #tpu.memory_space<vmem>>
    %dma_wait3A_735 = arith.constant 0 : i32
    %dma_wait3A_736 = arith.constant 0 : i32
    %dma_wait3A_737 = tpu.memref_slice %arg5[%dma_wait3A_735, %dma_wait3A_736] : memref<131072x128xf32, #tpu.memory_space<hbm>> -> memref<131072x128xf32, #tpu.memory_space<hbm>>
    tpu.wait_indirect_dma semaphore(%arg12 : memref<!tpu.dma_semaphore, #tpu.memory_space<semaphore_mem>>) src(%dma_wait3A_737 : memref<131072x128xf32, #tpu.memory_space<hbm>>) dst(%dma_wait3A_731 : memref<128x128xf32, #tpu.memory_space<vmem>>)
    %scan3A_738 = arith.constant 0 : i32
    %scan3A_739 = arith.constant 32 : i32
    %scan3A_740 = arith.addi %scan3A_738, %scan3A_739 : i32
    %scan3A_741 = arith.constant 1 : i32
    scf.for %scan3A_743 = %scan3A_738 to %scan3A_740 step %scan3A_741  : i32 {
      %mul3A_744 = arith.constant 16 : i32
      %mul3A_745 = arith.muli %scan3A_743, %mul3A_744 : i32
      %add3A_746 = vector.broadcast %mul3A_745 : i32 to vector<16xi32>
      %add3A_747 = arith.addi %add3A_746, %iota3A : vector<16xi32>
      %mul3A_748 = arith.constant 16 : i32
      %mul3A_749 = arith.muli %scan3A_743, %mul3A_748 : i32
      %get3A_750 = arith.index_cast %mul3A_749 : i32 to index
      %get3A_751 = tpu.vector_load %arg8[%get3A_750] {strides = array<i32>} : memref<512xi32, #tpu.memory_space<vmem>>, vector<16xi32>,
      %shift_right_logical3A = arith.constant 17 : i32
      %shift_right_logical3A_752 = vector.broadcast %shift_right_logical3A : i32 to vector<16xi32>
      %shift_right_logical3A_753 = arith.shrui %get3A_751, %shift_right_logical3A_752 : vector<16xi32>
      %mul3A_754 = arith.constant 16 : i32
      %mul3A_755 = vector.broadcast %mul3A_754 : i32 to vector<16xi32>
      %mul3A_756 = arith.muli %shift_right_logical3A_753, %mul3A_755 : vector<16xi32>
      %add3A_757 = arith.constant 0 : i32
      %add3A_758 = vector.broadcast %add3A_757 : i32 to vector<16xi32>
      %add3A_759 = arith.addi %mul3A_756, %add3A_758 : vector<16xi32>
      %gather3A = tpu.vector_load_idx %arg10[%add3A_747, %add3A_759] : memref<512x128xf32, #tpu.memory_space<vmem>>[vector<16xi32>, vector<16xi32>], vector<16xf32>,
      %bitcast_convert_type3A = tpu.bitcast %gather3A : vector<16xf32> -> vector<16xi32>
      %shift_left3A = arith.constant 16 : i32
      %shift_left3A_760 = vector.broadcast %shift_left3A : i32 to vector<16xi32>
      %shift_left3A_761 = arith.shli %bitcast_convert_type3A, %shift_left3A_760 : vector<16xi32>
      %bitcast_convert_type3A_762 = tpu.bitcast %shift_left3A_761 : vector<16xi32> -> vector<16xf32>
      %and3A_763 = arith.constant -65536 : i32
      %and3A_764 = vector.broadcast %and3A_763 : i32 to vector<16xi32>
      %and3A_765 = arith.andi %bitcast_convert_type3A, %and3A_764 : vector<16xi32>
      %bitcast_convert_type3A_766 = tpu.bitcast %and3A_765 : vector<16xi32> -> vector<16xf32>
      %mul3A_767 = arith.constant 16 : i32
      %mul3A_768 = arith.muli %scan3A_743, %mul3A_767 : i32
      %swap3A_769 = arith.constant 0 : i32
      %swap3A_770 = arith.index_cast %swap3A_769 : i32 to index
      %swap3A_771 = arith.index_cast %mul3A_768 : i32 to index
      %swap3A_772 = tpu.vector_load %arg11[%swap3A_770, %swap3A_771] {strides = array<i32>} : memref<32x512xf32, #tpu.memory_space<vmem>>, vector<16xf32>,
      tpu.vector_store %arg11[%swap3A_770, %swap3A_771], %bitcast_convert_type3A_762 {strides = array<i32>} : memref<32x512xf32, #tpu.memory_space<vmem>>, vector<16xf32>,
      %mul3A_773 = arith.constant 16 : i32
      %mul3A_774 = arith.muli %scan3A_743, %mul3A_773 : i32
      %swap3A_775 = arith.constant 16 : i32
      %swap3A_776 = arith.index_cast %swap3A_775 : i32 to index
      %swap3A_777 = arith.index_cast %mul3A_774 : i32 to index
      %swap3A_778 = tpu.vector_load %arg11[%swap3A_776, %swap3A_777] {strides = array<i32>} : memref<32x512xf32, #tpu.memory_space<vmem>>, vector<16xf32>,
      tpu.vector_store %arg11[%swap3A_776, %swap3A_777], %bitcast_convert_type3A_766 {strides = array<i32>} : memref<32x512xf32, #tpu.memory_space<vmem>>, vector<16xf32>,
      %add3A_779 = arith.constant 1 : i32
      %add3A_780 = vector.broadcast %add3A_779 : i32 to vector<16xi32>
      %add3A_781 = arith.addi %mul3A_756, %add3A_780 : vector<16xi32>
      %gather3A_782 = tpu.vector_load_idx %arg10[%add3A_747, %add3A_781] : memref<512x128xf32, #tpu.memory_space<vmem>>[vector<16xi32>, vector<16xi32>], vector<16xf32>,
      %bitcast_convert_type3A_783 = tpu.bitcast %gather3A_782 : vector<16xf32> -> vector<16xi32>
      %shift_left3A_784 = arith.constant 16 : i32
      %shift_left3A_785 = vector.broadcast %shift_left3A_784 : i32 to vector<16xi32>
      %shift_left3A_786 = arith.shli %bitcast_convert_type3A_783, %shift_left3A_785 : vector<16xi32>
      %bitcast_convert_type3A_787 = tpu.bitcast %shift_left3A_786 : vector<16xi32> -> vector<16xf32>
      %and3A_788 = arith.constant -65536 : i32
      %and3A_789 = vector.broadcast %and3A_788 : i32 to vector<16xi32>
      %and3A_790 = arith.andi %bitcast_convert_type3A_783, %and3A_789 : vector<16xi32>
      %bitcast_convert_type3A_791 = tpu.bitcast %and3A_790 : vector<16xi32> -> vector<16xf32>
      %mul3A_792 = arith.constant 16 : i32
      %mul3A_793 = arith.muli %scan3A_743, %mul3A_792 : i32
      %swap3A_794 = arith.constant 1 : i32
      %swap3A_795 = arith.index_cast %swap3A_794 : i32 to index
      %swap3A_796 = arith.index_cast %mul3A_793 : i32 to index
      %swap3A_797 = tpu.vector_load %arg11[%swap3A_795, %swap3A_796] {strides = array<i32>} : memref<32x512xf32, #tpu.memory_space<vmem>>, vector<16xf32>,
      tpu.vector_store %arg11[%swap3A_795, %swap3A_796], %bitcast_convert_type3A_787 {strides = array<i32>} : memref<32x512xf32, #tpu.memory_space<vmem>>, vector<16xf32>,
      %mul3A_798 = arith.constant 16 : i32
      %mul3A_799 = arith.muli %scan3A_743, %mul3A_798 : i32
      %swap3A_800 = arith.constant 17 : i32
      %swap3A_801 = arith.index_cast %swap3A_800 : i32 to index
      %swap3A_802 = arith.index_cast %mul3A_799 : i32 to index
      %swap3A_803 = tpu.vector_load %arg11[%swap3A_801, %swap3A_802] {strides = array<i32>} : memref<32x512xf32, #tpu.memory_space<vmem>>, vector<16xf32>,
      tpu.vector_store %arg11[%swap3A_801, %swap3A_802], %bitcast_convert_type3A_791 {strides = array<i32>} : memref<32x512xf32, #tpu.memory_space<vmem>>, vector<16xf32>,
      %add3A_804 = arith.constant 2 : i32
      %add3A_805 = vector.broadcast %add3A_804 : i32 to vector<16xi32>
      %add3A_806 = arith.addi %mul3A_756, %add3A_805 : vector<16xi32>
      %gather3A_807 = tpu.vector_load_idx %arg10[%add3A_747, %add3A_806] : memref<512x128xf32, #tpu.memory_space<vmem>>[vector<16xi32>, vector<16xi32>], vector<16xf32>,
      %bitcast_convert_type3A_808 = tpu.bitcast %gather3A_807 : vector<16xf32> -> vector<16xi32>
      %shift_left3A_809 = arith.constant 16 : i32
      %shift_left3A_810 = vector.broadcast %shift_left3A_809 : i32 to vector<16xi32>
      %shift_left3A_811 = arith.shli %bitcast_convert_type3A_808, %shift_left3A_810 : vector<16xi32>
      %bitcast_convert_type3A_812 = tpu.bitcast %shift_left3A_811 : vector<16xi32> -> vector<16xf32>
      %and3A_813 = arith.constant -65536 : i32
      %and3A_814 = vector.broadcast %and3A_813 : i32 to vector<16xi32>
      %and3A_815 = arith.andi %bitcast_convert_type3A_808, %and3A_814 : vector<16xi32>
      %bitcast_convert_type3A_816 = tpu.bitcast %and3A_815 : vector<16xi32> -> vector<16xf32>
      %mul3A_817 = arith.constant 16 : i32
      %mul3A_818 = arith.muli %scan3A_743, %mul3A_817 : i32
      %swap3A_819 = arith.constant 2 : i32
      %swap3A_820 = arith.index_cast %swap3A_819 : i32 to index
      %swap3A_821 = arith.index_cast %mul3A_818 : i32 to index
      %swap3A_822 = tpu.vector_load %arg11[%swap3A_820, %swap3A_821] {strides = array<i32>} : memref<32x512xf32, #tpu.memory_space<vmem>>, vector<16xf32>,
      tpu.vector_store %arg11[%swap3A_820, %swap3A_821], %bitcast_convert_type3A_812 {strides = array<i32>} : memref<32x512xf32, #tpu.memory_space<vmem>>, vector<16xf32>,
      %mul3A_823 = arith.constant 16 : i32
      %mul3A_824 = arith.muli %scan3A_743, %mul3A_823 : i32
      %swap3A_825 = arith.constant 18 : i32
      %swap3A_826 = arith.index_cast %swap3A_825 : i32 to index
      %swap3A_827 = arith.index_cast %mul3A_824 : i32 to index
      %swap3A_828 = tpu.vector_load %arg11[%swap3A_826, %swap3A_827] {strides = array<i32>} : memref<32x512xf32, #tpu.memory_space<vmem>>, vector<16xf32>,
      tpu.vector_store %arg11[%swap3A_826, %swap3A_827], %bitcast_convert_type3A_816 {strides = array<i32>} : memref<32x512xf32, #tpu.memory_space<vmem>>, vector<16xf32>,
      %add3A_829 = arith.constant 3 : i32
      %add3A_830 = vector.broadcast %add3A_829 : i32 to vector<16xi32>
      %add3A_831 = arith.addi %mul3A_756, %add3A_830 : vector<16xi32>
      %gather3A_832 = tpu.vector_load_idx %arg10[%add3A_747, %add3A_831] : memref<512x128xf32, #tpu.memory_space<vmem>>[vector<16xi32>, vector<16xi32>], vector<16xf32>,
      %bitcast_convert_type3A_833 = tpu.bitcast %gather3A_832 : vector<16xf32> -> vector<16xi32>
      %shift_left3A_834 = arith.constant 16 : i32
      %shift_left3A_835 = vector.broadcast %shift_left3A_834 : i32 to vector<16xi32>
      %shift_left3A_836 = arith.shli %bitcast_convert_type3A_833, %shift_left3A_835 : vector<16xi32>
      %bitcast_convert_type3A_837 = tpu.bitcast %shift_left3A_836 : vector<16xi32> -> vector<16xf32>
      %and3A_838 = arith.constant -65536 : i32
      %and3A_839 = vector.broadcast %and3A_838 : i32 to vector<16xi32>
      %and3A_840 = arith.andi %bitcast_convert_type3A_833, %and3A_839 : vector<16xi32>
      %bitcast_convert_type3A_841 = tpu.bitcast %and3A_840 : vector<16xi32> -> vector<16xf32>
      %mul3A_842 = arith.constant 16 : i32
      %mul3A_843 = arith.muli %scan3A_743, %mul3A_842 : i32
      %swap3A_844 = arith.constant 3 : i32
      %swap3A_845 = arith.index_cast %swap3A_844 : i32 to index
      %swap3A_846 = arith.index_cast %mul3A_843 : i32 to index
      %swap3A_847 = tpu.vector_load %arg11[%swap3A_845, %swap3A_846] {strides = array<i32>} : memref<32x512xf32, #tpu.memory_space<vmem>>, vector<16xf32>,
      tpu.vector_store %arg11[%swap3A_845, %swap3A_846], %bitcast_convert_type3A_837 {strides = array<i32>} : memref<32x512xf32, #tpu.memory_space<vmem>>, vector<16xf32>,
      %mul3A_848 = arith.constant 16 : i32
      %mul3A_849 = arith.muli %scan3A_743, %mul3A_848 : i32
      %swap3A_850 = arith.constant 19 : i32
      %swap3A_851 = arith.index_cast %swap3A_850 : i32 to index
      %swap3A_852 = arith.index_cast %mul3A_849 : i32 to index
      %swap3A_853 = tpu.vector_load %arg11[%swap3A_851, %swap3A_852] {strides = array<i32>} : memref<32x512xf32, #tpu.memory_space<vmem>>, vector<16xf32>,
      tpu.vector_store %arg11[%swap3A_851, %swap3A_852], %bitcast_convert_type3A_841 {strides = array<i32>} : memref<32x512xf32, #tpu.memory_space<vmem>>, vector<16xf32>,
      %add3A_854 = arith.constant 4 : i32
      %add3A_855 = vector.broadcast %add3A_854 : i32 to vector<16xi32>
      %add3A_856 = arith.addi %mul3A_756, %add3A_855 : vector<16xi32>
      %gather3A_857 = tpu.vector_load_idx %arg10[%add3A_747, %add3A_856] : memref<512x128xf32, #tpu.memory_space<vmem>>[vector<16xi32>, vector<16xi32>], vector<16xf32>,
      %bitcast_convert_type3A_858 = tpu.bitcast %gather3A_857 : vector<16xf32> -> vector<16xi32>
      %shift_left3A_859 = arith.constant 16 : i32
      %shift_left3A_860 = vector.broadcast %shift_left3A_859 : i32 to vector<16xi32>
      %shift_left3A_861 = arith.shli %bitcast_convert_type3A_858, %shift_left3A_860 : vector<16xi32>
      %bitcast_convert_type3A_862 = tpu.bitcast %shift_left3A_861 : vector<16xi32> -> vector<16xf32>
      %and3A_863 = arith.constant -65536 : i32
      %and3A_864 = vector.broadcast %and3A_863 : i32 to vector<16xi32>
      %and3A_865 = arith.andi %bitcast_convert_type3A_858, %and3A_864 : vector<16xi32>
      %bitcast_convert_type3A_866 = tpu.bitcast %and3A_865 : vector<16xi32> -> vector<16xf32>
      %mul3A_867 = arith.constant 16 : i32
      %mul3A_868 = arith.muli %scan3A_743, %mul3A_867 : i32
      %swap3A_869 = arith.constant 4 : i32
      %swap3A_870 = arith.index_cast %swap3A_869 : i32 to index
      %swap3A_871 = arith.index_cast %mul3A_868 : i32 to index
      %swap3A_872 = tpu.vector_load %arg11[%swap3A_870, %swap3A_871] {strides = array<i32>} : memref<32x512xf32, #tpu.memory_space<vmem>>, vector<16xf32>,
      tpu.vector_store %arg11[%swap3A_870, %swap3A_871], %bitcast_convert_type3A_862 {strides = array<i32>} : memref<32x512xf32, #tpu.memory_space<vmem>>, vector<16xf32>,
      %mul3A_873 = arith.constant 16 : i32
      %mul3A_874 = arith.muli %scan3A_743, %mul3A_873 : i32
      %swap3A_875 = arith.constant 20 : i32
      %swap3A_876 = arith.index_cast %swap3A_875 : i32 to index
      %swap3A_877 = arith.index_cast %mul3A_874 : i32 to index
      %swap3A_878 = tpu.vector_load %arg11[%swap3A_876, %swap3A_877] {strides = array<i32>} : memref<32x512xf32, #tpu.memory_space<vmem>>, vector<16xf32>,
      tpu.vector_store %arg11[%swap3A_876, %swap3A_877], %bitcast_convert_type3A_866 {strides = array<i32>} : memref<32x512xf32, #tpu.memory_space<vmem>>, vector<16xf32>,
      %add3A_879 = arith.constant 5 : i32
      %add3A_880 = vector.broadcast %add3A_879 : i32 to vector<16xi32>
      %add3A_881 = arith.addi %mul3A_756, %add3A_880 : vector<16xi32>
      %gather3A_882 = tpu.vector_load_idx %arg10[%add3A_747, %add3A_881] : memref<512x128xf32, #tpu.memory_space<vmem>>[vector<16xi32>, vector<16xi32>], vector<16xf32>,
      %bitcast_convert_type3A_883 = tpu.bitcast %gather3A_882 : vector<16xf32> -> vector<16xi32>
      %shift_left3A_884 = arith.constant 16 : i32
      %shift_left3A_885 = vector.broadcast %shift_left3A_884 : i32 to vector<16xi32>
      %shift_left3A_886 = arith.shli %bitcast_convert_type3A_883, %shift_left3A_885 : vector<16xi32>
      %bitcast_convert_type3A_887 = tpu.bitcast %shift_left3A_886 : vector<16xi32> -> vector<16xf32>
      %and3A_888 = arith.constant -65536 : i32
      %and3A_889 = vector.broadcast %and3A_888 : i32 to vector<16xi32>
      %and3A_890 = arith.andi %bitcast_convert_type3A_883, %and3A_889 : vector<16xi32>
      %bitcast_convert_type3A_891 = tpu.bitcast %and3A_890 : vector<16xi32> -> vector<16xf32>
      %mul3A_892 = arith.constant 16 : i32
      %mul3A_893 = arith.muli %scan3A_743, %mul3A_892 : i32
      %swap3A_894 = arith.constant 5 : i32
      %swap3A_895 = arith.index_cast %swap3A_894 : i32 to index
      %swap3A_896 = arith.index_cast %mul3A_893 : i32 to index
      %swap3A_897 = tpu.vector_load %arg11[%swap3A_895, %swap3A_896] {strides = array<i32>} : memref<32x512xf32, #tpu.memory_space<vmem>>, vector<16xf32>,
      tpu.vector_store %arg11[%swap3A_895, %swap3A_896], %bitcast_convert_type3A_887 {strides = array<i32>} : memref<32x512xf32, #tpu.memory_space<vmem>>, vector<16xf32>,
      %mul3A_898 = arith.constant 16 : i32
      %mul3A_899 = arith.muli %scan3A_743, %mul3A_898 : i32
      %swap3A_900 = arith.constant 21 : i32
      %swap3A_901 = arith.index_cast %swap3A_900 : i32 to index
      %swap3A_902 = arith.index_cast %mul3A_899 : i32 to index
      %swap3A_903 = tpu.vector_load %arg11[%swap3A_901, %swap3A_902] {strides = array<i32>} : memref<32x512xf32, #tpu.memory_space<vmem>>, vector<16xf32>,
      tpu.vector_store %arg11[%swap3A_901, %swap3A_902], %bitcast_convert_type3A_891 {strides = array<i32>} : memref<32x512xf32, #tpu.memory_space<vmem>>, vector<16xf32>,
      %add3A_904 = arith.constant 6 : i32
      %add3A_905 = vector.broadcast %add3A_904 : i32 to vector<16xi32>
      %add3A_906 = arith.addi %mul3A_756, %add3A_905 : vector<16xi32>
      %gather3A_907 = tpu.vector_load_idx %arg10[%add3A_747, %add3A_906] : memref<512x128xf32, #tpu.memory_space<vmem>>[vector<16xi32>, vector<16xi32>], vector<16xf32>,
      %bitcast_convert_type3A_908 = tpu.bitcast %gather3A_907 : vector<16xf32> -> vector<16xi32>
      %shift_left3A_909 = arith.constant 16 : i32
      %shift_left3A_910 = vector.broadcast %shift_left3A_909 : i32 to vector<16xi32>
      %shift_left3A_911 = arith.shli %bitcast_convert_type3A_908, %shift_left3A_910 : vector<16xi32>
      %bitcast_convert_type3A_912 = tpu.bitcast %shift_left3A_911 : vector<16xi32> -> vector<16xf32>
      %and3A_913 = arith.constant -65536 : i32
      %and3A_914 = vector.broadcast %and3A_913 : i32 to vector<16xi32>
      %and3A_915 = arith.andi %bitcast_convert_type3A_908, %and3A_914 : vector<16xi32>
      %bitcast_convert_type3A_916 = tpu.bitcast %and3A_915 : vector<16xi32> -> vector<16xf32>
      %mul3A_917 = arith.constant 16 : i32
      %mul3A_918 = arith.muli %scan3A_743, %mul3A_917 : i32
      %swap3A_919 = arith.constant 6 : i32
      %swap3A_920 = arith.index_cast %swap3A_919 : i32 to index
      %swap3A_921 = arith.index_cast %mul3A_918 : i32 to index
      %swap3A_922 = tpu.vector_load %arg11[%swap3A_920, %swap3A_921] {strides = array<i32>} : memref<32x512xf32, #tpu.memory_space<vmem>>, vector<16xf32>,
      tpu.vector_store %arg11[%swap3A_920, %swap3A_921], %bitcast_convert_type3A_912 {strides = array<i32>} : memref<32x512xf32, #tpu.memory_space<vmem>>, vector<16xf32>,
      %mul3A_923 = arith.constant 16 : i32
      %mul3A_924 = arith.muli %scan3A_743, %mul3A_923 : i32
      %swap3A_925 = arith.constant 22 : i32
      %swap3A_926 = arith.index_cast %swap3A_925 : i32 to index
      %swap3A_927 = arith.index_cast %mul3A_924 : i32 to index
      %swap3A_928 = tpu.vector_load %arg11[%swap3A_926, %swap3A_927] {strides = array<i32>} : memref<32x512xf32, #tpu.memory_space<vmem>>, vector<16xf32>,
      tpu.vector_store %arg11[%swap3A_926, %swap3A_927], %bitcast_convert_type3A_916 {strides = array<i32>} : memref<32x512xf32, #tpu.memory_space<vmem>>, vector<16xf32>,
      %add3A_929 = arith.constant 7 : i32
      %add3A_930 = vector.broadcast %add3A_929 : i32 to vector<16xi32>
      %add3A_931 = arith.addi %mul3A_756, %add3A_930 : vector<16xi32>
      %gather3A_932 = tpu.vector_load_idx %arg10[%add3A_747, %add3A_931] : memref<512x128xf32, #tpu.memory_space<vmem>>[vector<16xi32>, vector<16xi32>], vector<16xf32>,
      %bitcast_convert_type3A_933 = tpu.bitcast %gather3A_932 : vector<16xf32> -> vector<16xi32>
      %shift_left3A_934 = arith.constant 16 : i32
      %shift_left3A_935 = vector.broadcast %shift_left3A_934 : i32 to vector<16xi32>
      %shift_left3A_936 = arith.shli %bitcast_convert_type3A_933, %shift_left3A_935 : vector<16xi32>
      %bitcast_convert_type3A_937 = tpu.bitcast %shift_left3A_936 : vector<16xi32> -> vector<16xf32>
      %and3A_938 = arith.constant -65536 : i32
      %and3A_939 = vector.broadcast %and3A_938 : i32 to vector<16xi32>
      %and3A_940 = arith.andi %bitcast_convert_type3A_933, %and3A_939 : vector<16xi32>
      %bitcast_convert_type3A_941 = tpu.bitcast %and3A_940 : vector<16xi32> -> vector<16xf32>
      %mul3A_942 = arith.constant 16 : i32
      %mul3A_943 = arith.muli %scan3A_743, %mul3A_942 : i32
      %swap3A_944 = arith.constant 7 : i32
      %swap3A_945 = arith.index_cast %swap3A_944 : i32 to index
      %swap3A_946 = arith.index_cast %mul3A_943 : i32 to index
      %swap3A_947 = tpu.vector_load %arg11[%swap3A_945, %swap3A_946] {strides = array<i32>} : memref<32x512xf32, #tpu.memory_space<vmem>>, vector<16xf32>,
      tpu.vector_store %arg11[%swap3A_945, %swap3A_946], %bitcast_convert_type3A_937 {strides = array<i32>} : memref<32x512xf32, #tpu.memory_space<vmem>>, vector<16xf32>,
      %mul3A_948 = arith.constant 16 : i32
      %mul3A_949 = arith.muli %scan3A_743, %mul3A_948 : i32
      %swap3A_950 = arith.constant 23 : i32
      %swap3A_951 = arith.index_cast %swap3A_950 : i32 to index
      %swap3A_952 = arith.index_cast %mul3A_949 : i32 to index
      %swap3A_953 = tpu.vector_load %arg11[%swap3A_951, %swap3A_952] {strides = array<i32>} : memref<32x512xf32, #tpu.memory_space<vmem>>, vector<16xf32>,
      tpu.vector_store %arg11[%swap3A_951, %swap3A_952], %bitcast_convert_type3A_941 {strides = array<i32>} : memref<32x512xf32, #tpu.memory_space<vmem>>, vector<16xf32>,
      %add3A_954 = arith.constant 8 : i32
      %add3A_955 = vector.broadcast %add3A_954 : i32 to vector<16xi32>
      %add3A_956 = arith.addi %mul3A_756, %add3A_955 : vector<16xi32>
      %gather3A_957 = tpu.vector_load_idx %arg10[%add3A_747, %add3A_956] : memref<512x128xf32, #tpu.memory_space<vmem>>[vector<16xi32>, vector<16xi32>], vector<16xf32>,
      %bitcast_convert_type3A_958 = tpu.bitcast %gather3A_957 : vector<16xf32> -> vector<16xi32>
      %shift_left3A_959 = arith.constant 16 : i32
      %shift_left3A_960 = vector.broadcast %shift_left3A_959 : i32 to vector<16xi32>
      %shift_left3A_961 = arith.shli %bitcast_convert_type3A_958, %shift_left3A_960 : vector<16xi32>
      %bitcast_convert_type3A_962 = tpu.bitcast %shift_left3A_961 : vector<16xi32> -> vector<16xf32>
      %and3A_963 = arith.constant -65536 : i32
      %and3A_964 = vector.broadcast %and3A_963 : i32 to vector<16xi32>
      %and3A_965 = arith.andi %bitcast_convert_type3A_958, %and3A_964 : vector<16xi32>
      %bitcast_convert_type3A_966 = tpu.bitcast %and3A_965 : vector<16xi32> -> vector<16xf32>
      %mul3A_967 = arith.constant 16 : i32
      %mul3A_968 = arith.muli %scan3A_743, %mul3A_967 : i32
      %swap3A_969 = arith.constant 8 : i32
      %swap3A_970 = arith.index_cast %swap3A_969 : i32 to index
      %swap3A_971 = arith.index_cast %mul3A_968 : i32 to index
      %swap3A_972 = tpu.vector_load %arg11[%swap3A_970, %swap3A_971] {strides = array<i32>} : memref<32x512xf32, #tpu.memory_space<vmem>>, vector<16xf32>,
      tpu.vector_store %arg11[%swap3A_970, %swap3A_971], %bitcast_convert_type3A_962 {strides = array<i32>} : memref<32x512xf32, #tpu.memory_space<vmem>>, vector<16xf32>,
      %mul3A_973 = arith.constant 16 : i32
      %mul3A_974 = arith.muli %scan3A_743, %mul3A_973 : i32
      %swap3A_975 = arith.constant 24 : i32
      %swap3A_976 = arith.index_cast %swap3A_975 : i32 to index
      %swap3A_977 = arith.index_cast %mul3A_974 : i32 to index
      %swap3A_978 = tpu.vector_load %arg11[%swap3A_976, %swap3A_977] {strides = array<i32>} : memref<32x512xf32, #tpu.memory_space<vmem>>, vector<16xf32>,
      tpu.vector_store %arg11[%swap3A_976, %swap3A_977], %bitcast_convert_type3A_966 {strides = array<i32>} : memref<32x512xf32, #tpu.memory_space<vmem>>, vector<16xf32>,
      %add3A_979 = arith.constant 9 : i32
      %add3A_980 = vector.broadcast %add3A_979 : i32 to vector<16xi32>
      %add3A_981 = arith.addi %mul3A_756, %add3A_980 : vector<16xi32>
      %gather3A_982 = tpu.vector_load_idx %arg10[%add3A_747, %add3A_981] : memref<512x128xf32, #tpu.memory_space<vmem>>[vector<16xi32>, vector<16xi32>], vector<16xf32>,
      %bitcast_convert_type3A_983 = tpu.bitcast %gather3A_982 : vector<16xf32> -> vector<16xi32>
      %shift_left3A_984 = arith.constant 16 : i32
      %shift_left3A_985 = vector.broadcast %shift_left3A_984 : i32 to vector<16xi32>
      %shift_left3A_986 = arith.shli %bitcast_convert_type3A_983, %shift_left3A_985 : vector<16xi32>
      %bitcast_convert_type3A_987 = tpu.bitcast %shift_left3A_986 : vector<16xi32> -> vector<16xf32>
      %and3A_988 = arith.constant -65536 : i32
      %and3A_989 = vector.broadcast %and3A_988 : i32 to vector<16xi32>
      %and3A_990 = arith.andi %bitcast_convert_type3A_983, %and3A_989 : vector<16xi32>
      %bitcast_convert_type3A_991 = tpu.bitcast %and3A_990 : vector<16xi32> -> vector<16xf32>
      %mul3A_992 = arith.constant 16 : i32
      %mul3A_993 = arith.muli %scan3A_743, %mul3A_992 : i32
      %swap3A_994 = arith.constant 9 : i32
      %swap3A_995 = arith.index_cast %swap3A_994 : i32 to index
      %swap3A_996 = arith.index_cast %mul3A_993 : i32 to index
      %swap3A_997 = tpu.vector_load %arg11[%swap3A_995, %swap3A_996] {strides = array<i32>} : memref<32x512xf32, #tpu.memory_space<vmem>>, vector<16xf32>,
      tpu.vector_store %arg11[%swap3A_995, %swap3A_996], %bitcast_convert_type3A_987 {strides = array<i32>} : memref<32x512xf32, #tpu.memory_space<vmem>>, vector<16xf32>,
      %mul3A_998 = arith.constant 16 : i32
      %mul3A_999 = arith.muli %scan3A_743, %mul3A_998 : i32
      %swap3A_1000 = arith.constant 25 : i32
      %swap3A_1001 = arith.index_cast %swap3A_1000 : i32 to index
      %swap3A_1002 = arith.index_cast %mul3A_999 : i32 to index
      %swap3A_1003 = tpu.vector_load %arg11[%swap3A_1001, %swap3A_1002] {strides = array<i32>} : memref<32x512xf32, #tpu.memory_space<vmem>>, vector<16xf32>,
      tpu.vector_store %arg11[%swap3A_1001, %swap3A_1002], %bitcast_convert_type3A_991 {strides = array<i32>} : memref<32x512xf32, #tpu.memory_space<vmem>>, vector<16xf32>,
      %add3A_1004 = arith.constant 10 : i32
      %add3A_1005 = vector.broadcast %add3A_1004 : i32 to vector<16xi32>
      %add3A_1006 = arith.addi %mul3A_756, %add3A_1005 : vector<16xi32>
      %gather3A_1007 = tpu.vector_load_idx %arg10[%add3A_747, %add3A_1006] : memref<512x128xf32, #tpu.memory_space<vmem>>[vector<16xi32>, vector<16xi32>], vector<16xf32>,
      %bitcast_convert_type3A_1008 = tpu.bitcast %gather3A_1007 : vector<16xf32> -> vector<16xi32>
      %shift_left3A_1009 = arith.constant 16 : i32
      %shift_left3A_1010 = vector.broadcast %shift_left3A_1009 : i32 to vector<16xi32>
      %shift_left3A_1011 = arith.shli %bitcast_convert_type3A_1008, %shift_left3A_1010 : vector<16xi32>
      %bitcast_convert_type3A_1012 = tpu.bitcast %shift_left3A_1011 : vector<16xi32> -> vector<16xf32>
      %and3A_1013 = arith.constant -65536 : i32
      %and3A_1014 = vector.broadcast %and3A_1013 : i32 to vector<16xi32>
      %and3A_1015 = arith.andi %bitcast_convert_type3A_1008, %and3A_1014 : vector<16xi32>
      %bitcast_convert_type3A_1016 = tpu.bitcast %and3A_1015 : vector<16xi32> -> vector<16xf32>
      %mul3A_1017 = arith.constant 16 : i32
      %mul3A_1018 = arith.muli %scan3A_743, %mul3A_1017 : i32
      %swap3A_1019 = arith.constant 10 : i32
      %swap3A_1020 = arith.index_cast %swap3A_1019 : i32 to index
      %swap3A_1021 = arith.index_cast %mul3A_1018 : i32 to index
      %swap3A_1022 = tpu.vector_load %arg11[%swap3A_1020, %swap3A_1021] {strides = array<i32>} : memref<32x512xf32, #tpu.memory_space<vmem>>, vector<16xf32>,
      tpu.vector_store %arg11[%swap3A_1020, %swap3A_1021], %bitcast_convert_type3A_1012 {strides = array<i32>} : memref<32x512xf32, #tpu.memory_space<vmem>>, vector<16xf32>,
      %mul3A_1023 = arith.constant 16 : i32
      %mul3A_1024 = arith.muli %scan3A_743, %mul3A_1023 : i32
      %swap3A_1025 = arith.constant 26 : i32
      %swap3A_1026 = arith.index_cast %swap3A_1025 : i32 to index
      %swap3A_1027 = arith.index_cast %mul3A_1024 : i32 to index
      %swap3A_1028 = tpu.vector_load %arg11[%swap3A_1026, %swap3A_1027] {strides = array<i32>} : memref<32x512xf32, #tpu.memory_space<vmem>>, vector<16xf32>,
      tpu.vector_store %arg11[%swap3A_1026, %swap3A_1027], %bitcast_convert_type3A_1016 {strides = array<i32>} : memref<32x512xf32, #tpu.memory_space<vmem>>, vector<16xf32>,
      %add3A_1029 = arith.constant 11 : i32
      %add3A_1030 = vector.broadcast %add3A_1029 : i32 to vector<16xi32>
      %add3A_1031 = arith.addi %mul3A_756, %add3A_1030 : vector<16xi32>
      %gather3A_1032 = tpu.vector_load_idx %arg10[%add3A_747, %add3A_1031] : memref<512x128xf32, #tpu.memory_space<vmem>>[vector<16xi32>, vector<16xi32>], vector<16xf32>,
      %bitcast_convert_type3A_1033 = tpu.bitcast %gather3A_1032 : vector<16xf32> -> vector<16xi32>
      %shift_left3A_1034 = arith.constant 16 : i32
      %shift_left3A_1035 = vector.broadcast %shift_left3A_1034 : i32 to vector<16xi32>
      %shift_left3A_1036 = arith.shli %bitcast_convert_type3A_1033, %shift_left3A_1035 : vector<16xi32>
      %bitcast_convert_type3A_1037 = tpu.bitcast %shift_left3A_1036 : vector<16xi32> -> vector<16xf32>
      %and3A_1038 = arith.constant -65536 : i32
      %and3A_1039 = vector.broadcast %and3A_1038 : i32 to vector<16xi32>
      %and3A_1040 = arith.andi %bitcast_convert_type3A_1033, %and3A_1039 : vector<16xi32>
      %bitcast_convert_type3A_1041 = tpu.bitcast %and3A_1040 : vector<16xi32> -> vector<16xf32>
      %mul3A_1042 = arith.constant 16 : i32
      %mul3A_1043 = arith.muli %scan3A_743, %mul3A_1042 : i32
      %swap3A_1044 = arith.constant 11 : i32
      %swap3A_1045 = arith.index_cast %swap3A_1044 : i32 to index
      %swap3A_1046 = arith.index_cast %mul3A_1043 : i32 to index
      %swap3A_1047 = tpu.vector_load %arg11[%swap3A_1045, %swap3A_1046] {strides = array<i32>} : memref<32x512xf32, #tpu.memory_space<vmem>>, vector<16xf32>,
      tpu.vector_store %arg11[%swap3A_1045, %swap3A_1046], %bitcast_convert_type3A_1037 {strides = array<i32>} : memref<32x512xf32, #tpu.memory_space<vmem>>, vector<16xf32>,
      %mul3A_1048 = arith.constant 16 : i32
      %mul3A_1049 = arith.muli %scan3A_743, %mul3A_1048 : i32
      %swap3A_1050 = arith.constant 27 : i32
      %swap3A_1051 = arith.index_cast %swap3A_1050 : i32 to index
      %swap3A_1052 = arith.index_cast %mul3A_1049 : i32 to index
      %swap3A_1053 = tpu.vector_load %arg11[%swap3A_1051, %swap3A_1052] {strides = array<i32>} : memref<32x512xf32, #tpu.memory_space<vmem>>, vector<16xf32>,
      tpu.vector_store %arg11[%swap3A_1051, %swap3A_1052], %bitcast_convert_type3A_1041 {strides = array<i32>} : memref<32x512xf32, #tpu.memory_space<vmem>>, vector<16xf32>,
      %add3A_1054 = arith.constant 12 : i32
      %add3A_1055 = vector.broadcast %add3A_1054 : i32 to vector<16xi32>
      %add3A_1056 = arith.addi %mul3A_756, %add3A_1055 : vector<16xi32>
      %gather3A_1057 = tpu.vector_load_idx %arg10[%add3A_747, %add3A_1056] : memref<512x128xf32, #tpu.memory_space<vmem>>[vector<16xi32>, vector<16xi32>], vector<16xf32>,
      %bitcast_convert_type3A_1058 = tpu.bitcast %gather3A_1057 : vector<16xf32> -> vector<16xi32>
      %shift_left3A_1059 = arith.constant 16 : i32
      %shift_left3A_1060 = vector.broadcast %shift_left3A_1059 : i32 to vector<16xi32>
      %shift_left3A_1061 = arith.shli %bitcast_convert_type3A_1058, %shift_left3A_1060 : vector<16xi32>
      %bitcast_convert_type3A_1062 = tpu.bitcast %shift_left3A_1061 : vector<16xi32> -> vector<16xf32>
      %and3A_1063 = arith.constant -65536 : i32
      %and3A_1064 = vector.broadcast %and3A_1063 : i32 to vector<16xi32>
      %and3A_1065 = arith.andi %bitcast_convert_type3A_1058, %and3A_1064 : vector<16xi32>
      %bitcast_convert_type3A_1066 = tpu.bitcast %and3A_1065 : vector<16xi32> -> vector<16xf32>
      %mul3A_1067 = arith.constant 16 : i32
      %mul3A_1068 = arith.muli %scan3A_743, %mul3A_1067 : i32
      %swap3A_1069 = arith.constant 12 : i32
      %swap3A_1070 = arith.index_cast %swap3A_1069 : i32 to index
      %swap3A_1071 = arith.index_cast %mul3A_1068 : i32 to index
      %swap3A_1072 = tpu.vector_load %arg11[%swap3A_1070, %swap3A_1071] {strides = array<i32>} : memref<32x512xf32, #tpu.memory_space<vmem>>, vector<16xf32>,
      tpu.vector_store %arg11[%swap3A_1070, %swap3A_1071], %bitcast_convert_type3A_1062 {strides = array<i32>} : memref<32x512xf32, #tpu.memory_space<vmem>>, vector<16xf32>,
      %mul3A_1073 = arith.constant 16 : i32
      %mul3A_1074 = arith.muli %scan3A_743, %mul3A_1073 : i32
      %swap3A_1075 = arith.constant 28 : i32
      %swap3A_1076 = arith.index_cast %swap3A_1075 : i32 to index
      %swap3A_1077 = arith.index_cast %mul3A_1074 : i32 to index
      %swap3A_1078 = tpu.vector_load %arg11[%swap3A_1076, %swap3A_1077] {strides = array<i32>} : memref<32x512xf32, #tpu.memory_space<vmem>>, vector<16xf32>,
      tpu.vector_store %arg11[%swap3A_1076, %swap3A_1077], %bitcast_convert_type3A_1066 {strides = array<i32>} : memref<32x512xf32, #tpu.memory_space<vmem>>, vector<16xf32>,
      %add3A_1079 = arith.constant 13 : i32
      %add3A_1080 = vector.broadcast %add3A_1079 : i32 to vector<16xi32>
      %add3A_1081 = arith.addi %mul3A_756, %add3A_1080 : vector<16xi32>
      %gather3A_1082 = tpu.vector_load_idx %arg10[%add3A_747, %add3A_1081] : memref<512x128xf32, #tpu.memory_space<vmem>>[vector<16xi32>, vector<16xi32>], vector<16xf32>,
      %bitcast_convert_type3A_1083 = tpu.bitcast %gather3A_1082 : vector<16xf32> -> vector<16xi32>
      %shift_left3A_1084 = arith.constant 16 : i32
      %shift_left3A_1085 = vector.broadcast %shift_left3A_1084 : i32 to vector<16xi32>
      %shift_left3A_1086 = arith.shli %bitcast_convert_type3A_1083, %shift_left3A_1085 : vector<16xi32>
      %bitcast_convert_type3A_1087 = tpu.bitcast %shift_left3A_1086 : vector<16xi32> -> vector<16xf32>
      %and3A_1088 = arith.constant -65536 : i32
      %and3A_1089 = vector.broadcast %and3A_1088 : i32 to vector<16xi32>
      %and3A_1090 = arith.andi %bitcast_convert_type3A_1083, %and3A_1089 : vector<16xi32>
      %bitcast_convert_type3A_1091 = tpu.bitcast %and3A_1090 : vector<16xi32> -> vector<16xf32>
      %mul3A_1092 = arith.constant 16 : i32
      %mul3A_1093 = arith.muli %scan3A_743, %mul3A_1092 : i32
      %swap3A_1094 = arith.constant 13 : i32
      %swap3A_1095 = arith.index_cast %swap3A_1094 : i32 to index
      %swap3A_1096 = arith.index_cast %mul3A_1093 : i32 to index
      %swap3A_1097 = tpu.vector_load %arg11[%swap3A_1095, %swap3A_1096] {strides = array<i32>} : memref<32x512xf32, #tpu.memory_space<vmem>>, vector<16xf32>,
      tpu.vector_store %arg11[%swap3A_1095, %swap3A_1096], %bitcast_convert_type3A_1087 {strides = array<i32>} : memref<32x512xf32, #tpu.memory_space<vmem>>, vector<16xf32>,
      %mul3A_1098 = arith.constant 16 : i32
      %mul3A_1099 = arith.muli %scan3A_743, %mul3A_1098 : i32
      %swap3A_1100 = arith.constant 29 : i32
      %swap3A_1101 = arith.index_cast %swap3A_1100 : i32 to index
      %swap3A_1102 = arith.index_cast %mul3A_1099 : i32 to index
      %swap3A_1103 = tpu.vector_load %arg11[%swap3A_1101, %swap3A_1102] {strides = array<i32>} : memref<32x512xf32, #tpu.memory_space<vmem>>, vector<16xf32>,
      tpu.vector_store %arg11[%swap3A_1101, %swap3A_1102], %bitcast_convert_type3A_1091 {strides = array<i32>} : memref<32x512xf32, #tpu.memory_space<vmem>>, vector<16xf32>,
      %add3A_1104 = arith.constant 14 : i32
      %add3A_1105 = vector.broadcast %add3A_1104 : i32 to vector<16xi32>
      %add3A_1106 = arith.addi %mul3A_756, %add3A_1105 : vector<16xi32>
      %gather3A_1107 = tpu.vector_load_idx %arg10[%add3A_747, %add3A_1106] : memref<512x128xf32, #tpu.memory_space<vmem>>[vector<16xi32>, vector<16xi32>], vector<16xf32>,
      %bitcast_convert_type3A_1108 = tpu.bitcast %gather3A_1107 : vector<16xf32> -> vector<16xi32>
      %shift_left3A_1109 = arith.constant 16 : i32
      %shift_left3A_1110 = vector.broadcast %shift_left3A_1109 : i32 to vector<16xi32>
      %shift_left3A_1111 = arith.shli %bitcast_convert_type3A_1108, %shift_left3A_1110 : vector<16xi32>
      %bitcast_convert_type3A_1112 = tpu.bitcast %shift_left3A_1111 : vector<16xi32> -> vector<16xf32>
      %and3A_1113 = arith.constant -65536 : i32
      %and3A_1114 = vector.broadcast %and3A_1113 : i32 to vector<16xi32>
      %and3A_1115 = arith.andi %bitcast_convert_type3A_1108, %and3A_1114 : vector<16xi32>
      %bitcast_convert_type3A_1116 = tpu.bitcast %and3A_1115 : vector<16xi32> -> vector<16xf32>
      %mul3A_1117 = arith.constant 16 : i32
      %mul3A_1118 = arith.muli %scan3A_743, %mul3A_1117 : i32
      %swap3A_1119 = arith.constant 14 : i32
      %swap3A_1120 = arith.index_cast %swap3A_1119 : i32 to index
      %swap3A_1121 = arith.index_cast %mul3A_1118 : i32 to index
      %swap3A_1122 = tpu.vector_load %arg11[%swap3A_1120, %swap3A_1121] {strides = array<i32>} : memref<32x512xf32, #tpu.memory_space<vmem>>, vector<16xf32>,
      tpu.vector_store %arg11[%swap3A_1120, %swap3A_1121], %bitcast_convert_type3A_1112 {strides = array<i32>} : memref<32x512xf32, #tpu.memory_space<vmem>>, vector<16xf32>,
      %mul3A_1123 = arith.constant 16 : i32
      %mul3A_1124 = arith.muli %scan3A_743, %mul3A_1123 : i32
      %swap3A_1125 = arith.constant 30 : i32
      %swap3A_1126 = arith.index_cast %swap3A_1125 : i32 to index
      %swap3A_1127 = arith.index_cast %mul3A_1124 : i32 to index
      %swap3A_1128 = tpu.vector_load %arg11[%swap3A_1126, %swap3A_1127] {strides = array<i32>} : memref<32x512xf32, #tpu.memory_space<vmem>>, vector<16xf32>,
      tpu.vector_store %arg11[%swap3A_1126, %swap3A_1127], %bitcast_convert_type3A_1116 {strides = array<i32>} : memref<32x512xf32, #tpu.memory_space<vmem>>, vector<16xf32>,
      %add3A_1129 = arith.constant 15 : i32
      %add3A_1130 = vector.broadcast %add3A_1129 : i32 to vector<16xi32>
      %add3A_1131 = arith.addi %mul3A_756, %add3A_1130 : vector<16xi32>
      %gather3A_1132 = tpu.vector_load_idx %arg10[%add3A_747, %add3A_1131] : memref<512x128xf32, #tpu.memory_space<vmem>>[vector<16xi32>, vector<16xi32>], vector<16xf32>,
      %bitcast_convert_type3A_1133 = tpu.bitcast %gather3A_1132 : vector<16xf32> -> vector<16xi32>
      %shift_left3A_1134 = arith.constant 16 : i32
      %shift_left3A_1135 = vector.broadcast %shift_left3A_1134 : i32 to vector<16xi32>
      %shift_left3A_1136 = arith.shli %bitcast_convert_type3A_1133, %shift_left3A_1135 : vector<16xi32>
      %bitcast_convert_type3A_1137 = tpu.bitcast %shift_left3A_1136 : vector<16xi32> -> vector<16xf32>
      %and3A_1138 = arith.constant -65536 : i32
      %and3A_1139 = vector.broadcast %and3A_1138 : i32 to vector<16xi32>
      %and3A_1140 = arith.andi %bitcast_convert_type3A_1133, %and3A_1139 : vector<16xi32>
      %bitcast_convert_type3A_1141 = tpu.bitcast %and3A_1140 : vector<16xi32> -> vector<16xf32>
      %mul3A_1142 = arith.constant 16 : i32
      %mul3A_1143 = arith.muli %scan3A_743, %mul3A_1142 : i32
      %swap3A_1144 = arith.constant 15 : i32
      %swap3A_1145 = arith.index_cast %swap3A_1144 : i32 to index
      %swap3A_1146 = arith.index_cast %mul3A_1143 : i32 to index
      %swap3A_1147 = tpu.vector_load %arg11[%swap3A_1145, %swap3A_1146] {strides = array<i32>} : memref<32x512xf32, #tpu.memory_space<vmem>>, vector<16xf32>,
      tpu.vector_store %arg11[%swap3A_1145, %swap3A_1146], %bitcast_convert_type3A_1137 {strides = array<i32>} : memref<32x512xf32, #tpu.memory_space<vmem>>, vector<16xf32>,
      %mul3A_1148 = arith.constant 16 : i32
      %mul3A_1149 = arith.muli %scan3A_743, %mul3A_1148 : i32
      %swap3A_1150 = arith.constant 31 : i32
      %swap3A_1151 = arith.index_cast %swap3A_1150 : i32 to index
      %swap3A_1152 = arith.index_cast %mul3A_1149 : i32 to index
      %swap3A_1153 = tpu.vector_load %arg11[%swap3A_1151, %swap3A_1152] {strides = array<i32>} : memref<32x512xf32, #tpu.memory_space<vmem>>, vector<16xf32>,
      tpu.vector_store %arg11[%swap3A_1151, %swap3A_1152], %bitcast_convert_type3A_1141 {strides = array<i32>} : memref<32x512xf32, #tpu.memory_space<vmem>>, vector<16xf32>,
    }
    %scan3A_742 = arith.constant 32 : i32
    "tpu.region"() ({
      %run_scoped3A = tpu.sem_alloc : memref<!tpu.dma_semaphore, #tpu.memory_space<semaphore_mem>>
      %dma_start3A_743 = arith.constant 0 : i32
      %dma_start3A_744 = tpu.memref_slice %arg7[%dma_start3A_743, %multiple_of3A] : memref<32x16384xf32, #tpu.memory_space<hbm>> -> memref<32x512xf32, #tpu.memory_space<hbm>>
      %dma_start3A_745 = arith.constant 0 : i32
      %dma_start3A_746 = tpu.memref_slice %arg7[%dma_start3A_745, %multiple_of3A] : memref<32x16384xf32, #tpu.memory_space<hbm>> -> memref<32x512xf32, #tpu.memory_space<hbm>>
      tpu.enqueue_dma source(%arg11 : memref<32x512xf32, #tpu.memory_space<vmem>>) target(%dma_start3A_746 : memref<32x512xf32, #tpu.memory_space<hbm>>) target_semaphore(%run_scoped3A : memref<!tpu.dma_semaphore, #tpu.memory_space<semaphore_mem>>)
      %dma_wait3A_747 = arith.constant 0 : i32
      %dma_wait3A_748 = tpu.memref_slice %arg7[%dma_wait3A_747, %multiple_of3A] : memref<32x16384xf32, #tpu.memory_space<hbm>> -> memref<32x512xf32, #tpu.memory_space<hbm>>
      %dma_wait3A_749 = arith.constant 0 : i32
      %dma_wait3A_750 = tpu.memref_slice %arg7[%dma_wait3A_749, %multiple_of3A] : memref<32x16384xf32, #tpu.memory_space<hbm>> -> memref<32x512xf32, #tpu.memory_space<hbm>>
      tpu.wait_dma2 semaphore(%run_scoped3A : memref<!tpu.dma_semaphore, #tpu.memory_space<semaphore_mem>>) src(%arg11 : memref<32x512xf32, #tpu.memory_space<vmem>>) dst(%dma_wait3A_750 : memref<32x512xf32, #tpu.memory_space<hbm>>)
      tpu.yield
    }) : () -> ()
    return
  }
}

module attributes {stable_mosaic.version = 14 : i64} {
  func.func @_mlp_body(%arg0: memref<32x16384xf32, #tpu.memory_space<vmem>>, %arg1: memref<32x16384xf32, #tpu.memory_space<vmem>>, %arg2: memref<32x128xf32, #tpu.memory_space<vmem>>, %arg3: memref<32x128xf32, #tpu.memory_space<vmem>>, %arg4: memref<1x128xf32, #tpu.memory_space<vmem>>, %arg5: memref<1x128xf32, #tpu.memory_space<vmem>>, %arg6: memref<1x128xf32, #tpu.memory_space<vmem>>, %arg7: memref<128x1xf32, #tpu.memory_space<vmem>>, %arg8: memref<1x1xf32, #tpu.memory_space<vmem>>, %arg9: memref<1x16384xf32, #tpu.memory_space<vmem>>) attributes {dimension_semantics = [], scalar_prefetch = 0 : i64, scratch_operands = 0 : i64, tpu.core_type = #tpu.core_type<tc>} {
    %get3A = arith.constant 0 : index
    %get3A_0 = arith.constant 0 : index
    %get3A_1 = vector.load %arg0[%get3A, %get3A_0] : memref<32x16384xf32, #tpu.memory_space<vmem>>, vector<32x16384xf32>
    %convert_element_type3A = arith.truncf %get3A_1 : vector<32x16384xf32> to vector<32x16384xbf16>
    %get3A_2 = arith.constant 0 : index
    %get3A_3 = arith.constant 0 : index
    %get3A_4 = vector.load %arg2[%get3A_2, %get3A_3] : memref<32x128xf32, #tpu.memory_space<vmem>>, vector<32x128xf32>
    %convert_element_type3A_5 = arith.truncf %get3A_4 : vector<32x128xf32> to vector<32x128xbf16>
    %dot_general3A = arith.constant dense<0.000000e+00> : vector<16384x128xf32>
    %dot_general3A_6 = tpu.matmul %convert_element_type3A, %convert_element_type3A_5, %dot_general3A {dimension_numbers = #tpu.dot_dimension_numbers<[0], [0], [1], [1], [0, 1, 1, 1], [], []>, transpose_lhs_hint = false} : vector<32x16384xbf16>, vector<32x128xbf16>, vector<16384x128xf32> -> vector<16384x128xf32>
    %get3A_7 = arith.constant 0 : index
    %get3A_8 = arith.constant 0 : index
    %get3A_9 = vector.load %arg1[%get3A_7, %get3A_8] : memref<32x16384xf32, #tpu.memory_space<vmem>>, vector<32x16384xf32>
    %convert_element_type3A_10 = arith.truncf %get3A_9 : vector<32x16384xf32> to vector<32x16384xbf16>
    %get3A_11 = arith.constant 0 : index
    %get3A_12 = arith.constant 0 : index
    %get3A_13 = vector.load %arg3[%get3A_11, %get3A_12] : memref<32x128xf32, #tpu.memory_space<vmem>>, vector<32x128xf32>
    %convert_element_type3A_14 = arith.truncf %get3A_13 : vector<32x128xf32> to vector<32x128xbf16>
    %dot_general3A_15 = arith.constant dense<0.000000e+00> : vector<16384x128xf32>
    %dot_general3A_16 = tpu.matmul %convert_element_type3A_10, %convert_element_type3A_14, %dot_general3A_15 {dimension_numbers = #tpu.dot_dimension_numbers<[0], [0], [1], [1], [0, 1, 1, 1], [], []>, transpose_lhs_hint = false} : vector<32x16384xbf16>, vector<32x128xbf16>, vector<16384x128xf32> -> vector<16384x128xf32>
    %add3A = arith.addf %dot_general3A_6, %dot_general3A_16 : vector<16384x128xf32>
    %get3A_17 = arith.constant 0 : index
    %get3A_18 = arith.constant 0 : index
    %get3A_19 = vector.load %arg4[%get3A_17, %get3A_18] : memref<1x128xf32, #tpu.memory_space<vmem>>, vector<1x128xf32>
    %add3A_20 = vector.broadcast %get3A_19 : vector<1x128xf32> to vector<16384x128xf32>
    %add3A_21 = arith.addf %add3A, %add3A_20 : vector<16384x128xf32>
    %reduce_sum3A = arith.constant dense<0.000000e+00> : vector<128xf32>
    %reduce_sum3A_22 = vector.multi_reduction <add>, %add3A_21, %reduce_sum3A [0] : vector<16384x128xf32> to vector<128xf32>
    %broadcast_in_dim3A = vector.shape_cast %reduce_sum3A_22 : vector<128xf32> to vector<1x128xf32>
    %div3A = arith.constant 1.638400e+04 : f32
    %div3A_23 = vector.broadcast %div3A : f32 to vector<1x128xf32>
    %div3A_24 = arith.divf %broadcast_in_dim3A, %div3A_23 : vector<1x128xf32>
    %sub3A = vector.broadcast %div3A_24 : vector<1x128xf32> to vector<16384x128xf32>
    %sub3A_25 = arith.subf %add3A_21, %sub3A : vector<16384x128xf32>
    %integer_pow3A = arith.mulf %sub3A_25, %sub3A_25 : vector<16384x128xf32>
    %reduce_sum3A_26 = arith.constant dense<0.000000e+00> : vector<128xf32>
    %reduce_sum3A_27 = vector.multi_reduction <add>, %integer_pow3A, %reduce_sum3A_26 [0] : vector<16384x128xf32> to vector<128xf32>
    %broadcast_in_dim3A_28 = vector.shape_cast %reduce_sum3A_27 : vector<128xf32> to vector<1x128xf32>
    %div3A_29 = arith.constant 1.638400e+04 : f32
    %div3A_30 = vector.broadcast %div3A_29 : f32 to vector<1x128xf32>
    %div3A_31 = arith.divf %broadcast_in_dim3A_28, %div3A_30 : vector<1x128xf32>
    %sub3A_32 = vector.broadcast %div3A_24 : vector<1x128xf32> to vector<16384x128xf32>
    %sub3A_33 = arith.subf %add3A_21, %sub3A_32 : vector<16384x128xf32>
    %add3A_34 = arith.constant 9.99999974E-6 : f32
    %add3A_35 = vector.broadcast %add3A_34 : f32 to vector<1x128xf32>
    %add3A_36 = arith.addf %div3A_31, %add3A_35 : vector<1x128xf32>
    %rsqrt3A = math.rsqrt %add3A_36 : vector<1x128xf32>
    %mul3A = vector.broadcast %rsqrt3A : vector<1x128xf32> to vector<16384x128xf32>
    %mul3A_37 = arith.mulf %sub3A_33, %mul3A : vector<16384x128xf32>
    %get3A_38 = arith.constant 0 : index
    %get3A_39 = arith.constant 0 : index
    %get3A_40 = vector.load %arg5[%get3A_38, %get3A_39] : memref<1x128xf32, #tpu.memory_space<vmem>>, vector<1x128xf32>
    %mul3A_41 = vector.broadcast %get3A_40 : vector<1x128xf32> to vector<16384x128xf32>
    %mul3A_42 = arith.mulf %mul3A_37, %mul3A_41 : vector<16384x128xf32>
    %get3A_43 = arith.constant 0 : index
    %get3A_44 = arith.constant 0 : index
    %get3A_45 = vector.load %arg6[%get3A_43, %get3A_44] : memref<1x128xf32, #tpu.memory_space<vmem>>, vector<1x128xf32>
    %add3A_46 = vector.broadcast %get3A_45 : vector<1x128xf32> to vector<16384x128xf32>
    %add3A_47 = arith.addf %mul3A_42, %add3A_46 : vector<16384x128xf32>
    %max3A = arith.constant 0.000000e+00 : f32
    %max3A_48 = vector.broadcast %max3A : f32 to vector<16384x128xf32>
    %max3A_49 = arith.maximumf %add3A_47, %max3A_48 : vector<16384x128xf32>
    %get3A_50 = arith.constant 0 : index
    %get3A_51 = arith.constant 0 : index
    %get3A_52 = vector.load %arg7[%get3A_50, %get3A_51] : memref<128x1xf32, #tpu.memory_space<vmem>>, vector<128x1xf32>
    %dot_general3A_53 = arith.constant dense<0.000000e+00> : vector<1x16384xf32>
    %dot_general3A_54 = tpu.matmul %get3A_52, %max3A_49, %dot_general3A_53 {dimension_numbers = #tpu.dot_dimension_numbers<[0], [1], [1], [0], [0, 1, 1, 0], [], []>, transpose_lhs_hint = false} : vector<128x1xf32>, vector<16384x128xf32>, vector<1x16384xf32> -> vector<1x16384xf32>
    %get3A_55 = arith.constant 0 : index
    %get3A_56 = arith.constant 0 : index
    %get3A_57 = vector.load %arg8[%get3A_55, %get3A_56] : memref<1x1xf32, #tpu.memory_space<vmem>>, vector<1x1xf32>
    %add3A_58 = vector.broadcast %get3A_57 : vector<1x1xf32> to vector<1x16384xf32>
    %add3A_59 = arith.addf %dot_general3A_54, %add3A_58 : vector<1x16384xf32>
    %logistic3A = arith.negf %add3A_59 : vector<1x16384xf32>
    %logistic3A_60 = math.exp %logistic3A : vector<1x16384xf32>
    %logistic3A_61 = arith.constant 1.000000e+00 : f32
    %logistic3A_62 = vector.broadcast %logistic3A_61 : f32 to vector<1x16384xf32>
    %logistic3A_63 = arith.addf %logistic3A_62, %logistic3A_60 : vector<1x16384xf32>
    %logistic3A_64 = arith.divf %logistic3A_62, %logistic3A_63 : vector<1x16384xf32>
    %swap3A = arith.constant 0 : index
    %swap3A_65 = arith.constant 0 : index
    %swap3A_66 = vector.load %arg9[%swap3A, %swap3A_65] : memref<1x16384xf32, #tpu.memory_space<vmem>>, vector<1x16384xf32>
    tpu.vector_store %arg9[%swap3A, %swap3A_65], %logistic3A_64 {strides = array<i32>} : memref<1x16384xf32, #tpu.memory_space<vmem>>, vector<1x16384xf32>,
    return
  }
}

module attributes {stable_mosaic.version = 14 : i64} {
  func.func @_repack_body(%arg0: i32, %arg1: memref<32x4096xf32, #tpu.memory_space<vmem>>, %arg2: memref<32x4096xf32, #tpu.memory_space<vmem>>, %arg3: memref<32x4096xf32, #tpu.memory_space<vmem>>, %arg4: memref<32x4096xf32, #tpu.memory_space<vmem>>, %arg5: memref<32x4096xf32, #tpu.memory_space<vmem>>, %arg6: memref<32x4096xf32, #tpu.memory_space<vmem>>, %arg7: memref<32x4096xf32, #tpu.memory_space<vmem>>, %arg8: memref<32x4096xf32, #tpu.memory_space<vmem>>, %arg9: memref<32x4096xf32, #tpu.memory_space<vmem>>, %arg10: memref<32x4096xf32, #tpu.memory_space<vmem>>, %arg11: memref<32x4096xf32, #tpu.memory_space<vmem>>, %arg12: memref<32x4096xf32, #tpu.memory_space<vmem>>, %arg13: memref<32x4096xf32, #tpu.memory_space<vmem>>, %arg14: memref<32x4096xf32, #tpu.memory_space<vmem>>, %arg15: memref<32x4096xf32, #tpu.memory_space<vmem>>, %arg16: memref<32x4096xf32, #tpu.memory_space<vmem>>, %arg17: memref<4096x128xf32, #tpu.memory_space<vmem>>, %arg18: memref<4096x128xf32, #tpu.memory_space<vmem>>) attributes {dimension_semantics = [#tpu.dimension_semantics<arbitrary>], iteration_bounds = array<i64: 32>, scalar_prefetch = 0 : i64, scratch_operands = 0 : i64, tpu.core_type = #tpu.core_type<tc>, window_params = [{transform_indices = @transform_0, window_bounds = array<i64: 32, 4096>}, {transform_indices = @transform_1, window_bounds = array<i64: 32, 4096>}, {transform_indices = @transform_2, window_bounds = array<i64: 32, 4096>}, {transform_indices = @transform_3, window_bounds = array<i64: 32, 4096>}, {transform_indices = @transform_4, window_bounds = array<i64: 32, 4096>}, {transform_indices = @transform_5, window_bounds = array<i64: 32, 4096>}, {transform_indices = @transform_6, window_bounds = array<i64: 32, 4096>}, {transform_indices = @transform_7, window_bounds = array<i64: 32, 4096>}, {transform_indices = @transform_8, window_bounds = array<i64: 32, 4096>}, {transform_indices = @transform_9, window_bounds = array<i64: 32, 4096>}, {transform_indices = @transform_10, window_bounds = array<i64: 32, 4096>}, {transform_indices = @transform_11, window_bounds = array<i64: 32, 4096>}, {transform_indices = @transform_12, window_bounds = array<i64: 32, 4096>}, {transform_indices = @transform_13, window_bounds = array<i64: 32, 4096>}, {transform_indices = @transform_14, window_bounds = array<i64: 32, 4096>}, {transform_indices = @transform_15, window_bounds = array<i64: 32, 4096>}, {transform_indices = @transform_16, window_bounds = array<i64: 4096, 128>}, {transform_indices = @transform_17, window_bounds = array<i64: 4096, 128>}]} {
    %iota3A = tpu.iota {dimensions = array<i32: 0>} : vector<256x128xi32>
    %iota3A_0 = tpu.iota {dimensions = array<i32: 1>} : vector<256x128xi32>
    %jit3A = arith.constant 32 : i32
    %div3A = vector.broadcast %jit3A : i32 to vector<256x128xi32>
    %div3A_1 = arith.divsi %iota3A, %div3A : vector<256x128xi32>
    %sign3A = arith.constant 0 : i32
    %sign3A_2 = vector.broadcast %sign3A : i32 to vector<256x128xi32>
    %sign3A_3 = arith.cmpi sgt, %iota3A, %sign3A_2 : vector<256x128xi32>
    %sign3A_4 = arith.extui %sign3A_3 : vector<256x128xi1> to vector<256x128xi32>
    %sign3A_5 = arith.constant 0 : i32
    %sign3A_6 = vector.broadcast %sign3A_5 : i32 to vector<256x128xi32>
    %sign3A_7 = arith.cmpi slt, %iota3A, %sign3A_6 : vector<256x128xi32>
    %sign3A_8 = arith.extui %sign3A_7 : vector<256x128xi1> to vector<256x128xi32>
    %sign3A_9 = arith.subi %sign3A_4, %sign3A_8 : vector<256x128xi32>
    %sign3A_10 = arith.constant 0 : i32
    %sign3A_11 = arith.cmpi sgt, %jit3A, %sign3A_10 : i32
    %sign3A_12 = arith.extui %sign3A_11 : i1 to i32
    %sign3A_13 = arith.constant 0 : i32
    %sign3A_14 = arith.cmpi slt, %jit3A, %sign3A_13 : i32
    %sign3A_15 = arith.extui %sign3A_14 : i1 to i32
    %sign3A_16 = arith.subi %sign3A_12, %sign3A_15 : i32
    %ne3A = vector.broadcast %sign3A_16 : i32 to vector<256x128xi32>
    %ne3A_17 = arith.cmpi ne, %sign3A_9, %ne3A : vector<256x128xi32>
    %rem3A = vector.broadcast %jit3A : i32 to vector<256x128xi32>
    %rem3A_18 = arith.remsi %iota3A, %rem3A : vector<256x128xi32>
    %ne3A_19 = arith.constant 0 : i32
    %ne3A_20 = vector.broadcast %ne3A_19 : i32 to vector<256x128xi32>
    %ne3A_21 = arith.cmpi ne, %rem3A_18, %ne3A_20 : vector<256x128xi32>
    %and3A = arith.andi %ne3A_17, %ne3A_21 : vector<256x128xi1>
    %sub3A = arith.constant 1 : i32
    %sub3A_22 = vector.broadcast %sub3A : i32 to vector<256x128xi32>
    %sub3A_23 = arith.subi %div3A_1, %sub3A_22 : vector<256x128xi32>
    %select_n3A = arith.select %and3A, %sub3A_23, %div3A_1 : vector<256x128xi1>, vector<256x128xi32>
    %jit3A_24 = arith.constant 32 : i32
    %eq3A = arith.constant 0 : i32
    %eq3A_25 = arith.cmpi eq, %jit3A_24, %eq3A : i32
    %jit3A_26 = arith.constant 1 : i32
    %select_n3A_27 = arith.select %eq3A_25, %jit3A_26, %jit3A_24 : i32
    %rem3A_28 = vector.broadcast %select_n3A_27 : i32 to vector<256x128xi32>
    %rem3A_29 = arith.remsi %iota3A, %rem3A_28 : vector<256x128xi32>
    %ne3A_30 = arith.constant 0 : i32
    %ne3A_31 = vector.broadcast %ne3A_30 : i32 to vector<256x128xi32>
    %ne3A_32 = arith.cmpi ne, %rem3A_29, %ne3A_31 : vector<256x128xi32>
    %lt3A = arith.constant 0 : i32
    %lt3A_33 = vector.broadcast %lt3A : i32 to vector<256x128xi32>
    %lt3A_34 = arith.cmpi slt, %rem3A_29, %lt3A_33 : vector<256x128xi32>
    %lt3A_35 = arith.constant 0 : i32
    %lt3A_36 = arith.cmpi slt, %select_n3A_27, %lt3A_35 : i32
    %ne3A_37 = vector.broadcast %lt3A_36 : i1 to vector<256x128xi1>
    %ne3A_38 = vector.broadcast %ne3A_37 : vector<256x128xi1> to vector<256x128xi1>
    %ne3A_39 = arith.xori %lt3A_34, %ne3A_38 : vector<256x128xi1>
    %and3A_40 = arith.andi %ne3A_39, %ne3A_32 : vector<256x128xi1>
    %add3A = vector.broadcast %select_n3A_27 : i32 to vector<256x128xi32>
    %add3A_41 = arith.addi %rem3A_29, %add3A : vector<256x128xi32>
    %select_n3A_42 = arith.select %and3A_40, %add3A_41, %rem3A_29 : vector<256x128xi1>, vector<256x128xi32>
    %lt3A_43 = arith.constant 16 : i32
    %lt3A_44 = vector.broadcast %lt3A_43 : i32 to vector<256x128xi32>
    %lt3A_45 = arith.cmpi slt, %select_n3A_42, %lt3A_44 : vector<256x128xi32>
    %mul3A = arith.constant 16 : i32
    %mul3A_46 = vector.broadcast %mul3A : i32 to vector<256x128xi32>
    %mul3A_47 = arith.muli %select_n3A, %mul3A_46 : vector<256x128xi32>
    %add3A_48 = arith.addi %mul3A_47, %select_n3A_42 : vector<256x128xi32>
    %eq3A_49 = arith.cmpi eq, %iota3A_0, %add3A_48 : vector<256x128xi32>
    %and3A_50 = arith.andi %lt3A_45, %eq3A_49 : vector<256x128xi1>
    %convert_element_type3A = arith.extui %and3A_50 : vector<256x128xi1> to vector<256x128xi32>
    %convert_element_type3A_51 = arith.sitofp %convert_element_type3A : vector<256x128xi32> to vector<256x128xf32>
    %convert_element_type3A_52 = arith.truncf %convert_element_type3A_51 : vector<256x128xf32> to vector<256x128xbf16>
    %ge3A = arith.constant 16 : i32
    %ge3A_53 = vector.broadcast %ge3A : i32 to vector<256x128xi32>
    %ge3A_54 = arith.cmpi sge, %select_n3A_42, %ge3A_53 : vector<256x128xi32>
    %mul3A_55 = arith.constant 16 : i32
    %mul3A_56 = vector.broadcast %mul3A_55 : i32 to vector<256x128xi32>
    %mul3A_57 = arith.muli %select_n3A, %mul3A_56 : vector<256x128xi32>
    %add3A_58 = arith.addi %mul3A_57, %select_n3A_42 : vector<256x128xi32>
    %sub3A_59 = arith.constant 16 : i32
    %sub3A_60 = vector.broadcast %sub3A_59 : i32 to vector<256x128xi32>
    %sub3A_61 = arith.subi %add3A_58, %sub3A_60 : vector<256x128xi32>
    %eq3A_62 = arith.cmpi eq, %iota3A_0, %sub3A_61 : vector<256x128xi32>
    %and3A_63 = arith.andi %ge3A_54, %eq3A_62 : vector<256x128xi1>
    %convert_element_type3A_64 = arith.extui %and3A_63 : vector<256x128xi1> to vector<256x128xi32>
    %convert_element_type3A_65 = arith.sitofp %convert_element_type3A_64 : vector<256x128xi32> to vector<256x128xf32>
    %convert_element_type3A_66 = arith.truncf %convert_element_type3A_65 : vector<256x128xf32> to vector<256x128xbf16>
    %get3A = arith.constant 0 : index
    %get3A_67 = arith.constant 0 : index
    %get3A_68 = vector.load %arg1[%get3A, %get3A_67] : memref<32x4096xf32, #tpu.memory_space<vmem>>, vector<32x4096xf32>
    %get3A_69 = arith.constant 0 : index
    %get3A_70 = arith.constant 0 : index
    %get3A_71 = vector.load %arg2[%get3A_69, %get3A_70] : memref<32x4096xf32, #tpu.memory_space<vmem>>, vector<32x4096xf32>
    %get3A_72 = arith.constant 0 : index
    %get3A_73 = arith.constant 0 : index
    %get3A_74 = vector.load %arg3[%get3A_72, %get3A_73] : memref<32x4096xf32, #tpu.memory_space<vmem>>, vector<32x4096xf32>
    %get3A_75 = arith.constant 0 : index
    %get3A_76 = arith.constant 0 : index
    %get3A_77 = vector.load %arg4[%get3A_75, %get3A_76] : memref<32x4096xf32, #tpu.memory_space<vmem>>, vector<32x4096xf32>
    %get3A_78 = arith.constant 0 : index
    %get3A_79 = arith.constant 0 : index
    %get3A_80 = vector.load %arg5[%get3A_78, %get3A_79] : memref<32x4096xf32, #tpu.memory_space<vmem>>, vector<32x4096xf32>
    %get3A_81 = arith.constant 0 : index
    %get3A_82 = arith.constant 0 : index
    %get3A_83 = vector.load %arg6[%get3A_81, %get3A_82] : memref<32x4096xf32, #tpu.memory_space<vmem>>, vector<32x4096xf32>
    %get3A_84 = arith.constant 0 : index
    %get3A_85 = arith.constant 0 : index
    %get3A_86 = vector.load %arg7[%get3A_84, %get3A_85] : memref<32x4096xf32, #tpu.memory_space<vmem>>, vector<32x4096xf32>
    %get3A_87 = arith.constant 0 : index
    %get3A_88 = arith.constant 0 : index
    %get3A_89 = vector.load %arg8[%get3A_87, %get3A_88] : memref<32x4096xf32, #tpu.memory_space<vmem>>, vector<32x4096xf32>
    %concatenate3A = tpu.concatenate %get3A_68, %get3A_71, %get3A_74, %get3A_77, %get3A_80, %get3A_83, %get3A_86, %get3A_89 in 0 : vector<32x4096xf32>, vector<32x4096xf32>, vector<32x4096xf32>, vector<32x4096xf32>, vector<32x4096xf32>, vector<32x4096xf32>, vector<32x4096xf32>, vector<32x4096xf32> -> vector<256x4096xf32>
    %convert_element_type3A_90 = arith.truncf %concatenate3A : vector<256x4096xf32> to vector<256x4096xbf16>
    %dot_general3A = arith.constant dense<0.000000e+00> : vector<4096x128xf32>
    %dot_general3A_91 = tpu.matmul %convert_element_type3A_90, %convert_element_type3A_52, %dot_general3A {dimension_numbers = #tpu.dot_dimension_numbers<[0], [0], [1], [1], [0, 1, 1, 1], [], []>, transpose_lhs_hint = false} : vector<256x4096xbf16>, vector<256x128xbf16>, vector<4096x128xf32> -> vector<4096x128xf32>
    %dot_general3A_92 = arith.constant dense<0.000000e+00> : vector<4096x128xf32>
    %dot_general3A_93 = tpu.matmul %convert_element_type3A_90, %convert_element_type3A_66, %dot_general3A_92 {dimension_numbers = #tpu.dot_dimension_numbers<[0], [0], [1], [1], [0, 1, 1, 1], [], []>, transpose_lhs_hint = false} : vector<256x4096xbf16>, vector<256x128xbf16>, vector<4096x128xf32> -> vector<4096x128xf32>
    %bitcast_convert_type3A = tpu.bitcast %dot_general3A_91 : vector<4096x128xf32> -> vector<4096x128xi32>
    %bitcast_convert_type3A_94 = tpu.bitcast %dot_general3A_93 : vector<4096x128xf32> -> vector<4096x128xi32>
    %and3A_95 = arith.constant -65536 : i32
    %and3A_96 = vector.broadcast %and3A_95 : i32 to vector<4096x128xi32>
    %and3A_97 = arith.andi %bitcast_convert_type3A_94, %and3A_96 : vector<4096x128xi32>
    %shift_right_logical3A = arith.constant 16 : i32
    %shift_right_logical3A_98 = vector.broadcast %shift_right_logical3A : i32 to vector<4096x128xi32>
    %shift_right_logical3A_99 = arith.shrui %bitcast_convert_type3A, %shift_right_logical3A_98 : vector<4096x128xi32>
    %or3A = arith.ori %and3A_97, %shift_right_logical3A_99 : vector<4096x128xi32>
    %bitcast_convert_type3A_100 = tpu.bitcast %or3A : vector<4096x128xi32> -> vector<4096x128xf32>
    %swap3A = arith.constant 0 : index
    %swap3A_101 = arith.constant 0 : index
    %swap3A_102 = vector.load %arg17[%swap3A, %swap3A_101] : memref<4096x128xf32, #tpu.memory_space<vmem>>, vector<4096x128xf32>
    tpu.vector_store %arg17[%swap3A, %swap3A_101], %bitcast_convert_type3A_100 {strides = array<i32>} : memref<4096x128xf32, #tpu.memory_space<vmem>>, vector<4096x128xf32>,
    %get3A_103 = arith.constant 0 : index
    %get3A_104 = arith.constant 0 : index
    %get3A_105 = vector.load %arg9[%get3A_103, %get3A_104] : memref<32x4096xf32, #tpu.memory_space<vmem>>, vector<32x4096xf32>
    %get3A_106 = arith.constant 0 : index
    %get3A_107 = arith.constant 0 : index
    %get3A_108 = vector.load %arg10[%get3A_106, %get3A_107] : memref<32x4096xf32, #tpu.memory_space<vmem>>, vector<32x4096xf32>
    %get3A_109 = arith.constant 0 : index
    %get3A_110 = arith.constant 0 : index
    %get3A_111 = vector.load %arg11[%get3A_109, %get3A_110] : memref<32x4096xf32, #tpu.memory_space<vmem>>, vector<32x4096xf32>
    %get3A_112 = arith.constant 0 : index
    %get3A_113 = arith.constant 0 : index
    %get3A_114 = vector.load %arg12[%get3A_112, %get3A_113] : memref<32x4096xf32, #tpu.memory_space<vmem>>, vector<32x4096xf32>
    %get3A_115 = arith.constant 0 : index
    %get3A_116 = arith.constant 0 : index
    %get3A_117 = vector.load %arg13[%get3A_115, %get3A_116] : memref<32x4096xf32, #tpu.memory_space<vmem>>, vector<32x4096xf32>
    %get3A_118 = arith.constant 0 : index
    %get3A_119 = arith.constant 0 : index
    %get3A_120 = vector.load %arg14[%get3A_118, %get3A_119] : memref<32x4096xf32, #tpu.memory_space<vmem>>, vector<32x4096xf32>
    %get3A_121 = arith.constant 0 : index
    %get3A_122 = arith.constant 0 : index
    %get3A_123 = vector.load %arg15[%get3A_121, %get3A_122] : memref<32x4096xf32, #tpu.memory_space<vmem>>, vector<32x4096xf32>
    %get3A_124 = arith.constant 0 : index
    %get3A_125 = arith.constant 0 : index
    %get3A_126 = vector.load %arg16[%get3A_124, %get3A_125] : memref<32x4096xf32, #tpu.memory_space<vmem>>, vector<32x4096xf32>
    %concatenate3A_127 = tpu.concatenate %get3A_105, %get3A_108, %get3A_111, %get3A_114, %get3A_117, %get3A_120, %get3A_123, %get3A_126 in 0 : vector<32x4096xf32>, vector<32x4096xf32>, vector<32x4096xf32>, vector<32x4096xf32>, vector<32x4096xf32>, vector<32x4096xf32>, vector<32x4096xf32>, vector<32x4096xf32> -> vector<256x4096xf32>
    %convert_element_type3A_128 = arith.truncf %concatenate3A_127 : vector<256x4096xf32> to vector<256x4096xbf16>
    %dot_general3A_129 = arith.constant dense<0.000000e+00> : vector<4096x128xf32>
    %dot_general3A_130 = tpu.matmul %convert_element_type3A_128, %convert_element_type3A_52, %dot_general3A_129 {dimension_numbers = #tpu.dot_dimension_numbers<[0], [0], [1], [1], [0, 1, 1, 1], [], []>, transpose_lhs_hint = false} : vector<256x4096xbf16>, vector<256x128xbf16>, vector<4096x128xf32> -> vector<4096x128xf32>
    %dot_general3A_131 = arith.constant dense<0.000000e+00> : vector<4096x128xf32>
    %dot_general3A_132 = tpu.matmul %convert_element_type3A_128, %convert_element_type3A_66, %dot_general3A_131 {dimension_numbers = #tpu.dot_dimension_numbers<[0], [0], [1], [1], [0, 1, 1, 1], [], []>, transpose_lhs_hint = false} : vector<256x4096xbf16>, vector<256x128xbf16>, vector<4096x128xf32> -> vector<4096x128xf32>
    %bitcast_convert_type3A_133 = tpu.bitcast %dot_general3A_130 : vector<4096x128xf32> -> vector<4096x128xi32>
    %bitcast_convert_type3A_134 = tpu.bitcast %dot_general3A_132 : vector<4096x128xf32> -> vector<4096x128xi32>
    %and3A_135 = arith.constant -65536 : i32
    %and3A_136 = vector.broadcast %and3A_135 : i32 to vector<4096x128xi32>
    %and3A_137 = arith.andi %bitcast_convert_type3A_134, %and3A_136 : vector<4096x128xi32>
    %shift_right_logical3A_138 = arith.constant 16 : i32
    %shift_right_logical3A_139 = vector.broadcast %shift_right_logical3A_138 : i32 to vector<4096x128xi32>
    %shift_right_logical3A_140 = arith.shrui %bitcast_convert_type3A_133, %shift_right_logical3A_139 : vector<4096x128xi32>
    %or3A_141 = arith.ori %and3A_137, %shift_right_logical3A_140 : vector<4096x128xi32>
    %bitcast_convert_type3A_142 = tpu.bitcast %or3A_141 : vector<4096x128xi32> -> vector<4096x128xf32>
    %swap3A_143 = arith.constant 0 : index
    %swap3A_144 = arith.constant 0 : index
    %swap3A_145 = vector.load %arg18[%swap3A_143, %swap3A_144] : memref<4096x128xf32, #tpu.memory_space<vmem>>, vector<4096x128xf32>
    tpu.vector_store %arg18[%swap3A_143, %swap3A_144], %bitcast_convert_type3A_142 {strides = array<i32>} : memref<4096x128xf32, #tpu.memory_space<vmem>>, vector<4096x128xf32>,
    return
  }
  func.func @transform_0(%arg0: i32) -> (i32, i32) {
    %add3A = arith.constant 0 : i32
    %add3A_0 = arith.addi %add3A, %arg0 : i32
    %min3A = arith.constant 244 : i32
    %min3A_1 = arith.minsi %add3A_0, %min3A : i32
    %c0_i32 = arith.constant 0 : i32
    %c0_i32_2 = arith.constant 0 : i32
    return %c0_i32, %min3A_1 : i32, i32
  }
  func.func @transform_1(%arg0: i32) -> (i32, i32) {
    %add3A = arith.constant 32 : i32
    %add3A_0 = arith.addi %add3A, %arg0 : i32
    %min3A = arith.constant 244 : i32
    %min3A_1 = arith.minsi %add3A_0, %min3A : i32
    %c0_i32 = arith.constant 0 : i32
    %c0_i32_2 = arith.constant 0 : i32
    return %c0_i32, %min3A_1 : i32, i32
  }
  func.func @transform_2(%arg0: i32) -> (i32, i32) {
    %add3A = arith.constant 64 : i32
    %add3A_0 = arith.addi %add3A, %arg0 : i32
    %min3A = arith.constant 244 : i32
    %min3A_1 = arith.minsi %add3A_0, %min3A : i32
    %c0_i32 = arith.constant 0 : i32
    %c0_i32_2 = arith.constant 0 : i32
    return %c0_i32, %min3A_1 : i32, i32
  }
  func.func @transform_3(%arg0: i32) -> (i32, i32) {
    %add3A = arith.constant 96 : i32
    %add3A_0 = arith.addi %add3A, %arg0 : i32
    %min3A = arith.constant 244 : i32
    %min3A_1 = arith.minsi %add3A_0, %min3A : i32
    %c0_i32 = arith.constant 0 : i32
    %c0_i32_2 = arith.constant 0 : i32
    return %c0_i32, %min3A_1 : i32, i32
  }
  func.func @transform_4(%arg0: i32) -> (i32, i32) {
    %add3A = arith.constant 128 : i32
    %add3A_0 = arith.addi %add3A, %arg0 : i32
    %min3A = arith.constant 244 : i32
    %min3A_1 = arith.minsi %add3A_0, %min3A : i32
    %c0_i32 = arith.constant 0 : i32
    %c0_i32_2 = arith.constant 0 : i32
    return %c0_i32, %min3A_1 : i32, i32
  }
  func.func @transform_5(%arg0: i32) -> (i32, i32) {
    %add3A = arith.constant 160 : i32
    %add3A_0 = arith.addi %add3A, %arg0 : i32
    %min3A = arith.constant 244 : i32
    %min3A_1 = arith.minsi %add3A_0, %min3A : i32
    %c0_i32 = arith.constant 0 : i32
    %c0_i32_2 = arith.constant 0 : i32
    return %c0_i32, %min3A_1 : i32, i32
  }
  func.func @transform_6(%arg0: i32) -> (i32, i32) {
    %add3A = arith.constant 192 : i32
    %add3A_0 = arith.addi %add3A, %arg0 : i32
    %min3A = arith.constant 244 : i32
    %min3A_1 = arith.minsi %add3A_0, %min3A : i32
    %c0_i32 = arith.constant 0 : i32
    %c0_i32_2 = arith.constant 0 : i32
    return %c0_i32, %min3A_1 : i32, i32
  }
  func.func @transform_7(%arg0: i32) -> (i32, i32) {
    %add3A = arith.constant 224 : i32
    %add3A_0 = arith.addi %add3A, %arg0 : i32
    %min3A = arith.constant 244 : i32
    %min3A_1 = arith.minsi %add3A_0, %min3A : i32
    %c0_i32 = arith.constant 0 : i32
    %c0_i32_2 = arith.constant 0 : i32
    return %c0_i32, %min3A_1 : i32, i32
  }
  func.func @transform_8(%arg0: i32) -> (i32, i32) {
    %add3A = arith.constant 0 : i32
    %add3A_0 = arith.addi %add3A, %arg0 : i32
    %min3A = arith.constant 244 : i32
    %min3A_1 = arith.minsi %add3A_0, %min3A : i32
    %c0_i32 = arith.constant 0 : i32
    %c0_i32_2 = arith.constant 0 : i32
    return %c0_i32, %min3A_1 : i32, i32
  }
  func.func @transform_9(%arg0: i32) -> (i32, i32) {
    %add3A = arith.constant 32 : i32
    %add3A_0 = arith.addi %add3A, %arg0 : i32
    %min3A = arith.constant 244 : i32
    %min3A_1 = arith.minsi %add3A_0, %min3A : i32
    %c0_i32 = arith.constant 0 : i32
    %c0_i32_2 = arith.constant 0 : i32
    return %c0_i32, %min3A_1 : i32, i32
  }
  func.func @transform_10(%arg0: i32) -> (i32, i32) {
    %add3A = arith.constant 64 : i32
    %add3A_0 = arith.addi %add3A, %arg0 : i32
    %min3A = arith.constant 244 : i32
    %min3A_1 = arith.minsi %add3A_0, %min3A : i32
    %c0_i32 = arith.constant 0 : i32
    %c0_i32_2 = arith.constant 0 : i32
    return %c0_i32, %min3A_1 : i32, i32
  }
  func.func @transform_11(%arg0: i32) -> (i32, i32) {
    %add3A = arith.constant 96 : i32
    %add3A_0 = arith.addi %add3A, %arg0 : i32
    %min3A = arith.constant 244 : i32
    %min3A_1 = arith.minsi %add3A_0, %min3A : i32
    %c0_i32 = arith.constant 0 : i32
    %c0_i32_2 = arith.constant 0 : i32
    return %c0_i32, %min3A_1 : i32, i32
  }
  func.func @transform_12(%arg0: i32) -> (i32, i32) {
    %add3A = arith.constant 128 : i32
    %add3A_0 = arith.addi %add3A, %arg0 : i32
    %min3A = arith.constant 244 : i32
    %min3A_1 = arith.minsi %add3A_0, %min3A : i32
    %c0_i32 = arith.constant 0 : i32
    %c0_i32_2 = arith.constant 0 : i32
    return %c0_i32, %min3A_1 : i32, i32
  }
  func.func @transform_13(%arg0: i32) -> (i32, i32) {
    %add3A = arith.constant 160 : i32
    %add3A_0 = arith.addi %add3A, %arg0 : i32
    %min3A = arith.constant 244 : i32
    %min3A_1 = arith.minsi %add3A_0, %min3A : i32
    %c0_i32 = arith.constant 0 : i32
    %c0_i32_2 = arith.constant 0 : i32
    return %c0_i32, %min3A_1 : i32, i32
  }
  func.func @transform_14(%arg0: i32) -> (i32, i32) {
    %add3A = arith.constant 192 : i32
    %add3A_0 = arith.addi %add3A, %arg0 : i32
    %min3A = arith.constant 244 : i32
    %min3A_1 = arith.minsi %add3A_0, %min3A : i32
    %c0_i32 = arith.constant 0 : i32
    %c0_i32_2 = arith.constant 0 : i32
    return %c0_i32, %min3A_1 : i32, i32
  }
  func.func @transform_15(%arg0: i32) -> (i32, i32) {
    %add3A = arith.constant 224 : i32
    %add3A_0 = arith.addi %add3A, %arg0 : i32
    %min3A = arith.constant 244 : i32
    %min3A_1 = arith.minsi %add3A_0, %min3A : i32
    %c0_i32 = arith.constant 0 : i32
    %c0_i32_2 = arith.constant 0 : i32
    return %c0_i32, %min3A_1 : i32, i32
  }
  func.func @transform_16(%arg0: i32) -> (i32, i32) {
    %c0_i32 = arith.constant 0 : i32
    %c0_i32_0 = arith.constant 0 : i32
    return %arg0, %c0_i32 : i32, i32
  }
  func.func @transform_17(%arg0: i32) -> (i32, i32) {
    %c0_i32 = arith.constant 0 : i32
    %c0_i32_0 = arith.constant 0 : i32
    return %arg0, %c0_i32 : i32, i32
  }
}

</mosaic_0001>

<sc_bundles>
// kernel: kernel.5.cloned.1.call-start
scs
__scs_entry_jumppad:
0x0: {  	(pc) =	sbr.rel $0x88, $3  }
0x1: {  	(tag) =	ssettag $0x0;
	lr =	simm.s32 $0x1  }
0x2: {  	[smem:$0x3F97] =	sst lr;
	_ =	strace $0xD0000000  }
0x3: {  	_ = 	snop  }
0x4: {  	_ = 	snop  }
0x5: {  	_ = 	snop  }
0x6: {  	_ = 	snop  }
0x7: {  	_ = 	snop  }
__scs_overlays_trampoline_lowered:
0x8: {  	[smem:$0x3FA6] =	sst s0  }
0x9: {  	[smem:$0x3FA7] =	sst s1  }
0xa: {  	[smem:$0x3FA8] =	sst s2  }
0xb: {  	[smem:$0x3FA9] =	sst s3  }
0xc: {  	[smem:$0x3FAA] =	sst s4  }
0xd: {  	[smem:$0x3FAB] =	sst s5  }
0xe: {  	[smem:$0x3FAC] =	sst s6  }
0xf: {  	[smem:$0x3FAD] =	sst s7  }
0x10: {  	[smem:$0x3FAE] =	sst s8  }
0x11: {  	[smem:$0x3FAF] =	sst s9;
	s0 =	simm.s32 @!p0 $0x0  }
0x12: {  	s1 =	sld [smem:$0x3F95];
	s0 =	simm.s32 @p0 $0x1  }
0x13: {  	[smem:$0x3FB0] =	sst s0;
	s0 =	simm.s32 @!p1 $0x0  }
0x14: {  	s2 =	sld [smem:$0x3F94];
	s0 =	simm.s32 @p1 $0x1  }
0x15: {  	[smem:$0x3FB1] =	sst s0;
	s0 =	simm.s32 @!p2 $0x0  }
0x16: {  	s3 =	sld [smem:$0x3FDB];
	s0 =	simm.s32 @p2 $0x1  }
0x17: {  	s4 =	simm.s32 $0x1BF5;
	[smem:$0x3FB3] =	sst s0  }
0x18: {  	s0 =	sld [smem:$0x3F96];
	_ =	swait.ge [sflag:s4], $0x0  }
0x19: {  	s7 =	sld [smem:$0x3F97]  }
0x1a: {  	s8 =	sadd.s32 $0xFFFFE003, lr  }
0x1b: {  	s9 =	sadd.s32 $0xFFFFFEF7, lr;
	s5 =	simm.s32 $0xFFFFFFFF;
	p2 =	slt.u32 s8, $0xFFFFF086  }
0x1c: {  	p1 =	slt.u32 s9, $0xF7A;
	s5 =	simm.s32 @!p2 $0x0  }
0x1d: {  	s5 =	simm.s32 @p1 $0x1;
	p0 =	seq.s32 s7, s2  }
0x1e: {  	s7 =	smul.u32 @!p0 $0xF7A, s2;
	p2 =	seq.s32 @!p0 s5, $0x0  }
0x1f: {  	s9 =	smul.u32 $0xF7A, s1;
	s8 =	simm.s32 @!p0 $0x1BF5;
	p2 =	por !p2, p0  }
0x20: {  	[sflag:s8] =	ssyncset.s32 @!p0 $0xFFFFF086;
	s6 =	sadd.s32 @!p0 s3, s7;
	s7 =	simm.s32 @!p0 $0x108  }
0x21: {  	s3 =	sadd.s32 s3, s9;
	s6 =	sadd.s32 @!p0 $0x88, s6;
	s7 =	simm.s32 @p2 $0x1082  }
0x22: {  	[simem:s7], [sflag:s8] =	dma.local @!p0 [hbm:s6], $0xF7A  }
0x23: {  	s9 =	sor.u32 $0xD0000000, s2;
	s6 =	simm.s32 $0x108;
	_ =	swait.ge @!p0 [sflag:s8], $0x0  }
0x24: {  	s3 =	sadd.s32 $0x88, s3;
	s6 =	simm.s32 @!p1 $0x1082;
	[sflag:s4] =	ssyncset.s32 $0xFFFFF086  }
0x25: {  	[simem:s6], [sflag:s4] =	dma.local [hbm:s3], $0xF7A  }
0x26: {  	[smem:$0x3F97] =	sst s1;
	(tag) =	ssettag s2;
	_ =	strace s9  }
0x27: {  	s1 =	sld [smem:$0x3FA7]  }
0x28: {  	s2 =	sld [smem:$0x3FA8]  }
0x29: {  	s4 =	sld [smem:$0x3FAA]  }
0x2a: {  	p0 =	seq.s32 s5, $0x0;
	s5 =	sld [smem:$0x3FAB]  }
0x2b: {  	s6 =	sld [smem:$0x3FAC]  }
0x2c: {  	s7 =	sld [smem:$0x3FAD]  }
0x2d: {  	s3 =	simm.s32 $0x108;
	s8 =	sld [smem:$0x3FAE]  }
0x2e: {  	s3 =	simm.s32 @!p0 $0x1082;
	s9 =	sld [smem:$0x3FAF]  }
0x2f: {  	lr =	sadd.s32 s0, s3;
	s0 =	sld [smem:$0x3FA6]  }
0x30: {  	s3 =	sld [smem:$0x3FA9]  }
0x31: {  	[smem:$0x3FB2] =	sst s10  }
0x32: {  	s10 =	sld [smem:$0x3FB0];
	_ =	sdelay $0x3  }
0x33: {  	p0 =	seq.s32 s10, $0x1;
	s10 =	sld [smem:$0x3FB2];
	_ =	sdelay $0x3  }
0x34: {  	[smem:$0x3FB2] =	sst s10  }
0x35: {  	s10 =	sld [smem:$0x3FB1];
	_ =	sdelay $0x3  }
0x36: {  	p1 =	seq.s32 s10, $0x1;
	s10 =	sld [smem:$0x3FB2];
	_ =	sdelay $0x3  }
0x37: {  	[smem:$0x3FB2] =	sst s10  }
0x38: {  	s10 =	sld [smem:$0x3FB3]  }
0x39: {  	_ = 	snop;
	(pc) =	sbr.ind lr, $3  }
0x3a: {  	_ = 	snop  }
0x3b: {  	_ = 	snop  }
0x3c: {  	p2 =	seq.s32 s10, $0x1;
	s10 =	sld [smem:$0x3FB2]  }
0x3d: {  	_ =	shalt  }
0x3e: {  	_ =	shalt  }
0x3f: {  	_ =	shalt  }
0x40: {  	_ =	shalt  }
0x41: {  	_ =	shalt  }
0x42: {  	_ =	shalt  }
0x43: {  	_ =	shalt  }
0x44: {  	_ =	shalt  }
0x45: {  	_ =	shalt  }
0x46: {  	_ =	shalt  }
0x47: {  	_ =	shalt  }
0x48: {  	_ =	shalt  }
0x49: {  	_ =	shalt  }
0x4a: {  	_ =	shalt  }
0x4b: {  	_ =	shalt  }
0x4c: {  	_ =	shalt  }
0x4d: {  	_ =	shalt  }
0x4e: {  	_ =	shalt  }
0x4f: {  	_ =	shalt  }
0x50: {  	_ =	shalt  }
0x51: {  	_ =	shalt  }
0x52: {  	_ =	shalt  }
0x53: {  	_ =	shalt  }
0x54: {  	_ =	shalt  }
0x55: {  	_ =	shalt  }
0x56: {  	_ =	shalt  }
0x57: {  	_ =	shalt  }
0x58: {  	_ =	shalt  }
0x59: {  	_ =	shalt  }
0x5a: {  	_ =	shalt  }
0x5b: {  	_ =	shalt  }
0x5c: {  	_ =	shalt  }
0x5d: {  	_ =	shalt  }
0x5e: {  	_ =	shalt  }
0x5f: {  	_ =	shalt  }
0x60: {  	_ =	shalt  }
0x61: {  	_ =	shalt  }
0x62: {  	_ =	shalt  }
0x63: {  	_ =	shalt  }
0x64: {  	_ =	shalt  }
0x65: {  	_ =	shalt  }
0x66: {  	_ =	shalt  }
0x67: {  	_ =	shalt  }
0x68: {  	_ =	shalt  }
0x69: {  	_ =	shalt  }
0x6a: {  	_ =	shalt  }
0x6b: {  	_ =	shalt  }
0x6c: {  	_ =	shalt  }
0x6d: {  	_ =	shalt  }
0x6e: {  	_ =	shalt  }
0x6f: {  	_ =	shalt  }
0x70: {  	_ =	shalt  }
0x71: {  	_ =	shalt  }
0x72: {  	_ =	shalt  }
0x73: {  	_ =	shalt  }
0x74: {  	_ =	shalt  }
0x75: {  	_ =	shalt  }
0x76: {  	_ =	shalt  }
0x77: {  	_ =	shalt  }
0x78: {  	_ =	shalt  }
0x79: {  	_ =	shalt  }
0x7a: {  	_ =	shalt  }
0x7b: {  	_ =	shalt  }
0x7c: {  	_ =	shalt  }
0x7d: {  	_ =	shalt  }
0x7e: {  	_ =	shalt  }
0x7f: {  	_ =	shalt  }
0x80: {  	_ =	shalt  }
0x81: {  	_ =	shalt  }
0x82: {  	_ =	shalt  }
0x83: {  	_ =	shalt  }
0x84: {  	_ =	shalt  }
0x85: {  	_ =	shalt  }
0x86: {  	_ =	shalt  }
0x87: {  	_ =	shalt  }
.Lfunc_end0:
.L_simem_size_0:
called_computation_lowered:
.L_overlay_start_0:
0x88: {  	s2 =	sld [smem:$0x3FD9]  }
0x89: {  	s3 =	sld [smem:$0x3FFE];
	_ =	sdelay $0x1  }
0x8a: {  	s1 =	srdreg.scid  }
0x8b: {  	s0 =	sand.u32 $0x1, s1  }
0x8c: {  	s17 =	sshll.u32 s0, $0xA;
	s2 =	sadd.s32 s3, s2  }
0x8d: {  	s2 =	sadd.s32 s2, s17  }
0x8e: {  	[smem:$0x3FBE] =	sst s2  }
0x8f: {  	_ = 	snop  }
0x90: {  	s2 =	sld [smem:$0x3FC9]  }
0x91: {  	s18 =	sld [smem:$0x3FC8];
	(tm) =	ssettm $0x1  }
0x92: {  	s4 =	sld [smem:$0x3FFB];
	_ =	sdelay $0x3  }
0x93: {  	_ =	strace s4  }
0x94: {  	s4 =	sld [smem:$0x3FFC];
	_ =	sdelay $0x3  }
0x95: {  	_ =	strace s4  }
0x96: {  	s4 =	sld [smem:$0x3FFD];
	_ =	sdelay $0x3  }
0x97: {  	_ =	strace s4  }
0x98: {  	_ =	strace $0x8FFFFFFF  }
0x99: {  	s19 =	sld [smem:$0x3FDB];
	_ =	sdelay $0x1  }
0x9a: {  	s5 =	simm.s32 $_scs_section_size  }
0x9b: {  	s6 =	simm.s32 $_size__tile_overlayer_lowered;
	s7 =	simm.s32 $_tile_overlayer_lowered  }
0x9c: {  	s22 =	simm.s32 $0x1BFF;
	s21 =	sshll.u32 s7, $0x1;
	s4 =	sadd.s32 s5, s19  }
0x9d: {  	s8 =	simm.s32 $0x0;
	s20 =	sshll.u32 s6, $0x1;
	s6 =	sadd.s32 s21, s4  }
0x9e: {  	[timem:s8], [sflag:s22] =	dma.local [hbm:s6], s20  }
0x9f: {  	_ =	swait.ge [sflag:s22], s20  }
0xa0: {  	s5 =	ssub.s32 $0x0, s20;
	[sflag:s22] =	ssyncset.done $0x0  }
0xa1: {  	[sflag:s22] =	ssyncadd.s32 s5;
	_ =	sdelay $0x1  }
0xa2: {  	s23 =	simm.s32 $0x1B8B  }
0xa3: {  	_ =	swait.ge [sflag:s23], $0x1  }
0xa4: {  	[sflag:s23] =	ssyncset.done $0x0  }
0xa5: {  	s25 =	simm.s32 $0x1B8E;
	s24 =	sld [smem:$0x3FFE];
	[sflag:s23] =	ssyncadd.s32 $0xFFFFFFFF  }
0xa6: {  	s26 =	simm.s32 $execute0_lowered;
	[smem:$0x3FD2] =	sst s25  }
0xa7: {  	s6 =	sshll.u32 s26, $0x1;
	_ =	strace $0x80000046;
	[dreg:$0x1] =	wrdreg $0xFFFFFFFF  }
0xa8: {  	s28 =	simm.s32 $_size_execute0_lowered;
	s4 =	sadd.s32 s4, s6;
	[dreg:$0x0] =	wrdreg $0x0  }
0xa9: {  	s6 =	sshll.u32 s28, $0x1;
	[dreg:$0x2] =	wrdreg s4  }
0xaa: {  	[dreg:$0x3] =	wrdreg s6  }
0xab: {  	[dreg:$0x4] =	wrdreg $0xC0  }
0xac: {  	_ =	task [dreg:s8], $0x5FFFF  }
0xad: {  	[dreg:$0x1] =	wrdreg $0xFFFFFFFF  }
0xae: {  	[dreg:$0x0] =	wrdreg $0x60  }
0xaf: {  	[dreg:$0x2] =	wrdreg s2  }
0xb0: {  	[dreg:$0x3] =	wrdreg s18  }
0xb1: {  	[dreg:$0x4] =	wrdreg s24  }
0xb2: {  	[dreg:$0x5] =	wrdreg $0x9  }
0xb3: {  	_ =	task.clear_ibuf [dreg:s8], $0x6FFFF;
	_ =	strace $0x90000046  }
0xb4: {  	s29 =	simm.s32 $0x9;
	_ =	strace $0x80000048  }
0xb5: {  	_ =	swait.ge [sflag:s29], $0x1  }
0xb6: {  	[sflag:s29] =	ssyncadd.s32 $0xFFFFFFFF  }
0xb7: {  	_ =	strace $0x90000048  }
0xb8: {  	_ =	sfence  }
0xb9: {  	s30 =	sld [smem:$0x0];
	_ =	sdelay $0x2  }
0xba: {  	s31 =	sshll.u32 s1, $0xD;
	s1 =	sshrl.u32 s1, $0x2  }
0xbb: {  	s3 =	sand.u32 $0x4000, s31;
	s1 =	sadd.s32 s1, s30  }
0xbc: {  	s0 =	sor.u32 s3, s0;
	s1 =	sshll.u32 s1, $0x11  }
0xbd: {  	s0 =	sor.u32 s1, s0  }
0xbe: {  	s0 =	sadd.s32 $0x8F2B, s0  }
0xbf: {  	[sflag:s0] =	ssyncadd.remote.s32 $0x1  }
0xc0: {  	_ =	sfence.sel $0xFFFF  }
0xc1: {  	[dreg:$0x0] =	wrdreg $0xFFFFFFFF;
	(pc) =	sbr.abs _section_cstart, $3  }
0xc2: {  	[dreg:$0x1] =	wrdreg $0xFFFFFFFF  }
0xc3: {  	_ =	task.clear_ibuf [dreg:s8], $0x2FFFF;
	_ =	strace $0x9FFFFFFF  }
0xc4: {  	(tm) =	ssettm $0x7FFFFFFF  }
0xc5: {  	_ =	shalt  }
tec
execute0_lowered:
.L_overlay_start_1:
0x0: {  	(tag) =	ssettag $0x1  }
0x1: {  	s5 =	rddreg [dreg:$0x0]  }
0x2: {  	s7 =	rddreg [dreg:$0x1]  }
0x3: {  	s6 =	rddreg [dreg:$0x2]  }
0x4: {  	s0 =	rddreg [dreg:$0x3]  }
0x5: {  	s2 =	simm.s32 $0x0;
	s3 =	srdreg.scid;
	s1 =	stileid.u32  }
0x6: {  	s12 =	simm.s32 $0x200;
	s13 =	simm.s32 $0x400;
	s14 =	simm.s32 $0x280  }
0x7: {  	s15 =	simm.s32 $0x4400;
	s16 =	simm.s32 $0x300;
	s17 =	simm.s32 $0x8400  }
0x8: {  	s18 =	simm.s32 $0x380;
	s19 =	simm.s32 $0xC400;
	s20 =	simm.s32 $0x1  }
0x9: {  	s21 =	simm.s32 $0x1000;
	s22 =	simm.s32 $0x20000;
	s23 =	simm.s32 $0x10400  }
0xa: {  	s24 =	simm.s32 $0x0;
	[smem:$0x7FF] =	sst s2;
	s8 =	sand.u32 $0x1, s3  }
0xb: {  	s3 =	sadd.s32 $0x1A00, s6;
	s9 =	sshll.u32 s1, $0xA;
	s10 =	sshll.u32 s8, $0x9  }
0xc: {  	s4 =	sadd.s32 $0x201A00, s6;
	s8 =	ssub.s32 $0x2, s8;
	s9 =	sor.u32 s10, s9  }
0xd: {  	s31 =	sshrl.u32 s8, $0x1;
	s10 =	sadd.s32 s9, s6;
	s9 =	sshrl.u32 s9, $0x3  }
0xe: {  	_ =	strace $0x80000047;
	s11 =	ssub.s32 s8, s31;
	s5 =	sadd.s32 s5, s9  }
0xf: {  	v0 =	vlaneseq.u32;
	s6 =	sadd.s32 $0x401A00, s10;
	s7 =	sadd.s32 s7, s9;
	s8 =	sadd.s32 $0x411A00, s10  }
0x10: {  	v0 =	vmul.u32 $0x80, v0;
	s9 =	smax.u32 s11, $0x1;
	s10 =	simm.s32 $0x2;
	s11 =	simm.s32 $0x80  }
.LBB2_1:
0x11: {  	[tilespmem:s2], [sflag:$0x2] =	stream.linear.gather [hbm4b:s5+s2], $0x200, $0x38;
	[tilespmem:$0x14400] =	vst v63  }
0x12: {  	_ =	swait.ge [sflag:s10], $0x200  }
0x13: {  	[sflag:s10] =	ssyncset.done $0x0  }
0x14: {  	[sflag:s10] =	ssyncadd.s32 $0xFFFFFE00  }
0x15: {  	v1 =	vld [tilespmem:$0x0]  }
0x16: {  	v2 =	vld [tilespmem:$0x10]  }
0x17: {  	v3 =	vld [tilespmem:$0x20]  }
0x18: {  	v4 =	vld [tilespmem:$0x30]  }
0x19: {  	v5 =	vld [tilespmem:$0x40]  }
0x1a: {  	v6 =	vld [tilespmem:$0x50];
	v1 =	vand.u32 $0x1FFFF, v1  }
0x1b: {  	[tilespmem:$0x200] =	vst v1;
	v1 =	vand.u32 $0x1FFFF, v2;
	v2 =	vld [tilespmem:$0x60]  }
0x1c: {  	[tilespmem:$0x210] =	vst v1;
	v1 =	vand.u32 $0x1FFFF, v3;
	v3 =	vld [tilespmem:$0x70]  }
0x1d: {  	v35 =	vld [tilespmem:$0x80];
	[tilespmem:$0x220] =	vst v1;
	v1 =	vand.u32 $0x1FFFF, v4  }
0x1e: {  	v36 =	vld [tilespmem:$0x90];
	[tilespmem:$0x230] =	vst v1;
	v1 =	vand.u32 $0x1FFFF, v5  }
0x1f: {  	v37 =	vld [tilespmem:$0xA0];
	[tilespmem:$0x240] =	vst v1;
	v1 =	vand.u32 $0x1FFFF, v6  }
0x20: {  	[tilespmem:$0x250] =	vst v1;
	v1 =	vand.u32 $0x1FFFF, v2;
	v2 =	vld [tilespmem:$0xB0]  }
0x21: {  	[tilespmem:$0x260] =	vst v1;
	v1 =	vand.u32 $0x1FFFF, v3;
	v3 =	vld [tilespmem:$0xC0]  }
0x22: {  	v38 =	vld [tilespmem:$0xD0];
	[tilespmem:$0x270] =	vst v1;
	v1 =	vand.u32 $0x1FFFF, v35  }
0x23: {  	v39 =	vld [tilespmem:$0xE0];
	[tilespmem:$0x280] =	vst v1;
	v1 =	vand.u32 $0x1FFFF, v36  }
0x24: {  	v40 =	vld [tilespmem:$0xF0];
	[tilespmem:$0x290] =	vst v1;
	v1 =	vand.u32 $0x1FFFF, v37  }
0x25: {  	[tilespmem:$0x2A0] =	vst v1;
	v1 =	vand.u32 $0x1FFFF, v2;
	v2 =	vld [tilespmem:$0x100]  }
0x26: {  	[tilespmem:$0x2B0] =	vst v1;
	v1 =	vand.u32 $0x1FFFF, v3;
	v3 =	vld [tilespmem:$0x110]  }
0x27: {  	v41 =	vld [tilespmem:$0x120];
	[tilespmem:$0x2C0] =	vst v1;
	v1 =	vand.u32 $0x1FFFF, v38  }
0x28: {  	v42 =	vld [tilespmem:$0x130];
	[tilespmem:$0x2D0] =	vst v1;
	v1 =	vand.u32 $0x1FFFF, v39  }
0x29: {  	v43 =	vld [tilespmem:$0x140];
	[tilespmem:$0x2E0] =	vst v1;
	v1 =	vand.u32 $0x1FFFF, v40  }
0x2a: {  	[tilespmem:$0x2F0] =	vst v1;
	v1 =	vand.u32 $0x1FFFF, v2;
	v2 =	vld [tilespmem:$0x150]  }
0x2b: {  	[tilespmem:$0x300] =	vst v1;
	v1 =	vand.u32 $0x1FFFF, v3;
	v3 =	vld [tilespmem:$0x160]  }
0x2c: {  	v44 =	vld [tilespmem:$0x170];
	[tilespmem:$0x310] =	vst v1;
	v1 =	vand.u32 $0x1FFFF, v41  }
0x2d: {  	v45 =	vld [tilespmem:$0x180];
	[tilespmem:$0x320] =	vst v1;
	v1 =	vand.u32 $0x1FFFF, v42  }
0x2e: {  	v46 =	vld [tilespmem:$0x190];
	[tilespmem:$0x330] =	vst v1;
	v1 =	vand.u32 $0x1FFFF, v43  }
0x2f: {  	[tilespmem:$0x340] =	vst v1;
	v1 =	vand.u32 $0x1FFFF, v2;
	v2 =	vld [tilespmem:$0x1A0]  }
0x30: {  	[tilespmem:$0x350] =	vst v1;
	v1 =	vand.u32 $0x1FFFF, v3;
	v3 =	vld [tilespmem:$0x1B0]  }
0x31: {  	v47 =	vld [tilespmem:$0x1C0];
	[tilespmem:$0x360] =	vst v1;
	v1 =	vand.u32 $0x1FFFF, v44  }
0x32: {  	v48 =	vld [tilespmem:$0x1D0];
	[tilespmem:$0x370] =	vst v1;
	v1 =	vand.u32 $0x1FFFF, v45  }
0x33: {  	v49 =	vld [tilespmem:$0x1E0];
	[tilespmem:$0x380] =	vst v1;
	v1 =	vand.u32 $0x1FFFF, v46  }
0x34: {  	[tilespmem:$0x390] =	vst v1;
	v1 =	vand.u32 $0x1FFFF, v2;
	v2 =	vld [tilespmem:$0x1F0]  }
0x35: {  	[tilespmem:$0x3A0] =	vst v1;
	v1 =	vand.u32 $0x1FFFF, v3  }
0x36: {  	[tilespmem:$0x3B0] =	vst v1;
	v1 =	vand.u32 $0x1FFFF, v47  }
0x37: {  	[tilespmem:$0x3C0] =	vst v1;
	v1 =	vand.u32 $0x1FFFF, v48  }
0x38: {  	[tilespmem:$0x3D0] =	vst v1;
	v1 =	vand.u32 $0x1FFFF, v49  }
0x39: {  	[tilespmem:$0x3E0] =	vst v1;
	v1 =	vand.u32 $0x1FFFF, v2  }
0x3a: {  	[tilespmem:$0x3F0] =	vst v1  }
0x3b: {  	[tilespmem:s13], [sflag:$0x1] =	stream.indirect.gather [hbm4b:s3+s11], $0x80, s12, s11, $0xb8;
	[tilespmem:$0x14400] =	vst v63  }
0x3c: {  	_ = 	snop  }
0x3d: {  	[tilespmem:s15], [sflag:$0x1] =	stream.indirect.gather [hbm4b:s3+s11], $0x80, s14, s11, $0xb8;
	[tilespmem:$0x14400] =	vst v63  }
0x3e: {  	_ = 	snop  }
0x3f: {  	[tilespmem:s17], [sflag:$0x1] =	stream.indirect.gather [hbm4b:s3+s11], $0x80, s16, s11, $0xb8;
	[tilespmem:$0x14400] =	vst v63  }
0x40: {  	_ = 	snop  }
0x41: {  	[tilespmem:s19], [sflag:$0x1] =	stream.indirect.gather [hbm4b:s3+s11], $0x80, s18, s11, $0xb8;
	[tilespmem:$0x14400] =	vst v63  }
0x42: {  	_ =	swait.ge [sflag:s20], $0x4000  }
0x43: {  	[sflag:s20] =	ssyncset.done $0x0  }
0x44: {  	[sflag:s20] =	ssyncadd.s32 $0xFFFFC000  }
0x45: {  	_ =	swait.ge [sflag:s20], $0x4000  }
0x46: {  	[sflag:s20] =	ssyncset.done $0x0  }
0x47: {  	[sflag:s20] =	ssyncadd.s32 $0xFFFFC000  }
0x48: {  	_ =	swait.ge [sflag:s20], $0x4000  }
0x49: {  	[sflag:s20] =	ssyncset.done $0x0  }
0x4a: {  	[sflag:s20] =	ssyncadd.s32 $0xFFFFC000  }
0x4b: {  	_ =	swait.ge [sflag:s20], $0x4000  }
0x4c: {  	[sflag:s20] =	ssyncset.done $0x0  }
0x4d: {  	[sflag:s20] =	ssyncadd.s32 $0xFFFFC000  }
0x4e: {  	v1 =	vld [tilespmem:s2+$0x0];
	_ =	sdelay $0x3  }
0x4f: {  	v2 =	vmov s2  }
0x50: {  	v2 =	vshll.u32 v2, $0x7;
	v1 =	vshrl.u32 v1, $0xD  }
0x51: {  	v2 =	vor.u32 v0, v2;
	v3 =	vand.u32 $0x7FF80, v1  }
0x52: {  	v1 =	vand.u32 $0x70, v1;
	v2 =	vadd.s32 v2, v3  }
0x53: {  	v1 =	vor.u32 v1, v2;
	_ =	sdelay $0x4  }
0x54: {  	v2 =	vld.idx.msk [tilespmem:v1+s13+$0x0], $0xffff;
	_ =	sdelay $0x2  }
0x55: {  	v3 =	vor.u32 $0x1, v1  }
0x56: {  	s25 =	sand.u32 $0x70, s2;
	s26 =	sand.u32 $0xC00, s2  }
0x57: {  	s25 =	sor.u32 s25, s26;
	v50 =	vshll.u32 v2, $0x10  }
0x58: {  	v2 =	vand.u32 $0xFFFF0000, v2;
	[tilespmem:s25+$0x10400] =	vst v50  }
0x59: {  	[tilespmem:s25+$0x12400] =	vst v2  }
0x5a: {  	v2 =	vld.idx.msk [tilespmem:v3+s13+$0x0], $0xffff;
	_ =	sdelay $0x2  }
0x5b: {  	v3 =	vor.u32 $0x2, v1;
	_ =	sdelay $0x1  }
0x5c: {  	s26 =	sadd.s32 $0x10400, s25;
	v51 =	vshll.u32 v2, $0x10  }
0x5d: {  	v2 =	vand.u32 $0xFFFF0000, v2;
	[tilespmem:s26+$0x80] =	vst v51  }
0x5e: {  	[tilespmem:s25+$0x12480] =	vst v2  }
0x5f: {  	v2 =	vld.idx.msk [tilespmem:v3+s13+$0x0], $0xffff;
	_ =	sdelay $0x2  }
0x60: {  	v3 =	vor.u32 $0x3, v1;
	_ =	sdelay $0x1  }
0x61: {  	v52 =	vshll.u32 v2, $0x10  }
0x62: {  	v2 =	vand.u32 $0xFFFF0000, v2;
	[tilespmem:s26+$0x100] =	vst v52  }
0x63: {  	[tilespmem:s25+$0x12500] =	vst v2  }
0x64: {  	v2 =	vld.idx.msk [tilespmem:v3+s13+$0x0], $0xffff;
	_ =	sdelay $0x2  }
0x65: {  	v3 =	vor.u32 $0x4, v1;
	_ =	sdelay $0x1  }
0x66: {  	v53 =	vshll.u32 v2, $0x10  }
0x67: {  	v2 =	vand.u32 $0xFFFF0000, v2;
	[tilespmem:s26+$0x180] =	vst v53  }
0x68: {  	[tilespmem:s25+$0x12580] =	vst v2  }
0x69: {  	v2 =	vld.idx.msk [tilespmem:v3+s13+$0x0], $0xffff;
	_ =	sdelay $0x2  }
0x6a: {  	v3 =	vor.u32 $0x5, v1;
	_ =	sdelay $0x1  }
0x6b: {  	v54 =	vshll.u32 v2, $0x10  }
0x6c: {  	v2 =	vand.u32 $0xFFFF0000, v2;
	[tilespmem:s26+$0x200] =	vst v54  }
0x6d: {  	[tilespmem:s25+$0x12600] =	vst v2  }
0x6e: {  	v2 =	vld.idx.msk [tilespmem:v3+s13+$0x0], $0xffff;
	_ =	sdelay $0x2  }
0x6f: {  	v3 =	vor.u32 $0x6, v1;
	_ =	sdelay $0x1  }
0x70: {  	v55 =	vshll.u32 v2, $0x10  }
0x71: {  	v2 =	vand.u32 $0xFFFF0000, v2;
	[tilespmem:s26+$0x280] =	vst v55  }
0x72: {  	[tilespmem:s25+$0x12680] =	vst v2  }
0x73: {  	v2 =	vld.idx.msk [tilespmem:v3+s13+$0x0], $0xffff;
	_ =	sdelay $0x2  }
0x74: {  	v3 =	vor.u32 $0x7, v1;
	_ =	sdelay $0x1  }
0x75: {  	v56 =	vshll.u32 v2, $0x10  }
0x76: {  	v2 =	vand.u32 $0xFFFF0000, v2;
	[tilespmem:s26+$0x300] =	vst v56  }
0x77: {  	[tilespmem:s25+$0x12700] =	vst v2  }
0x78: {  	v2 =	vld.idx.msk [tilespmem:v3+s13+$0x0], $0xffff;
	_ =	sdelay $0x2  }
0x79: {  	v3 =	vor.u32 $0x8, v1  }
0x7a: {  	s31 =	sor.u32 s2, s2  }
0x7b: {  	s26 =	sor.u32 $0x380, s31;
	v57 =	vshll.u32 v2, $0x10  }
0x7c: {  	v2 =	vand.u32 $0xFFFF0000, v2;
	[tilespmem:s26+$0x10400] =	vst v57  }
0x7d: {  	[tilespmem:s25+$0x12780] =	vst v2  }
0x7e: {  	v2 =	vld.idx.msk [tilespmem:v3+s13+$0x0], $0xffff;
	_ =	sdelay $0x2  }
0x7f: {  	v3 =	vor.u32 $0x9, v1;
	_ =	sdelay $0x1  }
0x80: {  	v58 =	vshll.u32 v2, $0x10  }
0x81: {  	v2 =	vand.u32 $0xFFFF0000, v2;
	[tilespmem:s25+$0x11400] =	vst v58  }
0x82: {  	[tilespmem:s25+$0x13400] =	vst v2  }
0x83: {  	v2 =	vld.idx.msk [tilespmem:v3+s13+$0x0], $0xffff;
	_ =	sdelay $0x2  }
0x84: {  	v3 =	vor.u32 $0xA, v1;
	_ =	sdelay $0x1  }
0x85: {  	v59 =	vshll.u32 v2, $0x10  }
0x86: {  	v2 =	vand.u32 $0xFFFF0000, v2;
	[tilespmem:s25+$0x11480] =	vst v59  }
0x87: {  	[tilespmem:s25+$0x13480] =	vst v2  }
0x88: {  	v2 =	vld.idx.msk [tilespmem:v3+s13+$0x0], $0xffff;
	_ =	sdelay $0x2  }
0x89: {  	v3 =	vor.u32 $0xB, v1;
	_ =	sdelay $0x1  }
0x8a: {  	v60 =	vshll.u32 v2, $0x10  }
0x8b: {  	v2 =	vand.u32 $0xFFFF0000, v2;
	[tilespmem:s25+$0x11500] =	vst v60  }
0x8c: {  	[tilespmem:s25+$0x13500] =	vst v2  }
0x8d: {  	v2 =	vld.idx.msk [tilespmem:v3+s13+$0x0], $0xffff;
	_ =	sdelay $0x2  }
0x8e: {  	v3 =	vor.u32 $0xC, v1;
	_ =	sdelay $0x1  }
0x8f: {  	v61 =	vshll.u32 v2, $0x10  }
0x90: {  	v2 =	vand.u32 $0xFFFF0000, v2;
	[tilespmem:s25+$0x11580] =	vst v61  }
0x91: {  	[tilespmem:s25+$0x13580] =	vst v2  }
0x92: {  	v2 =	vld.idx.msk [tilespmem:v3+s13+$0x0], $0xffff;
	_ =	sdelay $0x2  }
0x93: {  	v3 =	vor.u32 $0xD, v1;
	_ =	sdelay $0x1  }
0x94: {  	v62 =	vshll.u32 v2, $0x10  }
0x95: {  	v2 =	vand.u32 $0xFFFF0000, v2;
	[tilespmem:s25+$0x11600] =	vst v62  }
0x96: {  	[tilespmem:s25+$0x13600] =	vst v2  }
0x97: {  	v2 =	vld.idx.msk [tilespmem:v3+s13+$0x0], $0xffff;
	_ =	sdelay $0x2  }
0x98: {  	v3 =	vor.u32 $0xE, v1;
	_ =	sdelay $0x1  }
0x99: {  	v63 =	vshll.u32 v2, $0x10  }
0x9a: {  	v2 =	vand.u32 $0xFFFF0000, v2;
	[tilespmem:s25+$0x11680] =	vst v63  }
0x9b: {  	[tilespmem:s25+$0x13680] =	vst v2  }
0x9c: {  	v2 =	vld.idx.msk [tilespmem:v3+s13+$0x0], $0xffff;
	_ =	sdelay $0x2  }
0x9d: {  	v1 =	vor.u32 $0xF, v1;
	_ =	sdelay $0x1  }
0x9e: {  	v3 =	vshll.u32 v2, $0x10  }
0x9f: {  	s28 =	simm.s32 $0x0;
	s29 =	simm.s32 $0x0;
	s26 =	simm.s32 $0x10;
	v2 =	vand.u32 $0xFFFF0000, v2;
	[tilespmem:s25+$0x11700] =	vst v3  }
.LBB2_2:
0xa0: {  	p0 =	sne.s32 s26, $0x1F0;
	[tilespmem:s25+$0x13700] =	vst v2;
	s28 =	sadd.s32 $0x80, s28;
	s29 =	sadd.s32 $0x10, s29  }
0xa1: {  	s30 =	smov.u32 s26;
	s26 =	sadd.s32 $0x10, s26;
	v1 =	vld.idx.msk [tilespmem:v1+s13+$0x0], $0xffff;
	_ =	sdelay $0x5  }
0xa2: {  	v2 =	vshll.u32 v1, $0x10;
	v1 =	vand.u32 $0xFFFF0000, v1  }
0xa3: {  	[tilespmem:s25+$0x11780] =	vst v2  }
0xa4: {  	[tilespmem:s25+$0x13780] =	vst v1  }
0xa5: {  	v1 =	vld [tilespmem:s29+$0x0];
	_ =	sdelay $0x3  }
0xa6: {  	v2 =	vmov s30  }
0xa7: {  	v2 =	vshll.u32 v2, $0x7;
	v1 =	vshrl.u32 v1, $0xD  }
0xa8: {  	v2 =	vor.u32 v0, v2;
	v3 =	vand.u32 $0x7FF80, v1  }
0xa9: {  	v1 =	vand.u32 $0x70, v1;
	v2 =	vadd.s32 v2, v3  }
0xaa: {  	v1 =	vor.u32 v1, v2;
	_ =	sdelay $0x4  }
0xab: {  	v2 =	vld.idx.msk [tilespmem:v1+s13+$0x0], $0xffff;
	_ =	sdelay $0x2  }
0xac: {  	v3 =	vor.u32 $0x1, v1;
	_ =	sdelay $0x1  }
0xad: {  	s31 =	sand.u32 $0xC00, s28;
	s25 =	sand.u32 $0x70, s30  }
0xae: {  	s25 =	sor.u32 s25, s31;
	v4 =	vshll.u32 v2, $0x10;
	v2 =	vand.u32 $0xFFFF0000, v2  }
0xaf: {  	[tilespmem:s25+$0x10400] =	vst v4  }
0xb0: {  	[tilespmem:s25+$0x12400] =	vst v2  }
0xb1: {  	v2 =	vld.idx.msk [tilespmem:v3+s13+$0x0], $0xffff;
	_ =	sdelay $0x2  }
0xb2: {  	v3 =	vor.u32 $0x2, v1;
	_ =	sdelay $0x1  }
0xb3: {  	s31 =	sadd.s32 $0x10400, s25  }
0xb4: {  	v4 =	vshll.u32 v2, $0x10;
	v2 =	vand.u32 $0xFFFF0000, v2  }
0xb5: {  	[tilespmem:s31+$0x80] =	vst v4  }
0xb6: {  	[tilespmem:s25+$0x12480] =	vst v2  }
0xb7: {  	v2 =	vld.idx.msk [tilespmem:v3+s13+$0x0], $0xffff;
	_ =	sdelay $0x2  }
0xb8: {  	v3 =	vor.u32 $0x3, v1;
	_ =	sdelay $0x2  }
0xb9: {  	v4 =	vshll.u32 v2, $0x10;
	v2 =	vand.u32 $0xFFFF0000, v2  }
0xba: {  	[tilespmem:s31+$0x100] =	vst v4  }
0xbb: {  	[tilespmem:s25+$0x12500] =	vst v2  }
0xbc: {  	v2 =	vld.idx.msk [tilespmem:v3+s13+$0x0], $0xffff;
	_ =	sdelay $0x2  }
0xbd: {  	v3 =	vor.u32 $0x4, v1;
	_ =	sdelay $0x2  }
0xbe: {  	v4 =	vshll.u32 v2, $0x10;
	v2 =	vand.u32 $0xFFFF0000, v2  }
0xbf: {  	[tilespmem:s31+$0x180] =	vst v4  }
0xc0: {  	[tilespmem:s25+$0x12580] =	vst v2  }
0xc1: {  	v2 =	vld.idx.msk [tilespmem:v3+s13+$0x0], $0xffff;
	_ =	sdelay $0x2  }
0xc2: {  	v3 =	vor.u32 $0x5, v1;
	_ =	sdelay $0x2  }
0xc3: {  	v4 =	vshll.u32 v2, $0x10;
	v2 =	vand.u32 $0xFFFF0000, v2  }
0xc4: {  	[tilespmem:s31+$0x200] =	vst v4  }
0xc5: {  	[tilespmem:s25+$0x12600] =	vst v2  }
0xc6: {  	v2 =	vld.idx.msk [tilespmem:v3+s13+$0x0], $0xffff;
	_ =	sdelay $0x2  }
0xc7: {  	v3 =	vor.u32 $0x6, v1;
	_ =	sdelay $0x2  }
0xc8: {  	v4 =	vshll.u32 v2, $0x10;
	v2 =	vand.u32 $0xFFFF0000, v2  }
0xc9: {  	[tilespmem:s31+$0x280] =	vst v4  }
0xca: {  	[tilespmem:s25+$0x12680] =	vst v2  }
0xcb: {  	v2 =	vld.idx.msk [tilespmem:v3+s13+$0x0], $0xffff;
	_ =	sdelay $0x2  }
0xcc: {  	v3 =	vor.u32 $0x7, v1;
	_ =	sdelay $0x2  }
0xcd: {  	v4 =	vshll.u32 v2, $0x10;
	v2 =	vand.u32 $0xFFFF0000, v2  }
0xce: {  	[tilespmem:s31+$0x300] =	vst v4  }
0xcf: {  	[tilespmem:s25+$0x12700] =	vst v2  }
0xd0: {  	v2 =	vld.idx.msk [tilespmem:v3+s13+$0x0], $0xffff;
	_ =	sdelay $0x2  }
0xd1: {  	v3 =	vor.u32 $0x8, v1  }
0xd2: {  	s30 =	sor.u32 s28, s30  }
0xd3: {  	s30 =	sor.u32 $0x380, s30  }
0xd4: {  	v4 =	vshll.u32 v2, $0x10;
	v2 =	vand.u32 $0xFFFF0000, v2  }
0xd5: {  	[tilespmem:s30+$0x10400] =	vst v4  }
0xd6: {  	[tilespmem:s25+$0x12780] =	vst v2  }
0xd7: {  	v2 =	vld.idx.msk [tilespmem:v3+s13+$0x0], $0xffff;
	_ =	sdelay $0x1  }
0xd8: {  	v3 =	vor.u32 $0x9, v1;
	_ =	sdelay $0x3  }
0xd9: {  	v4 =	vshll.u32 v2, $0x10;
	v2 =	vand.u32 $0xFFFF0000, v2  }
0xda: {  	[tilespmem:s25+$0x11400] =	vst v4  }
0xdb: {  	[tilespmem:s25+$0x13400] =	vst v2  }
0xdc: {  	v2 =	vld.idx.msk [tilespmem:v3+s13+$0x0], $0xffff  }
0xdd: {  	v3 =	vor.u32 $0xA, v1;
	_ =	sdelay $0x4  }
0xde: {  	v4 =	vshll.u32 v2, $0x10;
	v2 =	vand.u32 $0xFFFF0000, v2  }
0xdf: {  	[tilespmem:s25+$0x11480] =	vst v4  }
0xe0: {  	[tilespmem:s25+$0x13480] =	vst v2  }
0xe1: {  	v2 =	vld.idx.msk [tilespmem:v3+s13+$0x0], $0xffff;
	v3 =	vor.u32 $0xB, v1;
	_ =	sdelay $0x5  }
0xe2: {  	v4 =	vshll.u32 v2, $0x10;
	v2 =	vand.u32 $0xFFFF0000, v2  }
0xe3: {  	[tilespmem:s25+$0x11500] =	vst v4  }
0xe4: {  	[tilespmem:s25+$0x13500] =	vst v2;
	v2 =	vor.u32 $0xC, v1  }
0xe5: {  	v3 =	vld.idx.msk [tilespmem:v3+s13+$0x0], $0xffff;
	_ =	sdelay $0x5  }
0xe6: {  	v4 =	vshll.u32 v3, $0x10;
	v3 =	vand.u32 $0xFFFF0000, v3  }
0xe7: {  	[tilespmem:s25+$0x11580] =	vst v4;
	v4 =	vor.u32 $0xD, v1  }
0xe8: {  	[tilespmem:s25+$0x13580] =	vst v3  }
0xe9: {  	v2 =	vld.idx.msk [tilespmem:v2+s13+$0x0], $0xffff;
	_ =	sdelay $0x5  }
0xea: {  	v5 =	vor.u32 $0xE, v1;
	v3 =	vshll.u32 v2, $0x10;
	v2 =	vand.u32 $0xFFFF0000, v2  }
0xeb: {  	[tilespmem:s25+$0x11600] =	vst v3  }
0xec: {  	[tilespmem:s25+$0x13600] =	vst v2  }
0xed: {  	v2 =	vld.idx.msk [tilespmem:v4+s13+$0x0], $0xffff;
	_ =	sdelay $0x4  }
0xee: {  	v1 =	vor.u32 $0xF, v1  }
0xef: {  	v3 =	vshll.u32 v2, $0x10;
	v2 =	vand.u32 $0xFFFF0000, v2  }
0xf0: {  	[tilespmem:s25+$0x11680] =	vst v3  }
0xf1: {  	[tilespmem:s25+$0x13680] =	vst v2  }
0xf2: {  	v2 =	vld.idx.msk [tilespmem:v5+s13+$0x0], $0xffff;
	_ =	sdelay $0x2  }
.Ltmp0:
0xf3: {  	(pc) =	sbr.rel @p0 .LBB2_2-.Ltmp0, $3  }
0xf4: {  	_ =	sdelay $0x1  }
0xf5: {  	v3 =	vshll.u32 v2, $0x10;
	v2 =	vand.u32 $0xFFFF0000, v2  }
0xf6: {  	[tilespmem:s25+$0x11700] =	vst v3  }
0xf7: {  	_ =	sdelay $0x2  }
0xf8: {  	[tilespmem:s25+$0x13700] =	vst v2  }
0xf9: {  	v1 =	vld.idx.msk [tilespmem:v1+s13+$0x0], $0xffff;
	_ =	sdelay $0x4  }
0xfa: {  	v2 =	vshll.u32 v1, $0x10  }
0xfb: {  	v1 =	vand.u32 $0xFFFF0000, v1;
	[tilespmem:s25+$0x11780] =	vst v2  }
0xfc: {  	[tilespmem:s25+$0x13780] =	vst v1  }
0xfd: {  	[hbm4b:s6+s21] =	stream.strided.scatter [tilespmem:s23], [sflag:$0x2], $0x4000, s22, s21, $0x38;
	[tilespmem:$0x14400] =	vst v63  }
0xfe: {  	_ =	swait.ge [sflag:s10], $0x4000  }
0xff: {  	[sflag:s10] =	ssyncset.done $0x0  }
0x100: {  	s25 =	simm.s32 $0x0;
	[sflag:s10] =	ssyncadd.s32 $0xFFFFC000  }
0x101: {  	[tilespmem:s25], [sflag:$0x2] =	stream.linear.gather [hbm4b:s7+s25], $0x200, $0x38;
	[tilespmem:$0x14400] =	vst v63  }
0x102: {  	_ =	swait.ge [sflag:s10], $0x200  }
0x103: {  	[sflag:s10] =	ssyncset.done $0x0  }
0x104: {  	[sflag:s10] =	ssyncadd.s32 $0xFFFFFE00  }
0x105: {  	v1 =	vld [tilespmem:$0x0]  }
0x106: {  	v2 =	vld [tilespmem:$0x10]  }
0x107: {  	v3 =	vld [tilespmem:$0x20]  }
0x108: {  	v4 =	vld [tilespmem:$0x30]  }
0x109: {  	v5 =	vld [tilespmem:$0x40]  }
0x10a: {  	v6 =	vld [tilespmem:$0x50];
	v1 =	vand.u32 $0x1FFFF, v1  }
0x10b: {  	[tilespmem:$0x200] =	vst v1;
	v1 =	vand.u32 $0x1FFFF, v2;
	v2 =	vld [tilespmem:$0x60]  }
0x10c: {  	[tilespmem:$0x210] =	vst v1;
	v1 =	vand.u32 $0x1FFFF, v3;
	v3 =	vld [tilespmem:$0x70]  }
0x10d: {  	v35 =	vld [tilespmem:$0x80];
	[tilespmem:$0x220] =	vst v1;
	v1 =	vand.u32 $0x1FFFF, v4  }
0x10e: {  	v36 =	vld [tilespmem:$0x90];
	[tilespmem:$0x230] =	vst v1;
	v1 =	vand.u32 $0x1FFFF, v5  }
0x10f: {  	v37 =	vld [tilespmem:$0xA0];
	[tilespmem:$0x240] =	vst v1;
	v1 =	vand.u32 $0x1FFFF, v6  }
0x110: {  	[tilespmem:$0x250] =	vst v1;
	v1 =	vand.u32 $0x1FFFF, v2;
	v2 =	vld [tilespmem:$0xB0]  }
0x111: {  	[tilespmem:$0x260] =	vst v1;
	v1 =	vand.u32 $0x1FFFF, v3;
	v3 =	vld [tilespmem:$0xC0]  }
0x112: {  	v38 =	vld [tilespmem:$0xD0];
	[tilespmem:$0x270] =	vst v1;
	v1 =	vand.u32 $0x1FFFF, v35  }
0x113: {  	v39 =	vld [tilespmem:$0xE0];
	[tilespmem:$0x280] =	vst v1;
	v1 =	vand.u32 $0x1FFFF, v36  }
0x114: {  	v40 =	vld [tilespmem:$0xF0];
	[tilespmem:$0x290] =	vst v1;
	v1 =	vand.u32 $0x1FFFF, v37  }
0x115: {  	[tilespmem:$0x2A0] =	vst v1;
	v1 =	vand.u32 $0x1FFFF, v2;
	v2 =	vld [tilespmem:$0x100]  }
0x116: {  	[tilespmem:$0x2B0] =	vst v1;
	v1 =	vand.u32 $0x1FFFF, v3;
	v3 =	vld [tilespmem:$0x110]  }
0x117: {  	v41 =	vld [tilespmem:$0x120];
	[tilespmem:$0x2C0] =	vst v1;
	v1 =	vand.u32 $0x1FFFF, v38  }
0x118: {  	v42 =	vld [tilespmem:$0x130];
	[tilespmem:$0x2D0] =	vst v1;
	v1 =	vand.u32 $0x1FFFF, v39  }
0x119: {  	v43 =	vld [tilespmem:$0x140];
	[tilespmem:$0x2E0] =	vst v1;
	v1 =	vand.u32 $0x1FFFF, v40  }
0x11a: {  	[tilespmem:$0x2F0] =	vst v1;
	v1 =	vand.u32 $0x1FFFF, v2;
	v2 =	vld [tilespmem:$0x150]  }
0x11b: {  	[tilespmem:$0x300] =	vst v1;
	v1 =	vand.u32 $0x1FFFF, v3;
	v3 =	vld [tilespmem:$0x160]  }
0x11c: {  	v44 =	vld [tilespmem:$0x170];
	[tilespmem:$0x310] =	vst v1;
	v1 =	vand.u32 $0x1FFFF, v41  }
0x11d: {  	v45 =	vld [tilespmem:$0x180];
	[tilespmem:$0x320] =	vst v1;
	v1 =	vand.u32 $0x1FFFF, v42  }
0x11e: {  	v46 =	vld [tilespmem:$0x190];
	[tilespmem:$0x330] =	vst v1;
	v1 =	vand.u32 $0x1FFFF, v43  }
0x11f: {  	[tilespmem:$0x340] =	vst v1;
	v1 =	vand.u32 $0x1FFFF, v2;
	v2 =	vld [tilespmem:$0x1A0]  }
0x120: {  	[tilespmem:$0x350] =	vst v1;
	v1 =	vand.u32 $0x1FFFF, v3;
	v3 =	vld [tilespmem:$0x1B0]  }
0x121: {  	v47 =	vld [tilespmem:$0x1C0];
	[tilespmem:$0x360] =	vst v1;
	v1 =	vand.u32 $0x1FFFF, v44  }
0x122: {  	v48 =	vld [tilespmem:$0x1D0];
	[tilespmem:$0x370] =	vst v1;
	v1 =	vand.u32 $0x1FFFF, v45  }
0x123: {  	v49 =	vld [tilespmem:$0x1E0];
	[tilespmem:$0x380] =	vst v1;
	v1 =	vand.u32 $0x1FFFF, v46  }
0x124: {  	[tilespmem:$0x390] =	vst v1;
	v1 =	vand.u32 $0x1FFFF, v2;
	v2 =	vld [tilespmem:$0x1F0]  }
0x125: {  	[tilespmem:$0x3A0] =	vst v1;
	v1 =	vand.u32 $0x1FFFF, v3  }
0x126: {  	[tilespmem:$0x3B0] =	vst v1;
	v1 =	vand.u32 $0x1FFFF, v47  }
0x127: {  	[tilespmem:$0x3C0] =	vst v1;
	v1 =	vand.u32 $0x1FFFF, v48  }
0x128: {  	[tilespmem:$0x3D0] =	vst v1;
	v1 =	vand.u32 $0x1FFFF, v49  }
0x129: {  	[tilespmem:$0x3E0] =	vst v1;
	v1 =	vand.u32 $0x1FFFF, v2  }
0x12a: {  	[tilespmem:$0x3F0] =	vst v1  }
0x12b: {  	[tilespmem:s13], [sflag:$0x1] =	stream.indirect.gather [hbm4b:s4+s11], $0x80, s12, s11, $0xb8;
	[tilespmem:$0x14400] =	vst v63  }
0x12c: {  	_ = 	snop  }
0x12d: {  	[tilespmem:s15], [sflag:$0x1] =	stream.indirect.gather [hbm4b:s4+s11], $0x80, s14, s11, $0xb8;
	[tilespmem:$0x14400] =	vst v63  }
0x12e: {  	_ = 	snop  }
0x12f: {  	[tilespmem:s17], [sflag:$0x1] =	stream.indirect.gather [hbm4b:s4+s11], $0x80, s16, s11, $0xb8;
	[tilespmem:$0x14400] =	vst v63  }
0x130: {  	_ = 	snop  }
0x131: {  	[tilespmem:s19], [sflag:$0x1] =	stream.indirect.gather [hbm4b:s4+s11], $0x80, s18, s11, $0xb8;
	[tilespmem:$0x14400] =	vst v63  }
0x132: {  	_ =	swait.ge [sflag:s20], $0x4000  }
0x133: {  	[sflag:s20] =	ssyncset.done $0x0  }
0x134: {  	[sflag:s20] =	ssyncadd.s32 $0xFFFFC000  }
0x135: {  	_ =	swait.ge [sflag:s20], $0x4000  }
0x136: {  	[sflag:s20] =	ssyncset.done $0x0  }
0x137: {  	[sflag:s20] =	ssyncadd.s32 $0xFFFFC000  }
0x138: {  	_ =	swait.ge [sflag:s20], $0x4000  }
0x139: {  	[sflag:s20] =	ssyncset.done $0x0  }
0x13a: {  	[sflag:s20] =	ssyncadd.s32 $0xFFFFC000  }
0x13b: {  	_ =	swait.ge [sflag:s20], $0x4000  }
0x13c: {  	[sflag:s20] =	ssyncset.done $0x0  }
0x13d: {  	[sflag:s20] =	ssyncadd.s32 $0xFFFFC000  }
0x13e: {  	v1 =	vld [tilespmem:s25+$0x0];
	_ =	sdelay $0x3  }
0x13f: {  	v2 =	vmov s25  }
0x140: {  	v2 =	vshll.u32 v2, $0x7;
	v1 =	vshrl.u32 v1, $0xD  }
0x141: {  	v2 =	vor.u32 v0, v2;
	v3 =	vand.u32 $0x7FF80, v1  }
0x142: {  	v1 =	vand.u32 $0x70, v1;
	v2 =	vadd.s32 v2, v3  }
0x143: {  	v1 =	vor.u32 v1, v2;
	_ =	sdelay $0x4  }
0x144: {  	v2 =	vld.idx.msk [tilespmem:v1+s13+$0x0], $0xffff;
	_ =	sdelay $0x2  }
0x145: {  	v3 =	vor.u32 $0x1, v1  }
0x146: {  	s26 =	sand.u32 $0x70, s25;
	s28 =	sand.u32 $0xC00, s25  }
0x147: {  	s26 =	sor.u32 s26, s28;
	v50 =	vshll.u32 v2, $0x10  }
0x148: {  	v2 =	vand.u32 $0xFFFF0000, v2;
	[tilespmem:s26+$0x10400] =	vst v50  }
0x149: {  	[tilespmem:s26+$0x12400] =	vst v2  }
0x14a: {  	v2 =	vld.idx.msk [tilespmem:v3+s13+$0x0], $0xffff;
	_ =	sdelay $0x2  }
0x14b: {  	v3 =	vor.u32 $0x2, v1;
	_ =	sdelay $0x1  }
0x14c: {  	s28 =	sadd.s32 $0x10400, s26;
	v51 =	vshll.u32 v2, $0x10  }
0x14d: {  	v2 =	vand.u32 $0xFFFF0000, v2;
	[tilespmem:s28+$0x80] =	vst v51  }
0x14e: {  	[tilespmem:s26+$0x12480] =	vst v2  }
0x14f: {  	v2 =	vld.idx.msk [tilespmem:v3+s13+$0x0], $0xffff;
	_ =	sdelay $0x2  }
0x150: {  	v3 =	vor.u32 $0x3, v1;
	_ =	sdelay $0x1  }
0x151: {  	v52 =	vshll.u32 v2, $0x10  }
0x152: {  	v2 =	vand.u32 $0xFFFF0000, v2;
	[tilespmem:s28+$0x100] =	vst v52  }
0x153: {  	[tilespmem:s26+$0x12500] =	vst v2  }
0x154: {  	v2 =	vld.idx.msk [tilespmem:v3+s13+$0x0], $0xffff;
	_ =	sdelay $0x2  }
0x155: {  	v3 =	vor.u32 $0x4, v1;
	_ =	sdelay $0x1  }
0x156: {  	v53 =	vshll.u32 v2, $0x10  }
0x157: {  	v2 =	vand.u32 $0xFFFF0000, v2;
	[tilespmem:s28+$0x180] =	vst v53  }
0x158: {  	[tilespmem:s26+$0x12580] =	vst v2  }
0x159: {  	v2 =	vld.idx.msk [tilespmem:v3+s13+$0x0], $0xffff;
	_ =	sdelay $0x2  }
0x15a: {  	v3 =	vor.u32 $0x5, v1;
	_ =	sdelay $0x1  }
0x15b: {  	v54 =	vshll.u32 v2, $0x10  }
0x15c: {  	v2 =	vand.u32 $0xFFFF0000, v2;
	[tilespmem:s28+$0x200] =	vst v54  }
0x15d: {  	[tilespmem:s26+$0x12600] =	vst v2  }
0x15e: {  	v2 =	vld.idx.msk [tilespmem:v3+s13+$0x0], $0xffff;
	_ =	sdelay $0x2  }
0x15f: {  	v3 =	vor.u32 $0x6, v1;
	_ =	sdelay $0x1  }
0x160: {  	v55 =	vshll.u32 v2, $0x10  }
0x161: {  	v2 =	vand.u32 $0xFFFF0000, v2;
	[tilespmem:s28+$0x280] =	vst v55  }
0x162: {  	[tilespmem:s26+$0x12680] =	vst v2  }
0x163: {  	v2 =	vld.idx.msk [tilespmem:v3+s13+$0x0], $0xffff;
	_ =	sdelay $0x2  }
0x164: {  	v3 =	vor.u32 $0x7, v1;
	_ =	sdelay $0x1  }
0x165: {  	v56 =	vshll.u32 v2, $0x10  }
0x166: {  	v2 =	vand.u32 $0xFFFF0000, v2;
	[tilespmem:s28+$0x300] =	vst v56  }
0x167: {  	[tilespmem:s26+$0x12700] =	vst v2  }
0x168: {  	v2 =	vld.idx.msk [tilespmem:v3+s13+$0x0], $0xffff;
	_ =	sdelay $0x2  }
0x169: {  	v3 =	vor.u32 $0x8, v1  }
0x16a: {  	s28 =	sor.u32 s25, s25  }
0x16b: {  	s28 =	sor.u32 $0x380, s28;
	v57 =	vshll.u32 v2, $0x10  }
0x16c: {  	v2 =	vand.u32 $0xFFFF0000, v2;
	[tilespmem:s28+$0x10400] =	vst v57  }
0x16d: {  	[tilespmem:s26+$0x12780] =	vst v2  }
0x16e: {  	v2 =	vld.idx.msk [tilespmem:v3+s13+$0x0], $0xffff;
	_ =	sdelay $0x2  }
0x16f: {  	v3 =	vor.u32 $0x9, v1;
	_ =	sdelay $0x1  }
0x170: {  	v58 =	vshll.u32 v2, $0x10  }
0x171: {  	v2 =	vand.u32 $0xFFFF0000, v2;
	[tilespmem:s26+$0x11400] =	vst v58  }
0x172: {  	[tilespmem:s26+$0x13400] =	vst v2  }
0x173: {  	v2 =	vld.idx.msk [tilespmem:v3+s13+$0x0], $0xffff;
	_ =	sdelay $0x2  }
0x174: {  	v3 =	vor.u32 $0xA, v1;
	_ =	sdelay $0x1  }
0x175: {  	v59 =	vshll.u32 v2, $0x10  }
0x176: {  	v2 =	vand.u32 $0xFFFF0000, v2;
	[tilespmem:s26+$0x11480] =	vst v59  }
0x177: {  	[tilespmem:s26+$0x13480] =	vst v2  }
0x178: {  	v2 =	vld.idx.msk [tilespmem:v3+s13+$0x0], $0xffff;
	_ =	sdelay $0x2  }
0x179: {  	v3 =	vor.u32 $0xB, v1;
	_ =	sdelay $0x1  }
0x17a: {  	v60 =	vshll.u32 v2, $0x10  }
0x17b: {  	v2 =	vand.u32 $0xFFFF0000, v2;
	[tilespmem:s26+$0x11500] =	vst v60  }
0x17c: {  	[tilespmem:s26+$0x13500] =	vst v2  }
0x17d: {  	v2 =	vld.idx.msk [tilespmem:v3+s13+$0x0], $0xffff;
	_ =	sdelay $0x2  }
0x17e: {  	v3 =	vor.u32 $0xC, v1;
	_ =	sdelay $0x1  }
0x17f: {  	v61 =	vshll.u32 v2, $0x10  }
0x180: {  	v2 =	vand.u32 $0xFFFF0000, v2;
	[tilespmem:s26+$0x11580] =	vst v61  }
0x181: {  	[tilespmem:s26+$0x13580] =	vst v2  }
0x182: {  	v2 =	vld.idx.msk [tilespmem:v3+s13+$0x0], $0xffff;
	_ =	sdelay $0x2  }
0x183: {  	v3 =	vor.u32 $0xD, v1;
	_ =	sdelay $0x1  }
0x184: {  	v62 =	vshll.u32 v2, $0x10  }
0x185: {  	v2 =	vand.u32 $0xFFFF0000, v2;
	[tilespmem:s26+$0x11600] =	vst v62  }
0x186: {  	[tilespmem:s26+$0x13600] =	vst v2  }
0x187: {  	v2 =	vld.idx.msk [tilespmem:v3+s13+$0x0], $0xffff;
	_ =	sdelay $0x2  }
0x188: {  	v3 =	vor.u32 $0xE, v1;
	_ =	sdelay $0x1  }
0x189: {  	v63 =	vshll.u32 v2, $0x10  }
0x18a: {  	v2 =	vand.u32 $0xFFFF0000, v2;
	[tilespmem:s26+$0x11680] =	vst v63  }
0x18b: {  	[tilespmem:s26+$0x13680] =	vst v2  }
0x18c: {  	v2 =	vld.idx.msk [tilespmem:v3+s13+$0x0], $0xffff;
	_ =	sdelay $0x2  }
0x18d: {  	v1 =	vor.u32 $0xF, v1;
	_ =	sdelay $0x1  }
0x18e: {  	v3 =	vshll.u32 v2, $0x10  }
0x18f: {  	s29 =	simm.s32 $0x0;
	s28 =	simm.s32 $0x10;
	v2 =	vand.u32 $0xFFFF0000, v2;
	[tilespmem:s26+$0x11700] =	vst v3  }
.LBB2_4:
0x190: {  	p0 =	sne.s32 s28, $0x1F0;
	[tilespmem:s26+$0x13700] =	vst v2;
	s25 =	sadd.s32 $0x80, s25;
	s29 =	sadd.s32 $0x10, s29  }
0x191: {  	s30 =	smov.u32 s28;
	s28 =	sadd.s32 $0x10, s28;
	v1 =	vld.idx.msk [tilespmem:v1+s13+$0x0], $0xffff;
	_ =	sdelay $0x5  }
0x192: {  	v2 =	vshll.u32 v1, $0x10;
	v1 =	vand.u32 $0xFFFF0000, v1  }
0x193: {  	[tilespmem:s26+$0x11780] =	vst v2  }
0x194: {  	[tilespmem:s26+$0x13780] =	vst v1  }
0x195: {  	v1 =	vld [tilespmem:s29+$0x0];
	_ =	sdelay $0x3  }
0x196: {  	v2 =	vmov s30  }
0x197: {  	v2 =	vshll.u32 v2, $0x7;
	v1 =	vshrl.u32 v1, $0xD  }
0x198: {  	v2 =	vor.u32 v0, v2;
	v3 =	vand.u32 $0x7FF80, v1  }
0x199: {  	v1 =	vand.u32 $0x70, v1;
	v2 =	vadd.s32 v2, v3  }
0x19a: {  	v1 =	vor.u32 v1, v2;
	_ =	sdelay $0x4  }
0x19b: {  	v2 =	vld.idx.msk [tilespmem:v1+s13+$0x0], $0xffff;
	_ =	sdelay $0x2  }
0x19c: {  	v3 =	vor.u32 $0x1, v1;
	_ =	sdelay $0x1  }
0x19d: {  	s31 =	sand.u32 $0xC00, s25;
	s26 =	sand.u32 $0x70, s30  }
0x19e: {  	s26 =	sor.u32 s26, s31;
	v4 =	vshll.u32 v2, $0x10;
	v2 =	vand.u32 $0xFFFF0000, v2  }
0x19f: {  	[tilespmem:s26+$0x10400] =	vst v4  }
0x1a0: {  	[tilespmem:s26+$0x12400] =	vst v2  }
0x1a1: {  	v2 =	vld.idx.msk [tilespmem:v3+s13+$0x0], $0xffff;
	_ =	sdelay $0x2  }
0x1a2: {  	v3 =	vor.u32 $0x2, v1;
	_ =	sdelay $0x1  }
0x1a3: {  	s31 =	sadd.s32 $0x10400, s26  }
0x1a4: {  	v4 =	vshll.u32 v2, $0x10;
	v2 =	vand.u32 $0xFFFF0000, v2  }
0x1a5: {  	[tilespmem:s31+$0x80] =	vst v4  }
0x1a6: {  	[tilespmem:s26+$0x12480] =	vst v2  }
0x1a7: {  	v2 =	vld.idx.msk [tilespmem:v3+s13+$0x0], $0xffff;
	_ =	sdelay $0x2  }
0x1a8: {  	v3 =	vor.u32 $0x3, v1;
	_ =	sdelay $0x2  }
0x1a9: {  	v4 =	vshll.u32 v2, $0x10;
	v2 =	vand.u32 $0xFFFF0000, v2  }
0x1aa: {  	[tilespmem:s31+$0x100] =	vst v4  }
0x1ab: {  	[tilespmem:s26+$0x12500] =	vst v2  }
0x1ac: {  	v2 =	vld.idx.msk [tilespmem:v3+s13+$0x0], $0xffff;
	_ =	sdelay $0x2  }
0x1ad: {  	v3 =	vor.u32 $0x4, v1;
	_ =	sdelay $0x2  }
0x1ae: {  	v4 =	vshll.u32 v2, $0x10;
	v2 =	vand.u32 $0xFFFF0000, v2  }
0x1af: {  	[tilespmem:s31+$0x180] =	vst v4  }
0x1b0: {  	[tilespmem:s26+$0x12580] =	vst v2  }
0x1b1: {  	v2 =	vld.idx.msk [tilespmem:v3+s13+$0x0], $0xffff;
	_ =	sdelay $0x2  }
0x1b2: {  	v3 =	vor.u32 $0x5, v1;
	_ =	sdelay $0x2  }
0x1b3: {  	v4 =	vshll.u32 v2, $0x10;
	v2 =	vand.u32 $0xFFFF0000, v2  }
0x1b4: {  	[tilespmem:s31+$0x200] =	vst v4  }
0x1b5: {  	[tilespmem:s26+$0x12600] =	vst v2  }
0x1b6: {  	v2 =	vld.idx.msk [tilespmem:v3+s13+$0x0], $0xffff;
	_ =	sdelay $0x2  }
0x1b7: {  	v3 =	vor.u32 $0x6, v1;
	_ =	sdelay $0x2  }
0x1b8: {  	v4 =	vshll.u32 v2, $0x10;
	v2 =	vand.u32 $0xFFFF0000, v2  }
0x1b9: {  	[tilespmem:s31+$0x280] =	vst v4  }
0x1ba: {  	[tilespmem:s26+$0x12680] =	vst v2  }
0x1bb: {  	v2 =	vld.idx.msk [tilespmem:v3+s13+$0x0], $0xffff;
	_ =	sdelay $0x2  }
0x1bc: {  	v3 =	vor.u32 $0x7, v1;
	_ =	sdelay $0x2  }
0x1bd: {  	v4 =	vshll.u32 v2, $0x10;
	v2 =	vand.u32 $0xFFFF0000, v2  }
0x1be: {  	[tilespmem:s31+$0x300] =	vst v4  }
0x1bf: {  	[tilespmem:s26+$0x12700] =	vst v2  }
0x1c0: {  	v2 =	vld.idx.msk [tilespmem:v3+s13+$0x0], $0xffff;
	_ =	sdelay $0x2  }
0x1c1: {  	v3 =	vor.u32 $0x8, v1  }
0x1c2: {  	s30 =	sor.u32 s25, s30  }
0x1c3: {  	s30 =	sor.u32 $0x380, s30  }
0x1c4: {  	v4 =	vshll.u32 v2, $0x10;
	v2 =	vand.u32 $0xFFFF0000, v2  }
0x1c5: {  	[tilespmem:s30+$0x10400] =	vst v4  }
0x1c6: {  	[tilespmem:s26+$0x12780] =	vst v2  }
0x1c7: {  	v2 =	vld.idx.msk [tilespmem:v3+s13+$0x0], $0xffff;
	_ =	sdelay $0x1  }
0x1c8: {  	v3 =	vor.u32 $0x9, v1;
	_ =	sdelay $0x3  }
0x1c9: {  	v4 =	vshll.u32 v2, $0x10;
	v2 =	vand.u32 $0xFFFF0000, v2  }
0x1ca: {  	[tilespmem:s26+$0x11400] =	vst v4  }
0x1cb: {  	[tilespmem:s26+$0x13400] =	vst v2  }
0x1cc: {  	v2 =	vld.idx.msk [tilespmem:v3+s13+$0x0], $0xffff  }
0x1cd: {  	v3 =	vor.u32 $0xA, v1;
	_ =	sdelay $0x4  }
0x1ce: {  	v4 =	vshll.u32 v2, $0x10;
	v2 =	vand.u32 $0xFFFF0000, v2  }
0x1cf: {  	[tilespmem:s26+$0x11480] =	vst v4  }
0x1d0: {  	[tilespmem:s26+$0x13480] =	vst v2  }
0x1d1: {  	v2 =	vld.idx.msk [tilespmem:v3+s13+$0x0], $0xffff;
	v3 =	vor.u32 $0xB, v1;
	_ =	sdelay $0x5  }
0x1d2: {  	v4 =	vshll.u32 v2, $0x10;
	v2 =	vand.u32 $0xFFFF0000, v2  }
0x1d3: {  	[tilespmem:s26+$0x11500] =	vst v4  }
0x1d4: {  	[tilespmem:s26+$0x13500] =	vst v2;
	v2 =	vor.u32 $0xC, v1  }
0x1d5: {  	v3 =	vld.idx.msk [tilespmem:v3+s13+$0x0], $0xffff;
	_ =	sdelay $0x5  }
0x1d6: {  	v4 =	vshll.u32 v3, $0x10;
	v3 =	vand.u32 $0xFFFF0000, v3  }
0x1d7: {  	[tilespmem:s26+$0x11580] =	vst v4;
	v4 =	vor.u32 $0xD, v1  }
0x1d8: {  	[tilespmem:s26+$0x13580] =	vst v3  }
0x1d9: {  	v2 =	vld.idx.msk [tilespmem:v2+s13+$0x0], $0xffff;
	_ =	sdelay $0x5  }
0x1da: {  	v5 =	vor.u32 $0xE, v1;
	v3 =	vshll.u32 v2, $0x10;
	v2 =	vand.u32 $0xFFFF0000, v2  }
0x1db: {  	[tilespmem:s26+$0x11600] =	vst v3  }
0x1dc: {  	[tilespmem:s26+$0x13600] =	vst v2  }
0x1dd: {  	v2 =	vld.idx.msk [tilespmem:v4+s13+$0x0], $0xffff;
	_ =	sdelay $0x4  }
0x1de: {  	v1 =	vor.u32 $0xF, v1  }
0x1df: {  	v3 =	vshll.u32 v2, $0x10;
	v2 =	vand.u32 $0xFFFF0000, v2  }
0x1e0: {  	[tilespmem:s26+$0x11680] =	vst v3  }
0x1e1: {  	[tilespmem:s26+$0x13680] =	vst v2  }
0x1e2: {  	v2 =	vld.idx.msk [tilespmem:v5+s13+$0x0], $0xffff;
	_ =	sdelay $0x2  }
.Ltmp1:
0x1e3: {  	(pc) =	sbr.rel @p0 .LBB2_4-.Ltmp1, $3  }
0x1e4: {  	_ =	sdelay $0x1  }
0x1e5: {  	v3 =	vshll.u32 v2, $0x10;
	v2 =	vand.u32 $0xFFFF0000, v2  }
0x1e6: {  	[tilespmem:s26+$0x11700] =	vst v3  }
0x1e7: {  	_ =	sdelay $0x2  }
0x1e8: {  	[tilespmem:s26+$0x13700] =	vst v2  }
0x1e9: {  	v1 =	vld.idx.msk [tilespmem:v1+s13+$0x0], $0xffff;
	_ =	sdelay $0x4  }
0x1ea: {  	s24 =	sadd.s32 $0x1, s24;
	v2 =	vshll.u32 v1, $0x10  }
0x1eb: {  	p0 =	sne.s32 s24, s9;
	v1 =	vand.u32 $0xFFFF0000, v1;
	[tilespmem:s26+$0x11780] =	vst v2  }
.Ltmp2:
0x1ec: {  	[tilespmem:s26+$0x13780] =	vst v1;
	(pc) =	sbr.rel @p0 .LBB2_1-.Ltmp2, $4  }
0x1ed: {  	[hbm4b:s8+s21] =	stream.strided.scatter [tilespmem:s23], [sflag:$0x2], $0x4000, s22, s21, $0x38;
	[tilespmem:$0x14400] =	vst v63  }
0x1ee: {  	_ =	swait.ge [sflag:s10], $0x4000  }
0x1ef: {  	[sflag:s10] =	ssyncset.done $0x0  }
0x1f0: {  	[sflag:s10] =	ssyncadd.s32 $0xFFFFC000  }
0x1f1: {  	_ =	sfence.sel $0x180000  }
0x1f2: {  	[bflag:$0x0] =	sbarrier.arrive $0xFFFF  }
0x1f3: {  	p0 =	sne.s32 s1, $0x0;
	_ =	strace $0x90000047  }
0x1f4: {  	s0 =	sadd.s32 @!p0 $0x100000, s0;
	[bflag:$0x2] =	sbarrier.arrive $0xFFFF  }
0x1f5: {  	[sflag:s0] =	ssyncadd.tile.s32 @!p0 $0x1;
	_ =	shalt  }
.Lfunc_end2:
_tile_overlayer_lowered:
.L_overlay_start_2:
0x1f6: {  	(tag) =	ssettag $0x2  }
0x1f7: {  	s0 =	rddreg [dreg:$0x0];
	s2 =	stileid.u32  }
0x1f8: {  	s1 =	rddreg [dreg:$0x1];
	p0 =	sne.s32 s2, $0x0  }
0x1f9: {  	s3 =	rddreg [dreg:$0x2];
	[bflag:$0x3] =	sbarrier.arrive $0xFFFF;
	s2 =	simm.s32 @!p0 $0x1C02  }
0x1fa: {  	[timem:s3], [sflag:s2] =	dma.local @!p0 [hbm:s0], s1  }
0x1fb: {  	s0 =	simm.s32 @!p0 $0x2  }
0x1fc: {  	_ =	swait.ge @!p0 [sflag:s0], s1  }
0x1fd: {  	s1 =	ssub.s32 @!p0 $0x0, s1;
	[sflag:s0] =	ssyncset.done @!p0 $0x0  }
0x1fe: {  	[sflag:s0] =	ssyncadd.s32 @!p0 s1  }
0x1ff: {  	[bflag:$0x3] =	sbarrier.arrive $0xFFFF  }
0x200: {  	_ =	shalt  }

</sc_bundles>
